<compile_context>
chip_gen: v7x
topology: tpu7x:2x2x1
jax: 0.10.2.dev20260603
libtpu: 0.0.44.dev20260713+nightly
codegen_flags: <defaults>
</compile_context>

<pallas_src>
import math
from functools import partial

import jax
import jax.numpy as jnp
import numpy as np
from jax.experimental import pallas as pl
from jax.experimental.pallas import tpu as pltpu
from jax.experimental.pallas import tpu_sc as plsc

_LMAX = 2
_NCH = 16
_MSG = 8
_RDIM = 8
_DIM = 128
_CUTOFF = 5.0
_NCD = _MSG * _RDIM
_NM = (_LMAX + 1) ** 2
_L_OF_M = [l for l in range(_LMAX + 1) for _ in range(2 * l + 1)]

_WIN = 128
_G0W = 128
_G1W = 256
_EB = 1280
_NB = 1000
_GW = 128

_f32 = jnp.float32



def _cg_coef(l1, m1, l2, m2, l3, m3):
    if m1 + m2 != m3 or l3 < abs(l1 - l2) or l3 > l1 + l2:
        return 0.0
    f = math.factorial
    pref = ((2 * l3 + 1) * f(l3 + l1 - l2) * f(l3 - l1 + l2) * f(l1 + l2 - l3)
            / f(l1 + l2 + l3 + 1)) ** 0.5
    pref *= (f(l3 + m3) * f(l3 - m3) * f(l1 - m1) * f(l1 + m1) * f(l2 - m2)
             * f(l2 + m2)) ** 0.5
    s = 0.0
    for k in range(0, l1 + l2 - l3 + 1):
        d = [k, l1 + l2 - l3 - k, l1 - m1 - k, l2 + m2 - k, l3 - l2 + m1 + k,
             l3 - l1 - m2 + k]
        if min(d) < 0:
            continue
        den = 1.0
        for q in d:
            den *= f(q)
        s += (-1) ** k / den
    return pref * s


def _u_mat(l):
    U = np.zeros((2 * l + 1, 2 * l + 1), dtype=complex)
    for m in range(-l, l + 1):
        i = m + l
        if m == 0:
            U[i, l] = 1.0
        elif m > 0:
            U[i, l + m] = (-1) ** m / np.sqrt(2.0)
            U[i, l - m] = 1.0 / np.sqrt(2.0)
        else:
            mm = -m
            U[i, l - mm] = 1j / np.sqrt(2.0)
            U[i, l + mm] = -1j * ((-1) ** mm) / np.sqrt(2.0)
    return U


def _real_cg_block(l1, l2, l3):
    U1, U2, U3 = _u_mat(l1), _u_mat(l2), _u_mat(l3)
    C = np.zeros((2 * l1 + 1, 2 * l2 + 1, 2 * l3 + 1), dtype=complex)
    for a in range(2 * l1 + 1):
        for b in range(2 * l2 + 1):
            for c in range(2 * l3 + 1):
                s = 0.0 + 0.0j
                for m1 in range(-l1, l1 + 1):
                    for m2 in range(-l2, l2 + 1):
                        m3 = m1 + m2
                        if abs(m3) > l3:
                            continue
                        s += (np.conj(U1[a, m1 + l1]) * np.conj(U2[b, m2 + l2])
                              * U3[c, m3 + l3] * _cg_coef(l1, m1, l2, m2, l3, m3))
                C[a, b, c] = s
    return (C.real + C.imag).astype(np.float32)


def _build_cg_groups():
    paths = [(l1, l2, l3)
             for l1 in range(_LMAX + 1) for l2 in range(_LMAX + 1)
             for l3 in range(abs(l1 - l2), min(_LMAX, l1 + l2) + 1)]
    groups = {}
    for p, (l1, l2, l3) in enumerate(paths):
        blk = _real_cg_block(l1, l2, l3)
        for a in range(2 * l1 + 1):
            for b in range(2 * l2 + 1):
                for c in range(2 * l3 + 1):
                    v = float(blk[a, b, c])
                    if abs(v) < 1e-10:
                        continue
                    i, j, k = l1 * l1 + a, l2 * l2 + b, l3 * l3 + c
                    groups.setdefault((i, j), []).append((k, p, v))
    return sorted(groups.items()), len(paths)


_CG_GROUPS, _NPATHS = _build_cg_groups()
_NGRP = len(_CG_GROUPS)
_GX = _NGRP * _NCH


def _build_tp_tables():
    EV = np.zeros((_NM * _NCH, _GX), np.float32)
    EH = np.zeros((_NM * _NCH, _GX), np.float32)
    B = np.zeros((_NPATHS, _GX, _NM * _NCH), np.float32)
    for g, ((i, j), terms) in enumerate(_CG_GROUPS):
        for c in range(_NCH):
            EV[i * _NCH + c, g * _NCH + c] = 1.0
            EH[j * _NCH + c, g * _NCH + c] = 1.0
        for (k, p, v) in terms:
            for c in range(_NCH):
                B[p, g * _NCH + c, k * _NCH + c] += v
    return EV, EH, B


_EV_NP, _EH_NP, _B_NP = _build_tp_tables()
_LANE16 = np.tile(np.arange(_NCH), _NM)


def _rep_mats():
    repM = np.zeros((_MSG, _NCD * _NM), np.float32)
    repR = np.zeros((_RDIM, _NCD * _NM), np.float32)
    repY = np.zeros((_NM, _NCD * _NM), np.float32)
    for m in range(_NM):
        for c in range(_MSG):
            for r in range(_RDIM):
                col = m * _NCD + c * _RDIM + r
                repM[c, col] = 1.0
                repR[r, col] = 1.0
                repY[m, col] = 1.0
    return repM, repR, repY


_REPM_NP, _REPR_NP, _REPY_NP = _rep_mats()




def _geom_kernel(d_ref, sw_ref, x_ref, y_ref, z_ref, rb_ref, ysh_ref):
    d = d_ref[...]
    inv = 1.0 / d
    scale = np.float32(math.sqrt(2.0 / _CUTOFF)) * inv * sw_ref[...]
    t = d * np.float32(math.pi / _CUTOFF)
    s1 = jnp.sin(t)
    c2 = 2.0 * jnp.cos(t)
    sns = [s1, c2 * s1]
    for _ in range(_RDIM - 2):
        sns.append(c2 * sns[-1] - sns[-2])
    rb_ref[...] = jnp.concatenate([s * scale for s in sns], axis=1)
    x = x_ref[...] * inv
    y = y_ref[...] * inv
    z = z_ref[...] * inv
    c1 = np.float32(math.sqrt(3.0))
    cA = np.float32(math.sqrt(15.0))
    cB = np.float32(math.sqrt(5.0) / 2.0)
    ysh_ref[...] = jnp.concatenate([
        jnp.ones_like(x), c1 * y, c1 * z, c1 * x,
        cA * x * y, cA * y * z, cB * (3.0 * z * z - 1.0), cA * x * z,
        np.float32(0.5) * cA * (x * x - y * y)], axis=1)


def _mm(a, b):
    return jnp.dot(a, b, preferred_element_type=_f32)


_bf16 = jnp.bfloat16


def _mmb(a, b):
    return jnp.dot(a.astype(_bf16), b.astype(_bf16),
                   preferred_element_type=_f32)


def _accumulate_sorted(dens_ref, src_ref, contrib, nb):
    src = src_ref[...]
    lane = jax.lax.broadcasted_iota(jnp.int32, (nb, _WIN), 1)

    def cond(s):
        return s < nb

    def body(s):
        first = src_ref[pl.ds(s, 1), :][0, 0]
        w0 = (first // 8) * 8
        off = first - w0
        rel = src - w0
        S = ((rel == lane) & (lane >= off)).astype(_bf16)
        upd = jax.lax.dot_general(S, contrib.astype(_bf16),
                                  (((0,), (0,)), ((), ())),
                                  preferred_element_type=_f32)
        dens_ref[pl.ds(w0, _WIN), :] = dens_ref[pl.ds(w0, _WIN), :] + upd
        return jnp.sum((src < w0 + _WIN).astype(jnp.int32))

    jax.lax.while_loop(cond, body, jnp.int32(0))



def _seg0_kernel(src_ref, rb_ref, ysh_ref, g_ref, repM_ref, repR_ref,
                 repY_ref, dens_ref):
    @pl.when(pl.program_id(0) == 0)
    def _():
        dens_ref[...] = jnp.zeros(dens_ref.shape, _f32)

    nb = src_ref.shape[0]
    mi = g_ref[...][:, 0:_MSG]
    contrib = (_mmb(ysh_ref[...], repY_ref[...]) * _mmb(mi, repM_ref[...])
               * _mmb(rb_ref[...], repR_ref[...]))
    _accumulate_sorted(dens_ref, src_ref, contrib, nb)


def _seg1_kernel(src_ref, rb_ref, g_ref, wrho_bd_ref, repM_ref, repR_ref,
                 dens_ref):
    @pl.when(pl.program_id(0) == 0)
    def _():
        dens_ref[...] = jnp.zeros(dens_ref.shape, _f32)

    nb = src_ref.shape[0]
    g = g_ref[...]
    mi = g[:, 0:_MSG]
    Rfull = _mmb(g[:, _MSG:_MSG + _NCH * _NM], wrho_bd_ref[...])
    contrib = (_mmb(mi, repM_ref[...]) * _mmb(rb_ref[...], repR_ref[...])
               * Rfull)
    _accumulate_sorted(dens_ref, src_ref, contrib, nb)


def _node_pre_kernel(spec_ref, wspec_ref, bspec_ref, wmsg_ref, xi_ref, mi_ref):
    sp = spec_ref[...]
    nb = sp.shape[0]
    enc = (sp == jax.lax.broadcasted_iota(jnp.int32, (nb, 64), 1)).astype(_f32)
    xi = jnp.dot(enc, wspec_ref[...], preferred_element_type=_f32) + bspec_ref[...]
    xi_ref[...] = xi
    mi = jnp.dot(xi, wmsg_ref[...], preferred_element_type=_f32)
    mi_ref[...] = jnp.concatenate(
        [mi, jnp.zeros((nb, _G0W - _MSG), _f32)], axis=1)


def _node_layer(dens, xi, vi, wdma_bd, wdmb_bd, EV, EH, Ma, Mb,
                wla, bla, wlb, blb):
    Hia = _mmb(dens, wdma_bd)
    Lia = _mmb(_mmb(vi, EV) * _mmb(Hia, EH), Ma)
    vi = vi + Lia
    Hib = _mmb(dens, wdmb_bd)
    Lib = _mmb(_mmb(vi, EV) * _mmb(Hib, EH), Mb)
    vi = vi + Lib
    h = jnp.concatenate(
        [xi, dens[:, 0:_NCD], Lia[:, 0:_NCH], Lib[:, 0:_NCH]], axis=1)
    pre = _mm(h, wla) + bla
    act = pre * jax.nn.sigmoid(pre)
    return xi + _mm(act, wlb) + blb, vi


def _node_mid_kernel(dens_ref, xi_ref, wvibd_ref, wdma_ref, wdmb_ref,
                     ev_ref, eh_ref, ma_ref, mb_ref, wla_ref, bla_ref,
                     wlb_ref, blb_ref, wmsg_ref, xi1_ref, vi_ref, t1_ref):
    dens = dens_ref[...]
    vi0 = _mmb(dens, wvibd_ref[...])
    xi1, vi = _node_layer(
        dens, xi_ref[...], vi0, wdma_ref[...], wdmb_ref[...], ev_ref[...],
        eh_ref[...], ma_ref[...], mb_ref[...], wla_ref[...], bla_ref[...],
        wlb_ref[...], blb_ref[...])
    xi1_ref[...] = xi1
    vi_ref[...] = vi
    mi1 = _mm(xi1, wmsg_ref[...])
    pad = _G1W - _MSG - _NCH * _NM
    t1_ref[...] = jnp.concatenate(
        [mi1, vi, jnp.zeros((mi1.shape[0], pad), _f32)], axis=1)


def _node_fin_kernel(d0_ref, d1_ref, xi_ref, vi_ref, wdma_ref, wdmb_ref,
                     ev_ref, eh_ref, ma_ref, mb_ref, wla_ref, bla_ref,
                     wlb_ref, blb_ref, xiF_ref, viF_ref):
    dens = d0_ref[...] + d1_ref[...]
    xiF, vi = _node_layer(
        dens, xi_ref[...], vi_ref[...], wdma_ref[...], wdmb_ref[...],
        ev_ref[...], eh_ref[...], ma_ref[...], mb_ref[...], wla_ref[...],
        bla_ref[...], wlb_ref[...], blb_ref[...])
    xiF_ref[...] = xiF
    viF_ref[...] = vi



def _sc_gather(table, idx):
    n_idx = idx.shape[0]
    width = table.shape[1]
    idx2 = idx.reshape(1, n_idx)
    mesh = plsc.VectorSubcoreMesh(core_axis_name="c", subcore_axis_name="s")

    @partial(pl.kernel,
             out_type=jax.ShapeDtypeStruct((n_idx, width), table.dtype),
             mesh=mesh)
    def gk(tab_hbm, i_hbm, o_hbm):
        def body(i_vmem, o_vmem):
            pltpu.sync_copy(tab_hbm.at[i_vmem.at[0]], o_vmem)

        pltpu.emit_pipeline(
            body,
            grid=(n_idx // _GW,),
            in_specs=[pl.BlockSpec((1, _GW), lambda i: (0, i))],
            out_specs=[pl.BlockSpec((_GW, width), lambda i: (i, 0))],
            core_axis_name=("c", "s"),
            dimension_semantics=(pltpu.PARALLEL,),
        )(i_hbm, o_hbm)

    return gk(table, idx2)



def _tc_params(vmem_mb, parallel=False):
    sem = ("parallel",) if parallel else ("arbitrary",)
    return pltpu.CompilerParams(dimension_semantics=sem,
                                vmem_limit_bytes=vmem_mb * 1024 * 1024)


def kernel(species, edge_src, edge_dst, distances, vec, switch,
           W_spec, b_spec, W_msg0, b_msg0, W_msg1, b_msg1, W_vi, W_rho,
           W_dm00, W_dm01, W_dm10, W_dm11, W_tp00, W_tp01, W_tp10, W_tp11,
           W_lat0a, b_lat0a, W_lat0b, b_lat0b, W_lat1a, b_lat1a, W_lat1b,
           b_lat1b):
    N = species.shape[0]
    E = edge_src.shape[0]
    n_pad = ((N + _WIN + 7) // 8) * 8
    e_pad = ((E + _EB - 1) // _EB) * _EB
    nb = _NB if N % _NB == 0 else N
    n_grid = N // nb

    src2 = edge_src.astype(jnp.int32).reshape(E, 1)
    dst1 = edge_dst.astype(jnp.int32)
    d2 = distances.astype(_f32).reshape(E, 1)
    vec2 = vec.astype(_f32)
    sw2 = switch.astype(_f32).reshape(E, 1)
    if e_pad != E:
        p = e_pad - E
        src2 = jnp.concatenate([src2, jnp.full((p, 1), N, jnp.int32)])
        dst1 = jnp.concatenate([dst1, jnp.zeros((p,), jnp.int32)])
        d2 = jnp.concatenate([d2, jnp.ones((p, 1), _f32)])
        vec2 = jnp.concatenate([vec2, jnp.ones((p, 3), _f32)])
        sw2 = jnp.concatenate([sw2, jnp.zeros((p, 1), _f32)])

    lom = np.asarray(_L_OF_M)
    wspec_p = jnp.concatenate(
        [W_spec, jnp.zeros((64 - W_spec.shape[0], _DIM), _f32)], axis=0)
    bspec2 = b_spec.reshape(1, _DIM)
    wviT = jnp.transpose(W_vi[lom], (0, 2, 1))
    wrhoT = jnp.transpose(W_rho[lom], (0, 2, 1))
    bd = jax.scipy.linalg.block_diag
    wvi_bd = bd(*[wviT[m] for m in range(_NM)])
    wrho_bd = bd(*[wrhoT[m] for m in range(_NM)])
    wdm00_bd = bd(*([W_dm00.T] * _NM))
    wdm01_bd = bd(*([W_dm01.T] * _NM))
    wdm10_bd = bd(*([W_dm10.T] * _NM))
    wdm11_bd = bd(*([W_dm11.T] * _NM))
    Bt = jnp.asarray(_B_NP)
    Ma0 = jnp.einsum('pgk,pk->gk', Bt, W_tp00[:, _LANE16])
    Mb0 = jnp.einsum('pgk,pk->gk', Bt, W_tp01[:, _LANE16])
    Ma1 = jnp.einsum('pgk,pk->gk', Bt, W_tp10[:, _LANE16])
    Mb1 = jnp.einsum('pgk,pk->gk', Bt, W_tp11[:, _LANE16])
    EV, EH = jnp.asarray(_EV_NP), jnp.asarray(_EH_NP)
    repM, repR, repY = (jnp.asarray(_REPM_NP), jnp.asarray(_REPR_NP),
                        jnp.asarray(_REPY_NP))
    bl0a, bl0b = b_lat0a.reshape(1, -1), b_lat0b.reshape(1, -1)
    bl1a, bl1b = b_lat1a.reshape(1, -1), b_lat1b.reshape(1, -1)

    ebs = lambda w: pl.BlockSpec((_EB, w), lambda i: (i, 0))
    nbs = lambda w: pl.BlockSpec((nb, w), lambda i: (i, 0))
    full = lambda *s: pl.BlockSpec(s, lambda i: tuple(0 for _ in s))
    dspec = pl.BlockSpec((n_pad, _NCD * _NM), lambda i: (0, 0))

    rows = e_pad // 128
    rb_pk, ysh_pk = pl.pallas_call(
        _geom_kernel,
        grid=(1,),
        in_specs=[full(rows, 128)] * 5,
        out_specs=[full(rows, _RDIM * 128), full(rows, _NM * 128)],
        out_shape=[jax.ShapeDtypeStruct((rows, _RDIM * 128), _f32),
                   jax.ShapeDtypeStruct((rows, _NM * 128), _f32)],
        compiler_params=_tc_params(40, parallel=True),
    )(d2.reshape(rows, 128), sw2.reshape(rows, 128),
      vec2[:, 0].reshape(rows, 128), vec2[:, 1].reshape(rows, 128),
      vec2[:, 2].reshape(rows, 128))
    rb_e = (rb_pk.reshape(rows, _RDIM, 128).transpose(0, 2, 1)
            .reshape(e_pad, _RDIM))
    ysh_e = (ysh_pk.reshape(rows, _NM, 128).transpose(0, 2, 1)
             .reshape(e_pad, _NM))

    xi0, mi0p = pl.pallas_call(
        _node_pre_kernel,
        grid=(n_grid,),
        in_specs=[nbs(1), full(64, _DIM), full(1, _DIM), full(_DIM, _MSG)],
        out_specs=[nbs(_DIM), nbs(_G0W)],
        out_shape=[jax.ShapeDtypeStruct((N, _DIM), _f32),
                   jax.ShapeDtypeStruct((N, _G0W), _f32)],
        compiler_params=_tc_params(64, parallel=True),
    )(species.astype(jnp.int32).reshape(N, 1), wspec_p, bspec2, W_msg0)

    g0 = _sc_gather(mi0p, dst1)

    dens0 = pl.pallas_call(
        _seg0_kernel,
        grid=(e_pad // _EB,),
        in_specs=[ebs(1), ebs(_RDIM), ebs(_NM), ebs(_G0W),
                  full(_MSG, _NCD * _NM), full(_RDIM, _NCD * _NM),
                  full(_NM, _NCD * _NM)],
        out_specs=dspec,
        out_shape=jax.ShapeDtypeStruct((n_pad, _NCD * _NM), _f32),
        compiler_params=_tc_params(56),
    )(src2, rb_e, ysh_e, g0, repM, repR, repY)

    xi1, vi1, t1 = pl.pallas_call(
        _node_mid_kernel,
        grid=(n_grid,),
        in_specs=[nbs(_NCD * _NM), nbs(_DIM),
                  full(_NCD * _NM, _NCH * _NM), full(_NCD * _NM, _NCH * _NM),
                  full(_NCD * _NM, _NCH * _NM),
                  full(_NCH * _NM, _GX), full(_NCH * _NM, _GX),
                  full(_GX, _NCH * _NM), full(_GX, _NCH * _NM),
                  full(_DIM + _NCD + 2 * _NCH, _DIM), full(1, _DIM),
                  full(_DIM, _DIM), full(1, _DIM), full(_DIM, _MSG)],
        out_specs=[nbs(_DIM), nbs(_NCH * _NM), nbs(_G1W)],
        out_shape=[jax.ShapeDtypeStruct((N, _DIM), _f32),
                   jax.ShapeDtypeStruct((N, _NCH * _NM), _f32),
                   jax.ShapeDtypeStruct((N, _G1W), _f32)],
        compiler_params=_tc_params(64, parallel=True),
    )(dens0, xi0, wvi_bd, wdm00_bd, wdm01_bd, EV, EH, Ma0, Mb0,
      W_lat0a, bl0a, W_lat0b, bl0b, W_msg1)

    g1 = _sc_gather(t1, dst1)

    dens1 = pl.pallas_call(
        _seg1_kernel,
        grid=(e_pad // _EB,),
        in_specs=[ebs(1), ebs(_RDIM), ebs(_G1W),
                  full(_NCH * _NM, _NCD * _NM), full(_MSG, _NCD * _NM),
                  full(_RDIM, _NCD * _NM)],
        out_specs=dspec,
        out_shape=jax.ShapeDtypeStruct((n_pad, _NCD * _NM), _f32),
        compiler_params=_tc_params(56),
    )(src2, rb_e, g1, wrho_bd, repM, repR)

    xiF, viF = pl.pallas_call(
        _node_fin_kernel,
        grid=(n_grid,),
        in_specs=[nbs(_NCD * _NM), nbs(_NCD * _NM), nbs(_DIM),
                  nbs(_NCH * _NM),
                  full(_NCD * _NM, _NCH * _NM), full(_NCD * _NM, _NCH * _NM),
                  full(_NCH * _NM, _GX), full(_NCH * _NM, _GX),
                  full(_GX, _NCH * _NM), full(_GX, _NCH * _NM),
                  full(_DIM + _NCD + 2 * _NCH, _DIM), full(1, _DIM),
                  full(_DIM, _DIM), full(1, _DIM)],
        out_specs=[nbs(_DIM), nbs(_NCH * _NM)],
        out_shape=[jax.ShapeDtypeStruct((N, _DIM), _f32),
                   jax.ShapeDtypeStruct((N, _NCH * _NM), _f32)],
        compiler_params=_tc_params(64, parallel=True),
    )(dens0, dens1, xi1, vi1, wdm10_bd, wdm11_bd, EV, EH, Ma1, Mb1,
      W_lat1a, bl1a, W_lat1b, bl1b)

    Vi_out = viF.reshape(N, _NM, _NCH).transpose(0, 2, 1)
    return xiF, Vi_out

# --- scband reference (transcript-rebuilt; emitter-appended) ---
"""Pipeline reference for scband-mini-mace-embedding-57750130262464 (READ-ONLY COPY).

The authoritative reference and input builder live on the scoring server;
editing this copy changes nothing except your own understanding.
"""

import jax, jax.numpy as jnp
import numpy as np
from math import factorial

LMAX = 2
NCH = 16
MSG = 8
RDIM = 8
DIM = 128
CUTOFF = 5.0
ZMAX = 50
NCD = MSG * RDIM
N_NODES = 10000
N_EDGES = 160000
L_OF_M = jnp.asarray(np.array([l for l in range(LMAX + 1) for _ in range(2 * l + 1)], dtype=np.int32))


def _cgc(l1, m1, l2, m2, l3, m3):
    if m1 + m2 != m3 or l3 < abs(l1 - l2) or l3 > l1 + l2:
        return 0.0
    f = factorial
    pref = ((2 * l3 + 1) * f(l3 + l1 - l2) * f(l3 - l1 + l2) * f(l1 + l2 - l3) / f(l1 + l2 + l3 + 1)) ** 0.5
    pref *= (f(l3 + m3) * f(l3 - m3) * f(l1 - m1) * f(l1 + m1) * f(l2 - m2) * f(l2 + m2)) ** 0.5
    s = 0.0
    for k in range(0, l1 + l2 - l3 + 1):
        d = [k, l1 + l2 - l3 - k, l1 - m1 - k, l2 + m2 - k, l3 - l2 + m1 + k, l3 - l1 - m2 + k]
        if min(d) < 0:
            continue
        den = 1.0
        for q in d:
            den *= f(q)
        s += (-1) ** k / den
    return pref * s


def _u(l):
    U = np.zeros((2 * l + 1, 2 * l + 1), dtype=complex)
    for m in range(-l, l + 1):
        i = m + l
        if m == 0:
            U[i, l] = 1.0
        elif m > 0:
            U[i, l + m] = (-1) ** m / np.sqrt(2.0)
            U[i, l - m] = 1.0 / np.sqrt(2.0)
        else:
            mm = -m
            U[i, l - mm] = 1j / np.sqrt(2.0)
            U[i, l + mm] = -1j * ((-1) ** mm) / np.sqrt(2.0)
    return U


def _real_cg(l1, l2, l3):
    U1, U2, U3 = _u(l1), _u(l2), _u(l3)
    C = np.zeros((2 * l1 + 1, 2 * l2 + 1, 2 * l3 + 1), dtype=complex)
    for a in range(2 * l1 + 1):
        for b in range(2 * l2 + 1):
            for c in range(2 * l3 + 1):
                s = 0.0 + 0.0j
                for m1 in range(-l1, l1 + 1):
                    for m2 in range(-l2, l2 + 1):
                        m3 = m1 + m2
                        if abs(m3) > l3:
                            continue
                        s += np.conj(U1[a, m1 + l1]) * np.conj(U2[b, m2 + l2]) * U3[c, m3 + l3] * _cgc(l1, m1, l2, m2, l3, m3)
                C[a, b, c] = s
    return (C.real + C.imag).astype(np.float32)


def tp_paths(lmax):
    return [(l1, l2, l3) for l1 in range(lmax + 1) for l2 in range(lmax + 1) for l3 in range(abs(l1 - l2), min(lmax, l1 + l2) + 1)]


def build_cg_stack(lmax):
    dim = (lmax + 1) ** 2
    paths = tp_paths(lmax)
    CG = np.zeros((len(paths), dim, dim, dim), dtype=np.float32)
    for p, (l1, l2, l3) in enumerate(paths):
        c = _real_cg(l1, l2, l3)
        CG[p, l1 * l1:l1 * l1 + 2 * l1 + 1, l2 * l2:l2 * l2 + 2 * l2 + 1, l3 * l3:l3 * l3 + 2 * l3 + 1] = c
    return jnp.asarray(CG)


CG_STACK = build_cg_stack(LMAX)
NPATHS = int(CG_STACK.shape[0])


def spherical_harmonics(u):
    x, y, z = u[:, 0], u[:, 1], u[:, 2]
    c1 = np.sqrt(3.0)
    c2 = np.sqrt(15.0)
    c3 = np.sqrt(5.0) / 2.0
    return jnp.stack([jnp.ones_like(x), c1 * y, c1 * z, c1 * x, c2 * x * y, c2 * y * z, c3 * (3.0 * z * z - 1.0), c2 * x * z, 0.5 * c2 * (x * x - y * y)], axis=-1)


def radial_basis(d):
    n = jnp.arange(1, RDIM + 1, dtype=jnp.float32)
    return jnp.sqrt(2.0 / CUTOFF) * jnp.sin(n[None, :] * jnp.pi * d[:, None] / CUTOFF) / d[:, None]


def mini_mace_forward(species, edge_src, edge_dst, distances, vec, switch, params):
    N = species.shape[0]
    rb = radial_basis(distances) * switch[:, None]
    Yij = spherical_harmonics(vec / distances[:, None])[:, None, :]
    enc = jax.nn.one_hot(species, ZMAX, dtype=jnp.float32)
    xi = enc @ params['W_spec'] + params['b_spec']
    density = None
    Vi = None
    for layer in range(2):
        mi = xi @ params['W_msg' + str(layer)] + params['b_msg' + str(layer)]
        xij = (mi[edge_dst][:, :, None] * rb[:, None, :]).reshape(-1, NCD)
        if layer == 0:
            rhoij = xij[:, :, None] * Yij
            density = jax.ops.segment_sum(rhoij, edge_src, N)
            Vi = jnp.einsum('moi,nim->nom', params['W_vi'][L_OF_M], density)
        else:
            rhoi = jnp.einsum('moi,nim->nom', params['W_rho'][L_OF_M], Vi)
            rhoij = xij[:, :, None] * rhoi[edge_dst]
            density = density + jax.ops.segment_sum(rhoij, edge_src, N)
        scals = [density[:, :, 0]]
        for i in range(2):
            Hi = jnp.einsum('oi,nim->nom', params['W_dm' + str(layer) + str(i)], density)
            Li = jnp.einsum('pijk,nci,ncj,pc->nck', CG_STACK, Vi, Hi, params['W_tp' + str(layer) + str(i)])
            scals.append(Li[:, :, 0])
            Vi = Vi + Li
        h = jnp.concatenate([xi] + scals, axis=-1)
        dxi = jax.nn.silu(h @ params['W_lat' + str(layer) + 'a'] + params['b_lat' + str(layer) + 'a']) @ params['W_lat' + str(layer) + 'b'] + params['b_lat' + str(layer) + 'b']
        xi = xi + dxi
    return xi, Vi


def setup_inputs(seed: int = 0):
    key = jax.random.key(seed)
    ks = jax.random.split(key, 32)
    N, E = N_NODES, N_EDGES
    species = jax.random.randint(ks[0], (N,), 1, ZMAX)
    edge_src = jnp.sort(jax.random.randint(ks[1], (E,), 0, N))
    edge_dst = jax.random.randint(ks[2], (E,), 0, N)
    distances = jax.random.uniform(ks[3], (E,), minval=0.5, maxval=CUTOFF - 0.1, dtype=jnp.float32)
    d0 = jax.random.normal(ks[4], (E, 3), dtype=jnp.float32)
    d0 = d0 / jnp.linalg.norm(d0, axis=-1, keepdims=True)
    vec = d0 * distances[:, None]
    switch = jax.random.uniform(ks[5], (E,), dtype=jnp.float32)

    def w(k, shape, fan_in):
        return jax.random.normal(k, shape, dtype=jnp.float32) / np.sqrt(float(fan_in))

    H = DIM + NCD + 2 * NCH
    inp = {
        'species': species, 'edge_src': edge_src, 'edge_dst': edge_dst,
        'distances': distances, 'vec': vec, 'switch': switch,
        'W_spec': w(ks[6], (ZMAX, DIM), ZMAX), 'b_spec': jnp.zeros((DIM,), jnp.float32),
        'W_msg0': w(ks[7], (DIM, MSG), DIM), 'b_msg0': jnp.zeros((MSG,), jnp.float32),
        'W_msg1': w(ks[8], (DIM, MSG), DIM), 'b_msg1': jnp.zeros((MSG,), jnp.float32),
        'W_vi': w(ks[9], (LMAX + 1, NCH, NCD), NCD),
        'W_rho': w(ks[10], (LMAX + 1, NCD, NCH), NCH),
        'W_dm00': w(ks[11], (NCH, NCD), NCD), 'W_dm01': w(ks[12], (NCH, NCD), NCD),
        'W_dm10': w(ks[13], (NCH, NCD), NCD), 'W_dm11': w(ks[14], (NCH, NCD), NCD),
        'W_tp00': w(ks[15], (NPATHS, NCH), NPATHS), 'W_tp01': w(ks[16], (NPATHS, NCH), NPATHS),
        'W_tp10': w(ks[17], (NPATHS, NCH), NPATHS), 'W_tp11': w(ks[18], (NPATHS, NCH), NPATHS),
        'W_lat0a': w(ks[19], (H, DIM), H), 'b_lat0a': jnp.zeros((DIM,), jnp.float32),
        'W_lat0b': w(ks[20], (DIM, DIM), DIM), 'b_lat0b': jnp.zeros((DIM,), jnp.float32),
        'W_lat1a': w(ks[21], (H, DIM), H), 'b_lat1a': jnp.zeros((DIM,), jnp.float32),
        'W_lat1b': w(ks[22], (DIM, DIM), DIM), 'b_lat1b': jnp.zeros((DIM,), jnp.float32),
    }
    return inp


def reference(species, edge_src, edge_dst, distances, vec, switch, W_spec, b_spec, W_msg0, b_msg0, W_msg1, b_msg1, W_vi, W_rho, W_dm00, W_dm01, W_dm10, W_dm11, W_tp00, W_tp01, W_tp10, W_tp11, W_lat0a, b_lat0a, W_lat0b, b_lat0b, W_lat1a, b_lat1a, W_lat1b, b_lat1b):
    params = {'W_spec': W_spec, 'b_spec': b_spec, 'W_msg0': W_msg0, 'b_msg0': b_msg0, 'W_msg1': W_msg1, 'b_msg1': b_msg1, 'W_vi': W_vi, 'W_rho': W_rho, 'W_dm00': W_dm00, 'W_dm01': W_dm01, 'W_dm10': W_dm10, 'W_dm11': W_dm11, 'W_tp00': W_tp00, 'W_tp01': W_tp01, 'W_tp10': W_tp10, 'W_tp11': W_tp11, 'W_lat0a': W_lat0a, 'b_lat0a': b_lat0a, 'W_lat0b': W_lat0b, 'b_lat0b': b_lat0b, 'W_lat1a': W_lat1a, 'b_lat1a': b_lat1a, 'W_lat1b': W_lat1b, 'b_lat1b': b_lat1b}
    return mini_mace_forward(species, edge_src, edge_dst, distances, vec, switch, params)

if __name__ == "__main__":
    import jax
    _d = setup_inputs()
    print(jax.jit(kernel)(*tuple(_d.values())))

</pallas_src>

<mosaic_0001>
#map = affine_map<(d0, d1) -> (0, 0)>
module attributes {stable_mosaic.version = 14 : i64} {
  func.func @gk(%arg0: i32, %arg1: i32, %arg2: memref<10000x128xf32, #tpu.memory_space<hbm>>, %arg3: memref<1x160000xi32, #tpu.memory_space<hbm>>, %arg4: memref<160000x128xf32, #tpu.memory_space<hbm>>) attributes {dimension_semantics = [#tpu.dimension_semantics<core_parallel>, #tpu.dimension_semantics<subcore_parallel>], iteration_bounds = array<i64: 2, 16>, scalar_prefetch = 0 : i64, scratch_operands = 0 : i64, tpu.core_type = #tpu.core_type<sc_vector_subcore>, window_params = [{transform_indices = #map}, {transform_indices = #map}, {transform_indices = #map}]} {
    %mul3A = arith.constant 1 : i32
    %mul3A_0 = arith.muli %arg1, %mul3A : i32
    %add3A = arith.constant 0 : i32
    %add3A_1 = arith.addi %add3A, %mul3A_0 : i32
    %mul3A_2 = arith.constant 16 : i32
    %mul3A_3 = arith.muli %arg0, %mul3A_2 : i32
    %add3A_4 = arith.addi %add3A_1, %mul3A_3 : i32
    %lt3A = arith.constant 2 : i32
    %lt3A_5 = arith.cmpi slt, %add3A_4, %lt3A : i32
    %jit3A = arith.constant 40 : i32
    %jit3A_6 = arith.constant 39 : i32
    %select_n3A = arith.select %lt3A_5, %jit3A, %jit3A_6 : i32
    %lt3A_7 = arith.constant 2 : i32
    %lt3A_8 = arith.cmpi slt, %add3A_4, %lt3A_7 : i32
    %mul3A_9 = arith.muli %add3A_4, %select_n3A : i32
    %mul3A_10 = arith.constant 39 : i32
    %mul3A_11 = arith.muli %add3A_4, %mul3A_10 : i32
    %add3A_12 = arith.constant 2 : i32
    %add3A_13 = arith.addi %mul3A_11, %add3A_12 : i32
    %select_n3A_14 = arith.select %lt3A_8, %mul3A_9, %add3A_13 : i32
    %mul3A_15 = arith.constant 1 : i32
    %mul3A_16 = arith.muli %mul3A_15, %select_n3A : i32
    "tpu.region"() ({
      %run_scoped3A = memref.alloca() : memref<2x1x128xi32, #tpu.memory_space<vmem>>
      %run_scoped3A_17 = tpu.sem_alloc : memref<2x!tpu.dma_semaphore, #tpu.memory_space<semaphore_mem>>
      %run_scoped3A_18 = memref.alloca() : memref<2x128x128xf32, #tpu.memory_space<vmem>>
      %run_scoped3A_19 = tpu.sem_alloc : memref<2x!tpu.dma_semaphore, #tpu.memory_space<semaphore_mem>>
      %gt3A = arith.constant 0 : i32
      %gt3A_20 = arith.cmpi sgt, %mul3A_16, %gt3A : i32
      %convert_element_type3A = arith.extui %gt3A_20 : i1 to i32
      %cond3A = arith.constant 0 : i32
      %cond3A_21 = arith.cmpi ne, %convert_element_type3A, %cond3A : i32
      scf.if %cond3A_21 {
        %mul3A_22 = arith.constant 1 : i32
        %mul3A_23 = arith.muli %mul3A_22, %select_n3A : i32
        %sub3A = arith.constant 1 : i32
        %sub3A_24 = arith.subi %mul3A_23, %sub3A : i32
        %eq3A = arith.constant 0 : i32
        %eq3A_25 = arith.cmpi eq, %sub3A_24, %eq3A : i32
        %add3A_26 = arith.constant 0 : i32
        %add3A_27 = arith.addi %add3A_26, %select_n3A_14 : i32
        %select_n3A_28 = arith.constant true
        %select_n3A_29 = arith.constant 0 : i32
        %select_n3A_30 = arith.constant -1 : i32
        %select_n3A_31 = arith.select %select_n3A_28, %select_n3A_30, %select_n3A_29 : i32
        %eq3A_32 = arith.constant -1 : i32
        %eq3A_33 = arith.cmpi eq, %select_n3A_31, %eq3A_32 : i32
        %sub3A_34 = arith.constant 1 : i32
        %sub3A_35 = arith.subi %select_n3A, %sub3A_34 : i32
        %select_n3A_36 = arith.select %eq3A_33, %sub3A_35, %select_n3A_31 : i32
        %add3A_37 = arith.addi %select_n3A_36, %select_n3A_14 : i32
        %select_n3A_38 = arith.constant true
        %select_n3A_39 = arith.constant 0 : i32
        %select_n3A_40 = arith.constant 1 : i32
        %select_n3A_41 = arith.select %select_n3A_38, %select_n3A_40, %select_n3A_39 : i32
        %eq3A_42 = arith.cmpi eq, %select_n3A_41, %select_n3A : i32
        %select_n3A_43 = arith.constant 0 : i32
        %select_n3A_44 = arith.select %eq3A_42, %select_n3A_43, %select_n3A_41 : i32
        %add3A_45 = arith.addi %select_n3A_44, %select_n3A_14 : i32
        %add3A_46 = arith.constant 1 : i32
        %add3A_47 = arith.addi %select_n3A_44, %add3A_46 : i32
        %select_n3A_48 = arith.constant true
        %select_n3A_49 = arith.select %select_n3A_48, %add3A_47, %select_n3A_44 : i32
        %eq3A_50 = arith.cmpi eq, %select_n3A_49, %select_n3A : i32
        %select_n3A_51 = arith.constant 0 : i32
        %select_n3A_52 = arith.select %eq3A_50, %select_n3A_51, %select_n3A_49 : i32
        %add3A_53 = arith.addi %select_n3A_52, %select_n3A_14 : i32
        "tpu.trace_start"() <{level = 10 : i32, message = "ep_initialize_0"}> : () -> ()
        %rem3A = arith.constant 0 : i32
        %rem3A_54 = arith.constant 2 : i32
        %rem3A_55 = arith.remui %rem3A, %rem3A_54 : i32
        %mul3A_56 = arith.constant 128 : i32
        %mul3A_57 = arith.muli %mul3A_56, %add3A_27 : i32
        %dma_start3A = arith.constant 0 : i32
        %dma_start3A_58 = arith.constant 0 : i32
        %dma_start3A_59 = tpu.memref_slice %run_scoped3A[%rem3A_55, %dma_start3A, %dma_start3A_58] : memref<2x1x128xi32, #tpu.memory_space<vmem>> -> memref<1x1x128xi32, #tpu.memory_space<vmem>>
        %dma_start3A_60 = tpu.memref_squeeze %dma_start3A_59 : memref<1x1x128xi32, #tpu.memory_space<vmem>> -> memref<1x128xi32, #tpu.memory_space<vmem>>
        %dma_start3A_61 = arith.constant 0 : i32
        %dma_start3A_62 = tpu.memref_slice %arg3[%dma_start3A_61, %mul3A_57] : memref<1x160000xi32, #tpu.memory_space<hbm>> -> memref<1x128xi32, #tpu.memory_space<hbm>>
        %dma_start3A_63 = tpu.memref_slice %run_scoped3A_17[%rem3A_55] : memref<2x!tpu.dma_semaphore, #tpu.memory_space<semaphore_mem>> -> memref<1x!tpu.dma_semaphore, #tpu.memory_space<semaphore_mem>>
        %dma_start3A_64 = tpu.memref_squeeze %dma_start3A_63 : memref<1x!tpu.dma_semaphore, #tpu.memory_space<semaphore_mem>> -> memref<!tpu.dma_semaphore, #tpu.memory_space<semaphore_mem>>
        %dma_start3A_65 = arith.constant 0 : i32
        %dma_start3A_66 = arith.constant 0 : i32
        %dma_start3A_67 = tpu.memref_slice %run_scoped3A[%rem3A_55, %dma_start3A_65, %dma_start3A_66] : memref<2x1x128xi32, #tpu.memory_space<vmem>> -> memref<1x1x128xi32, #tpu.memory_space<vmem>>
        %dma_start3A_68 = tpu.memref_squeeze %dma_start3A_67 : memref<1x1x128xi32, #tpu.memory_space<vmem>> -> memref<1x128xi32, #tpu.memory_space<vmem>>
        %dma_start3A_69 = arith.constant 0 : i32
        %dma_start3A_70 = tpu.memref_slice %arg3[%dma_start3A_69, %mul3A_57] : memref<1x160000xi32, #tpu.memory_space<hbm>> -> memref<1x128xi32, #tpu.memory_space<hbm>>
        tpu.enqueue_dma source(%dma_start3A_70 : memref<1x128xi32, #tpu.memory_space<hbm>>) target(%dma_start3A_68 : memref<1x128xi32, #tpu.memory_space<vmem>>) target_semaphore(%dma_start3A_64 : memref<!tpu.dma_semaphore, #tpu.memory_space<semaphore_mem>>)
        %add3A_71 = arith.constant 0 : i32
        %add3A_72 = arith.constant 1 : i32
        %add3A_73 = arith.addi %add3A_71, %add3A_72 : i32
        %select_n3A_74 = arith.constant true
        %select_n3A_75 = arith.constant 0 : i32
        %select_n3A_76 = arith.select %select_n3A_74, %add3A_73, %select_n3A_75 : i32
        %while3A = arith.constant 0 : i32
        %while3A_77 = arith.constant 0 : i32
        %while3A_78 = arith.constant 0 : i32
        %while3A_79 = arith.constant 0 : i32
        %while3A_80 = arith.constant 0 : i32
        "tpu.trace_stop"() : () -> ()
        %while3A_81 = arith.subi %mul3A_16, %while3A : i32
        %while3A_82 = arith.addi %while3A, %while3A_81 : i32
        %while3A_83 = arith.constant 1 : i32
        %while3A_84 = arith.divsi %while3A_81, %while3A_83 : i32
        %while3A_85 = arith.muli %while3A_84, %while3A_83 : i32
        %while3A_86 = arith.addi %while3A, %while3A_85 : i32
        %while3A_87 = arith.constant 1 : i32
        %while3A_88:5 = scf.for %while3A_142 = %while3A to %while3A_86 step %while3A_87 iter_args(%while3A_143 = %select_n3A_76, %while3A_144 = %while3A_77, %while3A_145 = %while3A_78, %while3A_146 = %while3A_79, %while3A_147 = %while3A_80) -> (i32, i32, i32, i32, i32)  : i32 {
          %mul3A_148 = arith.constant 1 : i32
          %mul3A_149 = arith.muli %mul3A_148, %select_n3A : i32
          %eq3A_150 = arith.constant 0 : i32
          %eq3A_151 = arith.cmpi eq, %while3A_142, %eq3A_150 : i32
          %sub3A_152 = arith.constant 1 : i32
          %sub3A_153 = arith.subi %mul3A_149, %sub3A_152 : i32
          %eq3A_154 = arith.cmpi eq, %while3A_142, %sub3A_153 : i32
          %add3A_155 = arith.addi %while3A_147, %select_n3A_14 : i32
          %sub3A_156 = arith.constant 1 : i32
          %sub3A_157 = arith.subi %while3A_147, %sub3A_156 : i32
          %select_n3A_158 = arith.constant true
          %select_n3A_159 = arith.select %select_n3A_158, %sub3A_157, %while3A_147 : i32
          %eq3A_160 = arith.constant -1 : i32
          %eq3A_161 = arith.cmpi eq, %select_n3A_159, %eq3A_160 : i32
          %sub3A_162 = arith.constant 1 : i32
          %sub3A_163 = arith.subi %select_n3A, %sub3A_162 : i32
          %select_n3A_164 = arith.select %eq3A_161, %sub3A_163, %select_n3A_159 : i32
          %add3A_165 = arith.addi %select_n3A_164, %select_n3A_14 : i32
          %add3A_166 = arith.constant 1 : i32
          %add3A_167 = arith.addi %while3A_147, %add3A_166 : i32
          %select_n3A_168 = arith.constant true
          %select_n3A_169 = arith.select %select_n3A_168, %add3A_167, %while3A_147 : i32
          %eq3A_170 = arith.cmpi eq, %select_n3A_169, %select_n3A : i32
          %select_n3A_171 = arith.constant 0 : i32
          %select_n3A_172 = arith.select %eq3A_170, %select_n3A_171, %select_n3A_169 : i32
          %add3A_173 = arith.addi %select_n3A_172, %select_n3A_14 : i32
          %add3A_174 = arith.constant 1 : i32
          %add3A_175 = arith.addi %select_n3A_172, %add3A_174 : i32
          %select_n3A_176 = arith.constant true
          %select_n3A_177 = arith.select %select_n3A_176, %add3A_175, %select_n3A_172 : i32
          %eq3A_178 = arith.cmpi eq, %select_n3A_177, %select_n3A : i32
          %select_n3A_179 = arith.constant 0 : i32
          %select_n3A_180 = arith.select %eq3A_178, %select_n3A_179, %select_n3A_177 : i32
          %add3A_181 = arith.addi %select_n3A_180, %select_n3A_14 : i32
          %ne3A = arith.cmpi ne, %add3A_155, %add3A_173 : i32
          %or3A = arith.constant false
          %or3A_182 = arith.ori %or3A, %ne3A : i1
          %sub3A_183 = arith.constant 2 : i32
          %sub3A_184 = arith.subi %mul3A_149, %sub3A_183 : i32
          %add3A_185 = arith.constant 1 : i32
          %add3A_186 = arith.addi %sub3A_184, %add3A_185 : i32
          %ge3A = arith.cmpi sge, %while3A_142, %add3A_186 : i32
          %not3A = arith.constant true
          %not3A_187 = arith.xori %ge3A, %not3A : i1
          %and3A = arith.andi %or3A_182, %not3A_187 : i1
          %convert_element_type3A_188 = arith.extui %and3A : i1 to i32
          %cond3A_189 = arith.constant 0 : i32
          %cond3A_190 = arith.cmpi ne, %convert_element_type3A_188, %cond3A_189 : i32
          scf.if %cond3A_190 {
            "tpu.trace_start"() <{level = 10 : i32, message = "ep_copy_in"}> : () -> ()
            %rem3A_294 = arith.constant 2 : i32
            %rem3A_295 = arith.remui %while3A_143, %rem3A_294 : i32
            %mul3A_296 = arith.constant 128 : i32
            %mul3A_297 = arith.muli %mul3A_296, %add3A_173 : i32
            %dma_start3A_298 = arith.constant 0 : i32
            %dma_start3A_299 = arith.constant 0 : i32
            %dma_start3A_300 = tpu.memref_slice %run_scoped3A[%rem3A_295, %dma_start3A_298, %dma_start3A_299] : memref<2x1x128xi32, #tpu.memory_space<vmem>> -> memref<1x1x128xi32, #tpu.memory_space<vmem>>
            %dma_start3A_301 = tpu.memref_squeeze %dma_start3A_300 : memref<1x1x128xi32, #tpu.memory_space<vmem>> -> memref<1x128xi32, #tpu.memory_space<vmem>>
            %dma_start3A_302 = arith.constant 0 : i32
            %dma_start3A_303 = tpu.memref_slice %arg3[%dma_start3A_302, %mul3A_297] : memref<1x160000xi32, #tpu.memory_space<hbm>> -> memref<1x128xi32, #tpu.memory_space<hbm>>
            %dma_start3A_304 = tpu.memref_slice %run_scoped3A_17[%rem3A_295] : memref<2x!tpu.dma_semaphore, #tpu.memory_space<semaphore_mem>> -> memref<1x!tpu.dma_semaphore, #tpu.memory_space<semaphore_mem>>
            %dma_start3A_305 = tpu.memref_squeeze %dma_start3A_304 : memref<1x!tpu.dma_semaphore, #tpu.memory_space<semaphore_mem>> -> memref<!tpu.dma_semaphore, #tpu.memory_space<semaphore_mem>>
            %dma_start3A_306 = arith.constant 0 : i32
            %dma_start3A_307 = arith.constant 0 : i32
            %dma_start3A_308 = tpu.memref_slice %run_scoped3A[%rem3A_295, %dma_start3A_306, %dma_start3A_307] : memref<2x1x128xi32, #tpu.memory_space<vmem>> -> memref<1x1x128xi32, #tpu.memory_space<vmem>>
            %dma_start3A_309 = tpu.memref_squeeze %dma_start3A_308 : memref<1x1x128xi32, #tpu.memory_space<vmem>> -> memref<1x128xi32, #tpu.memory_space<vmem>>
            %dma_start3A_310 = arith.constant 0 : i32
            %dma_start3A_311 = tpu.memref_slice %arg3[%dma_start3A_310, %mul3A_297] : memref<1x160000xi32, #tpu.memory_space<hbm>> -> memref<1x128xi32, #tpu.memory_space<hbm>>
            tpu.enqueue_dma source(%dma_start3A_311 : memref<1x128xi32, #tpu.memory_space<hbm>>) target(%dma_start3A_309 : memref<1x128xi32, #tpu.memory_space<vmem>>) target_semaphore(%dma_start3A_305 : memref<!tpu.dma_semaphore, #tpu.memory_space<semaphore_mem>>)
            "tpu.trace_stop"() : () -> ()
          } else {
          }
          %and3A_191 = arith.constant true
          %and3A_192 = arith.andi %and3A, %and3A_191 : i1
          %add3A_193 = arith.constant 1 : i32
          %add3A_194 = arith.addi %while3A_143, %add3A_193 : i32
          %select_n3A_195 = arith.select %and3A_192, %add3A_194, %while3A_143 : i32
          %ne3A_196 = arith.cmpi ne, %add3A_155, %add3A_173 : i32
          %or3A_197 = arith.constant false
          %or3A_198 = arith.ori %or3A_197, %ne3A_196 : i1
          %or3A_199 = arith.constant false
          %or3A_200 = arith.ori %or3A_198, %or3A_199 : i1
          %sub3A_201 = arith.constant 2 : i32
          %sub3A_202 = arith.subi %mul3A_149, %sub3A_201 : i32
          %add3A_203 = arith.constant 1 : i32
          %add3A_204 = arith.addi %sub3A_202, %add3A_203 : i32
          %ge3A_205 = arith.cmpi sge, %while3A_142, %add3A_204 : i32
          %not3A_206 = arith.constant true
          %not3A_207 = arith.xori %ge3A_205, %not3A_206 : i1
          %and3A_208 = arith.andi %or3A_200, %not3A_207 : i1
          %ne3A_209 = arith.cmpi ne, %add3A_155, %add3A_165 : i32
          %or3A_210 = arith.constant false
          %or3A_211 = arith.ori %or3A_210, %ne3A_209 : i1
          %or3A_212 = arith.ori %or3A_211, %eq3A_151 : i1
          %convert_element_type3A_213 = arith.extui %or3A_212 : i1 to i32
          %cond3A_214 = arith.constant 0 : i32
          %cond3A_215 = arith.cmpi ne, %convert_element_type3A_213, %cond3A_214 : i32
          scf.if %cond3A_215 {
            "tpu.trace_start"() <{level = 10 : i32, message = "ep_wait_in"}> : () -> ()
            %mul3A_294 = arith.constant 128 : i32
            %mul3A_295 = arith.muli %mul3A_294, %add3A_155 : i32
            %rem3A_296 = arith.constant 2 : i32
            %rem3A_297 = arith.remui %while3A_144, %rem3A_296 : i32
            %dma_wait3A = arith.constant 0 : i32
            %dma_wait3A_298 = arith.constant 0 : i32
            %dma_wait3A_299 = tpu.memref_slice %run_scoped3A[%rem3A_297, %dma_wait3A, %dma_wait3A_298] : memref<2x1x128xi32, #tpu.memory_space<vmem>> -> memref<1x1x128xi32, #tpu.memory_space<vmem>>
            %dma_wait3A_300 = tpu.memref_squeeze %dma_wait3A_299 : memref<1x1x128xi32, #tpu.memory_space<vmem>> -> memref<1x128xi32, #tpu.memory_space<vmem>>
            %dma_wait3A_301 = arith.constant 0 : i32
            %dma_wait3A_302 = tpu.memref_slice %arg3[%dma_wait3A_301, %mul3A_295] : memref<1x160000xi32, #tpu.memory_space<hbm>> -> memref<1x128xi32, #tpu.memory_space<hbm>>
            %dma_wait3A_303 = tpu.memref_slice %run_scoped3A_17[%rem3A_297] : memref<2x!tpu.dma_semaphore, #tpu.memory_space<semaphore_mem>> -> memref<1x!tpu.dma_semaphore, #tpu.memory_space<semaphore_mem>>
            %dma_wait3A_304 = tpu.memref_squeeze %dma_wait3A_303 : memref<1x!tpu.dma_semaphore, #tpu.memory_space<semaphore_mem>> -> memref<!tpu.dma_semaphore, #tpu.memory_space<semaphore_mem>>
            %dma_wait3A_305 = arith.constant 0 : i32
            %dma_wait3A_306 = arith.constant 0 : i32
            %dma_wait3A_307 = tpu.memref_slice %run_scoped3A[%rem3A_297, %dma_wait3A_305, %dma_wait3A_306] : memref<2x1x128xi32, #tpu.memory_space<vmem>> -> memref<1x1x128xi32, #tpu.memory_space<vmem>>
            %dma_wait3A_308 = tpu.memref_squeeze %dma_wait3A_307 : memref<1x1x128xi32, #tpu.memory_space<vmem>> -> memref<1x128xi32, #tpu.memory_space<vmem>>
            %dma_wait3A_309 = arith.constant 0 : i32
            %dma_wait3A_310 = tpu.memref_slice %arg3[%dma_wait3A_309, %mul3A_295] : memref<1x160000xi32, #tpu.memory_space<hbm>> -> memref<1x128xi32, #tpu.memory_space<hbm>>
            tpu.wait_dma2 semaphore(%dma_wait3A_304 : memref<!tpu.dma_semaphore, #tpu.memory_space<semaphore_mem>>) src(%dma_wait3A_310 : memref<1x128xi32, #tpu.memory_space<hbm>>) dst(%dma_wait3A_308 : memref<1x128xi32, #tpu.memory_space<vmem>>)
            "tpu.trace_stop"() : () -> ()
          } else {
          }
          %ne3A_216 = arith.cmpi ne, %add3A_155, %add3A_165 : i32
          %or3A_217 = arith.constant false
          %or3A_218 = arith.ori %or3A_217, %ne3A_216 : i1
          %or3A_219 = arith.constant false
          %or3A_220 = arith.ori %or3A_218, %or3A_219 : i1
          %or3A_221 = arith.ori %or3A_220, %eq3A_151 : i1
          %convert_element_type3A_222 = arith.extui %or3A_221 : i1 to i32
          %cond3A_223 = arith.constant 0 : i32
          %cond3A_224 = arith.cmpi ne, %convert_element_type3A_222, %cond3A_223 : i32
          scf.if %cond3A_224 {
          } else {
          }
          %rem3A_225 = arith.constant 2 : i32
          %rem3A_226 = arith.remui %while3A_144, %rem3A_225 : i32
          %rem3A_227 = arith.constant 2 : i32
          %rem3A_228 = arith.remui %while3A_145, %rem3A_227 : i32
          %run_scoped3A_229 = arith.constant 0 : i32
          "tpu.trace_start"() <{level = 10 : i32, message = "ep_run_kernel"}> : () -> ()
          "tpu.region"() ({
            %run_scoped3A_294 = tpu.sem_alloc : memref<!tpu.dma_semaphore, #tpu.memory_space<semaphore_mem>>
            %dma_start3A_295 = arith.constant 0 : i32
            %dma_start3A_296 = arith.constant 0 : i32
            %dma_start3A_297 = tpu.memref_slice %run_scoped3A_18[%rem3A_228, %dma_start3A_295, %dma_start3A_296] : memref<2x128x128xf32, #tpu.memory_space<vmem>> -> memref<1x128x128xf32, #tpu.memory_space<vmem>>
            %dma_start3A_298 = tpu.memref_squeeze %dma_start3A_297 : memref<1x128x128xf32, #tpu.memory_space<vmem>> -> memref<128x128xf32, #tpu.memory_space<vmem>>
            %dma_start3A_299 = arith.constant 0 : i32
            %dma_start3A_300 = arith.constant 0 : i32
            %dma_start3A_301 = tpu.memref_slice %run_scoped3A[%rem3A_226, %dma_start3A_299, %dma_start3A_300] : memref<2x1x128xi32, #tpu.memory_space<vmem>> -> memref<1x1x128xi32, #tpu.memory_space<vmem>>
            %dma_start3A_302 = tpu.memref_squeeze %dma_start3A_301 : memref<1x1x128xi32, #tpu.memory_space<vmem>> -> memref<1x128xi32, #tpu.memory_space<vmem>>
            %dma_start3A_303 = arith.constant 0 : i32
            %dma_start3A_304 = tpu.memref_slice %dma_start3A_302[%run_scoped3A_229, %dma_start3A_303] : memref<1x128xi32, #tpu.memory_space<vmem>> -> memref<1x128xi32, #tpu.memory_space<vmem>>
            %dma_start3A_305 = tpu.memref_squeeze %dma_start3A_304 : memref<1x128xi32, #tpu.memory_space<vmem>> -> memref<128xi32, #tpu.memory_space<vmem>>
            %dma_start3A_306 = arith.constant 0 : i32
            %dma_start3A_307 = arith.constant 0 : i32
            %dma_start3A_308 = tpu.memref_slice %arg2[%dma_start3A_306, %dma_start3A_307] : memref<10000x128xf32, #tpu.memory_space<hbm>> -> memref<10000x128xf32, #tpu.memory_space<hbm>>
            tpu.enqueue_indirect_dma source(%dma_start3A_308 : memref<10000x128xf32, #tpu.memory_space<hbm>>) target(%dma_start3A_298 : memref<128x128xf32, #tpu.memory_space<vmem>>) offsets(%dma_start3A_305 : memref<128xi32, #tpu.memory_space<vmem>>) semaphore(%run_scoped3A_294 : memref<!tpu.dma_semaphore, #tpu.memory_space<semaphore_mem>>)
            %dma_wait3A = arith.constant 0 : i32
            %dma_wait3A_309 = arith.constant 0 : i32
            %dma_wait3A_310 = tpu.memref_slice %run_scoped3A_18[%rem3A_228, %dma_wait3A, %dma_wait3A_309] : memref<2x128x128xf32, #tpu.memory_space<vmem>> -> memref<1x128x128xf32, #tpu.memory_space<vmem>>
            %dma_wait3A_311 = tpu.memref_squeeze %dma_wait3A_310 : memref<1x128x128xf32, #tpu.memory_space<vmem>> -> memref<128x128xf32, #tpu.memory_space<vmem>>
            %dma_wait3A_312 = arith.constant 0 : i32
            %dma_wait3A_313 = arith.constant 0 : i32
            %dma_wait3A_314 = tpu.memref_slice %run_scoped3A[%rem3A_226, %dma_wait3A_312, %dma_wait3A_313] : memref<2x1x128xi32, #tpu.memory_space<vmem>> -> memref<1x1x128xi32, #tpu.memory_space<vmem>>
            %dma_wait3A_315 = tpu.memref_squeeze %dma_wait3A_314 : memref<1x1x128xi32, #tpu.memory_space<vmem>> -> memref<1x128xi32, #tpu.memory_space<vmem>>
            %dma_wait3A_316 = arith.constant 0 : i32
            %dma_wait3A_317 = tpu.memref_slice %dma_wait3A_315[%run_scoped3A_229, %dma_wait3A_316] : memref<1x128xi32, #tpu.memory_space<vmem>> -> memref<1x128xi32, #tpu.memory_space<vmem>>
            %dma_wait3A_318 = tpu.memref_squeeze %dma_wait3A_317 : memref<1x128xi32, #tpu.memory_space<vmem>> -> memref<128xi32, #tpu.memory_space<vmem>>
            %dma_wait3A_319 = arith.constant 0 : i32
            %dma_wait3A_320 = arith.constant 0 : i32
            %dma_wait3A_321 = tpu.memref_slice %arg2[%dma_wait3A_319, %dma_wait3A_320] : memref<10000x128xf32, #tpu.memory_space<hbm>> -> memref<10000x128xf32, #tpu.memory_space<hbm>>
            tpu.wait_indirect_dma semaphore(%run_scoped3A_294 : memref<!tpu.dma_semaphore, #tpu.memory_space<semaphore_mem>>) src(%dma_wait3A_321 : memref<10000x128xf32, #tpu.memory_space<hbm>>) dst(%dma_wait3A_311 : memref<128x128xf32, #tpu.memory_space<vmem>>)
            tpu.yield
          }) : () -> ()
          "tpu.trace_stop"() : () -> ()
          %ne3A_230 = arith.cmpi ne, %add3A_155, %add3A_173 : i32
          %or3A_231 = arith.constant false
          %or3A_232 = arith.ori %or3A_231, %ne3A_230 : i1
          %or3A_233 = arith.ori %or3A_232, %eq3A_154 : i1
          %convert_element_type3A_234 = arith.extui %or3A_233 : i1 to i32
          %cond3A_235 = arith.constant 0 : i32
          %cond3A_236 = arith.cmpi ne, %convert_element_type3A_234, %cond3A_235 : i32
          scf.if %cond3A_236 {
          } else {
          }
          %and3A_237 = arith.constant false
          %and3A_238 = arith.andi %or3A_233, %and3A_237 : i1
          %ne3A_239 = arith.cmpi ne, %add3A_155, %add3A_173 : i32
          %or3A_240 = arith.constant false
          %or3A_241 = arith.ori %or3A_240, %ne3A_239 : i1
          %or3A_242 = arith.constant false
          %or3A_243 = arith.ori %or3A_241, %or3A_242 : i1
          %or3A_244 = arith.ori %or3A_243, %eq3A_154 : i1
          %convert_element_type3A_245 = arith.extui %or3A_244 : i1 to i32
          %cond3A_246 = arith.constant 0 : i32
          %cond3A_247 = arith.cmpi ne, %convert_element_type3A_245, %cond3A_246 : i32
          scf.if %cond3A_247 {
            "tpu.trace_start"() <{level = 10 : i32, message = "ep_copy_out"}> : () -> ()
            %rem3A_294 = arith.constant 2 : i32
            %rem3A_295 = arith.remui %while3A_145, %rem3A_294 : i32
            %mul3A_296 = arith.constant 128 : i32
            %mul3A_297 = arith.muli %mul3A_296, %add3A_155 : i32
            %dma_start3A_298 = arith.constant 0 : i32
            %dma_start3A_299 = arith.constant 0 : i32
            %dma_start3A_300 = tpu.memref_slice %run_scoped3A_18[%rem3A_295, %dma_start3A_298, %dma_start3A_299] : memref<2x128x128xf32, #tpu.memory_space<vmem>> -> memref<1x128x128xf32, #tpu.memory_space<vmem>>
            %dma_start3A_301 = tpu.memref_squeeze %dma_start3A_300 : memref<1x128x128xf32, #tpu.memory_space<vmem>> -> memref<128x128xf32, #tpu.memory_space<vmem>>
            %dma_start3A_302 = arith.constant 0 : i32
            %dma_start3A_303 = tpu.memref_slice %arg4[%mul3A_297, %dma_start3A_302] : memref<160000x128xf32, #tpu.memory_space<hbm>> -> memref<128x128xf32, #tpu.memory_space<hbm>>
            %dma_start3A_304 = tpu.memref_slice %run_scoped3A_19[%rem3A_295] : memref<2x!tpu.dma_semaphore, #tpu.memory_space<semaphore_mem>> -> memref<1x!tpu.dma_semaphore, #tpu.memory_space<semaphore_mem>>
            %dma_start3A_305 = tpu.memref_squeeze %dma_start3A_304 : memref<1x!tpu.dma_semaphore, #tpu.memory_space<semaphore_mem>> -> memref<!tpu.dma_semaphore, #tpu.memory_space<semaphore_mem>>
            %dma_start3A_306 = arith.constant 0 : i32
            %dma_start3A_307 = tpu.memref_slice %arg4[%mul3A_297, %dma_start3A_306] : memref<160000x128xf32, #tpu.memory_space<hbm>> -> memref<128x128xf32, #tpu.memory_space<hbm>>
            %dma_start3A_308 = arith.constant 0 : i32
            %dma_start3A_309 = arith.constant 0 : i32
            %dma_start3A_310 = tpu.memref_slice %run_scoped3A_18[%rem3A_295, %dma_start3A_308, %dma_start3A_309] : memref<2x128x128xf32, #tpu.memory_space<vmem>> -> memref<1x128x128xf32, #tpu.memory_space<vmem>>
            %dma_start3A_311 = tpu.memref_squeeze %dma_start3A_310 : memref<1x128x128xf32, #tpu.memory_space<vmem>> -> memref<128x128xf32, #tpu.memory_space<vmem>>
            tpu.enqueue_dma source(%dma_start3A_311 : memref<128x128xf32, #tpu.memory_space<vmem>>) target(%dma_start3A_307 : memref<128x128xf32, #tpu.memory_space<hbm>>) target_semaphore(%dma_start3A_305 : memref<!tpu.dma_semaphore, #tpu.memory_space<semaphore_mem>>)
            "tpu.trace_stop"() : () -> ()
          } else {
          }
          %and3A_248 = arith.constant true
          %and3A_249 = arith.andi %or3A_244, %and3A_248 : i1
          %add3A_250 = arith.constant 1 : i32
          %add3A_251 = arith.addi %while3A_145, %add3A_250 : i32
          %select_n3A_252 = arith.select %and3A_249, %add3A_251, %while3A_145 : i32
          %ne3A_253 = arith.cmpi ne, %add3A_155, %add3A_165 : i32
          %or3A_254 = arith.constant false
          %or3A_255 = arith.ori %or3A_254, %ne3A_253 : i1
          %not3A_256 = arith.constant true
          %not3A_257 = arith.xori %eq3A_151, %not3A_256 : i1
          %and3A_258 = arith.andi %or3A_255, %not3A_257 : i1
          %convert_element_type3A_259 = arith.extui %and3A_258 : i1 to i32
          %cond3A_260 = arith.constant 0 : i32
          %cond3A_261 = arith.cmpi ne, %convert_element_type3A_259, %cond3A_260 : i32
          scf.if %cond3A_261 {
          } else {
          }
          %and3A_262 = arith.constant false
          %and3A_263 = arith.andi %and3A_258, %and3A_262 : i1
          %ne3A_264 = arith.cmpi ne, %add3A_155, %add3A_165 : i32
          %or3A_265 = arith.constant false
          %or3A_266 = arith.ori %or3A_265, %ne3A_264 : i1
          %or3A_267 = arith.constant false
          %or3A_268 = arith.ori %or3A_266, %or3A_267 : i1
          %not3A_269 = arith.constant true
          %not3A_270 = arith.xori %eq3A_151, %not3A_269 : i1
          %and3A_271 = arith.andi %or3A_268, %not3A_270 : i1
          %convert_element_type3A_272 = arith.extui %and3A_271 : i1 to i32
          %cond3A_273 = arith.constant 0 : i32
          %cond3A_274 = arith.cmpi ne, %convert_element_type3A_272, %cond3A_273 : i32
          scf.if %cond3A_274 {
            "tpu.trace_start"() <{level = 10 : i32, message = "ep_wait_out"}> : () -> ()
            %rem3A_294 = arith.constant 2 : i32
            %rem3A_295 = arith.remui %while3A_146, %rem3A_294 : i32
            %mul3A_296 = arith.constant 128 : i32
            %mul3A_297 = arith.muli %mul3A_296, %add3A_165 : i32
            %dma_wait3A = arith.constant 0 : i32
            %dma_wait3A_298 = arith.constant 0 : i32
            %dma_wait3A_299 = tpu.memref_slice %run_scoped3A_18[%rem3A_295, %dma_wait3A, %dma_wait3A_298] : memref<2x128x128xf32, #tpu.memory_space<vmem>> -> memref<1x128x128xf32, #tpu.memory_space<vmem>>
            %dma_wait3A_300 = tpu.memref_squeeze %dma_wait3A_299 : memref<1x128x128xf32, #tpu.memory_space<vmem>> -> memref<128x128xf32, #tpu.memory_space<vmem>>
            %dma_wait3A_301 = arith.constant 0 : i32
            %dma_wait3A_302 = tpu.memref_slice %arg4[%mul3A_297, %dma_wait3A_301] : memref<160000x128xf32, #tpu.memory_space<hbm>> -> memref<128x128xf32, #tpu.memory_space<hbm>>
            %dma_wait3A_303 = tpu.memref_slice %run_scoped3A_19[%rem3A_295] : memref<2x!tpu.dma_semaphore, #tpu.memory_space<semaphore_mem>> -> memref<1x!tpu.dma_semaphore, #tpu.memory_space<semaphore_mem>>
            %dma_wait3A_304 = tpu.memref_squeeze %dma_wait3A_303 : memref<1x!tpu.dma_semaphore, #tpu.memory_space<semaphore_mem>> -> memref<!tpu.dma_semaphore, #tpu.memory_space<semaphore_mem>>
            %dma_wait3A_305 = arith.constant 0 : i32
            %dma_wait3A_306 = tpu.memref_slice %arg4[%mul3A_297, %dma_wait3A_305] : memref<160000x128xf32, #tpu.memory_space<hbm>> -> memref<128x128xf32, #tpu.memory_space<hbm>>
            %dma_wait3A_307 = arith.constant 0 : i32
            %dma_wait3A_308 = arith.constant 0 : i32
            %dma_wait3A_309 = tpu.memref_slice %run_scoped3A_18[%rem3A_295, %dma_wait3A_307, %dma_wait3A_308] : memref<2x128x128xf32, #tpu.memory_space<vmem>> -> memref<1x128x128xf32, #tpu.memory_space<vmem>>
            %dma_wait3A_310 = tpu.memref_squeeze %dma_wait3A_309 : memref<1x128x128xf32, #tpu.memory_space<vmem>> -> memref<128x128xf32, #tpu.memory_space<vmem>>
            tpu.wait_dma2 semaphore(%dma_wait3A_304 : memref<!tpu.dma_semaphore, #tpu.memory_space<semaphore_mem>>) src(%dma_wait3A_310 : memref<128x128xf32, #tpu.memory_space<vmem>>) dst(%dma_wait3A_306 : memref<128x128xf32, #tpu.memory_space<hbm>>)
            "tpu.trace_stop"() : () -> ()
          } else {
          }
          %and3A_275 = arith.constant true
          %and3A_276 = arith.andi %and3A_271, %and3A_275 : i1
          %add3A_277 = arith.constant 1 : i32
          %add3A_278 = arith.addi %while3A_146, %add3A_277 : i32
          %select_n3A_279 = arith.select %and3A_276, %add3A_278, %while3A_146 : i32
          %ne3A_280 = arith.cmpi ne, %add3A_155, %add3A_173 : i32
          %or3A_281 = arith.constant false
          %or3A_282 = arith.ori %or3A_281, %ne3A_280 : i1
          %or3A_283 = arith.ori %or3A_282, %eq3A_154 : i1
          %add3A_284 = arith.constant 1 : i32
          %add3A_285 = arith.addi %while3A_144, %add3A_284 : i32
          %select_n3A_286 = arith.select %or3A_283, %add3A_285, %while3A_144 : i32
          %add3A_287 = arith.constant 1 : i32
          %add3A_288 = arith.addi %while3A_147, %add3A_287 : i32
          %select_n3A_289 = arith.constant true
          %select_n3A_290 = arith.select %select_n3A_289, %add3A_288, %while3A_147 : i32
          %eq3A_291 = arith.cmpi eq, %select_n3A_290, %select_n3A : i32
          %select_n3A_292 = arith.constant 0 : i32
          %select_n3A_293 = arith.select %eq3A_291, %select_n3A_292, %select_n3A_290 : i32
          scf.yield %select_n3A_195, %select_n3A_286, %select_n3A_252, %select_n3A_279, %select_n3A_293 : i32, i32, i32, i32, i32
        }
        %while3A_89 = arith.constant 1 : i32
        %while3A_90:5 = scf.for %while3A_142 = %while3A_86 to %while3A_82 step %while3A_89 iter_args(%while3A_143 = %while3A_88#0, %while3A_144 = %while3A_88#1, %while3A_145 = %while3A_88#2, %while3A_146 = %while3A_88#3, %while3A_147 = %while3A_88#4) -> (i32, i32, i32, i32, i32)  : i32 {
          %mul3A_148 = arith.constant 1 : i32
          %mul3A_149 = arith.muli %mul3A_148, %select_n3A : i32
          %eq3A_150 = arith.constant 0 : i32
          %eq3A_151 = arith.cmpi eq, %while3A_142, %eq3A_150 : i32
          %sub3A_152 = arith.constant 1 : i32
          %sub3A_153 = arith.subi %mul3A_149, %sub3A_152 : i32
          %eq3A_154 = arith.cmpi eq, %while3A_142, %sub3A_153 : i32
          %add3A_155 = arith.addi %while3A_147, %select_n3A_14 : i32
          %sub3A_156 = arith.constant 1 : i32
          %sub3A_157 = arith.subi %while3A_147, %sub3A_156 : i32
          %select_n3A_158 = arith.constant true
          %select_n3A_159 = arith.select %select_n3A_158, %sub3A_157, %while3A_147 : i32
          %eq3A_160 = arith.constant -1 : i32
          %eq3A_161 = arith.cmpi eq, %select_n3A_159, %eq3A_160 : i32
          %sub3A_162 = arith.constant 1 : i32
          %sub3A_163 = arith.subi %select_n3A, %sub3A_162 : i32
          %select_n3A_164 = arith.select %eq3A_161, %sub3A_163, %select_n3A_159 : i32
          %add3A_165 = arith.addi %select_n3A_164, %select_n3A_14 : i32
          %add3A_166 = arith.constant 1 : i32
          %add3A_167 = arith.addi %while3A_147, %add3A_166 : i32
          %select_n3A_168 = arith.constant true
          %select_n3A_169 = arith.select %select_n3A_168, %add3A_167, %while3A_147 : i32
          %eq3A_170 = arith.cmpi eq, %select_n3A_169, %select_n3A : i32
          %select_n3A_171 = arith.constant 0 : i32
          %select_n3A_172 = arith.select %eq3A_170, %select_n3A_171, %select_n3A_169 : i32
          %add3A_173 = arith.addi %select_n3A_172, %select_n3A_14 : i32
          %add3A_174 = arith.constant 1 : i32
          %add3A_175 = arith.addi %select_n3A_172, %add3A_174 : i32
          %select_n3A_176 = arith.constant true
          %select_n3A_177 = arith.select %select_n3A_176, %add3A_175, %select_n3A_172 : i32
          %eq3A_178 = arith.cmpi eq, %select_n3A_177, %select_n3A : i32
          %select_n3A_179 = arith.constant 0 : i32
          %select_n3A_180 = arith.select %eq3A_178, %select_n3A_179, %select_n3A_177 : i32
          %add3A_181 = arith.addi %select_n3A_180, %select_n3A_14 : i32
          %ne3A = arith.cmpi ne, %add3A_155, %add3A_173 : i32
          %or3A = arith.constant false
          %or3A_182 = arith.ori %or3A, %ne3A : i1
          %sub3A_183 = arith.constant 2 : i32
          %sub3A_184 = arith.subi %mul3A_149, %sub3A_183 : i32
          %add3A_185 = arith.constant 1 : i32
          %add3A_186 = arith.addi %sub3A_184, %add3A_185 : i32
          %ge3A = arith.cmpi sge, %while3A_142, %add3A_186 : i32
          %not3A = arith.constant true
          %not3A_187 = arith.xori %ge3A, %not3A : i1
          %and3A = arith.andi %or3A_182, %not3A_187 : i1
          %convert_element_type3A_188 = arith.extui %and3A : i1 to i32
          %cond3A_189 = arith.constant 0 : i32
          %cond3A_190 = arith.cmpi ne, %convert_element_type3A_188, %cond3A_189 : i32
          scf.if %cond3A_190 {
            "tpu.trace_start"() <{level = 10 : i32, message = "ep_copy_in"}> : () -> ()
            %rem3A_294 = arith.constant 2 : i32
            %rem3A_295 = arith.remui %while3A_143, %rem3A_294 : i32
            %mul3A_296 = arith.constant 128 : i32
            %mul3A_297 = arith.muli %mul3A_296, %add3A_173 : i32
            %dma_start3A_298 = arith.constant 0 : i32
            %dma_start3A_299 = arith.constant 0 : i32
            %dma_start3A_300 = tpu.memref_slice %run_scoped3A[%rem3A_295, %dma_start3A_298, %dma_start3A_299] : memref<2x1x128xi32, #tpu.memory_space<vmem>> -> memref<1x1x128xi32, #tpu.memory_space<vmem>>
            %dma_start3A_301 = tpu.memref_squeeze %dma_start3A_300 : memref<1x1x128xi32, #tpu.memory_space<vmem>> -> memref<1x128xi32, #tpu.memory_space<vmem>>
            %dma_start3A_302 = arith.constant 0 : i32
            %dma_start3A_303 = tpu.memref_slice %arg3[%dma_start3A_302, %mul3A_297] : memref<1x160000xi32, #tpu.memory_space<hbm>> -> memref<1x128xi32, #tpu.memory_space<hbm>>
            %dma_start3A_304 = tpu.memref_slice %run_scoped3A_17[%rem3A_295] : memref<2x!tpu.dma_semaphore, #tpu.memory_space<semaphore_mem>> -> memref<1x!tpu.dma_semaphore, #tpu.memory_space<semaphore_mem>>
            %dma_start3A_305 = tpu.memref_squeeze %dma_start3A_304 : memref<1x!tpu.dma_semaphore, #tpu.memory_space<semaphore_mem>> -> memref<!tpu.dma_semaphore, #tpu.memory_space<semaphore_mem>>
            %dma_start3A_306 = arith.constant 0 : i32
            %dma_start3A_307 = arith.constant 0 : i32
            %dma_start3A_308 = tpu.memref_slice %run_scoped3A[%rem3A_295, %dma_start3A_306, %dma_start3A_307] : memref<2x1x128xi32, #tpu.memory_space<vmem>> -> memref<1x1x128xi32, #tpu.memory_space<vmem>>
            %dma_start3A_309 = tpu.memref_squeeze %dma_start3A_308 : memref<1x1x128xi32, #tpu.memory_space<vmem>> -> memref<1x128xi32, #tpu.memory_space<vmem>>
            %dma_start3A_310 = arith.constant 0 : i32
            %dma_start3A_311 = tpu.memref_slice %arg3[%dma_start3A_310, %mul3A_297] : memref<1x160000xi32, #tpu.memory_space<hbm>> -> memref<1x128xi32, #tpu.memory_space<hbm>>
            tpu.enqueue_dma source(%dma_start3A_311 : memref<1x128xi32, #tpu.memory_space<hbm>>) target(%dma_start3A_309 : memref<1x128xi32, #tpu.memory_space<vmem>>) target_semaphore(%dma_start3A_305 : memref<!tpu.dma_semaphore, #tpu.memory_space<semaphore_mem>>)
            "tpu.trace_stop"() : () -> ()
          } else {
          }
          %and3A_191 = arith.constant true
          %and3A_192 = arith.andi %and3A, %and3A_191 : i1
          %add3A_193 = arith.constant 1 : i32
          %add3A_194 = arith.addi %while3A_143, %add3A_193 : i32
          %select_n3A_195 = arith.select %and3A_192, %add3A_194, %while3A_143 : i32
          %ne3A_196 = arith.cmpi ne, %add3A_155, %add3A_173 : i32
          %or3A_197 = arith.constant false
          %or3A_198 = arith.ori %or3A_197, %ne3A_196 : i1
          %or3A_199 = arith.constant false
          %or3A_200 = arith.ori %or3A_198, %or3A_199 : i1
          %sub3A_201 = arith.constant 2 : i32
          %sub3A_202 = arith.subi %mul3A_149, %sub3A_201 : i32
          %add3A_203 = arith.constant 1 : i32
          %add3A_204 = arith.addi %sub3A_202, %add3A_203 : i32
          %ge3A_205 = arith.cmpi sge, %while3A_142, %add3A_204 : i32
          %not3A_206 = arith.constant true
          %not3A_207 = arith.xori %ge3A_205, %not3A_206 : i1
          %and3A_208 = arith.andi %or3A_200, %not3A_207 : i1
          %ne3A_209 = arith.cmpi ne, %add3A_155, %add3A_165 : i32
          %or3A_210 = arith.constant false
          %or3A_211 = arith.ori %or3A_210, %ne3A_209 : i1
          %or3A_212 = arith.ori %or3A_211, %eq3A_151 : i1
          %convert_element_type3A_213 = arith.extui %or3A_212 : i1 to i32
          %cond3A_214 = arith.constant 0 : i32
          %cond3A_215 = arith.cmpi ne, %convert_element_type3A_213, %cond3A_214 : i32
          scf.if %cond3A_215 {
            "tpu.trace_start"() <{level = 10 : i32, message = "ep_wait_in"}> : () -> ()
            %mul3A_294 = arith.constant 128 : i32
            %mul3A_295 = arith.muli %mul3A_294, %add3A_155 : i32
            %rem3A_296 = arith.constant 2 : i32
            %rem3A_297 = arith.remui %while3A_144, %rem3A_296 : i32
            %dma_wait3A = arith.constant 0 : i32
            %dma_wait3A_298 = arith.constant 0 : i32
            %dma_wait3A_299 = tpu.memref_slice %run_scoped3A[%rem3A_297, %dma_wait3A, %dma_wait3A_298] : memref<2x1x128xi32, #tpu.memory_space<vmem>> -> memref<1x1x128xi32, #tpu.memory_space<vmem>>
            %dma_wait3A_300 = tpu.memref_squeeze %dma_wait3A_299 : memref<1x1x128xi32, #tpu.memory_space<vmem>> -> memref<1x128xi32, #tpu.memory_space<vmem>>
            %dma_wait3A_301 = arith.constant 0 : i32
            %dma_wait3A_302 = tpu.memref_slice %arg3[%dma_wait3A_301, %mul3A_295] : memref<1x160000xi32, #tpu.memory_space<hbm>> -> memref<1x128xi32, #tpu.memory_space<hbm>>
            %dma_wait3A_303 = tpu.memref_slice %run_scoped3A_17[%rem3A_297] : memref<2x!tpu.dma_semaphore, #tpu.memory_space<semaphore_mem>> -> memref<1x!tpu.dma_semaphore, #tpu.memory_space<semaphore_mem>>
            %dma_wait3A_304 = tpu.memref_squeeze %dma_wait3A_303 : memref<1x!tpu.dma_semaphore, #tpu.memory_space<semaphore_mem>> -> memref<!tpu.dma_semaphore, #tpu.memory_space<semaphore_mem>>
            %dma_wait3A_305 = arith.constant 0 : i32
            %dma_wait3A_306 = arith.constant 0 : i32
            %dma_wait3A_307 = tpu.memref_slice %run_scoped3A[%rem3A_297, %dma_wait3A_305, %dma_wait3A_306] : memref<2x1x128xi32, #tpu.memory_space<vmem>> -> memref<1x1x128xi32, #tpu.memory_space<vmem>>
            %dma_wait3A_308 = tpu.memref_squeeze %dma_wait3A_307 : memref<1x1x128xi32, #tpu.memory_space<vmem>> -> memref<1x128xi32, #tpu.memory_space<vmem>>
            %dma_wait3A_309 = arith.constant 0 : i32
            %dma_wait3A_310 = tpu.memref_slice %arg3[%dma_wait3A_309, %mul3A_295] : memref<1x160000xi32, #tpu.memory_space<hbm>> -> memref<1x128xi32, #tpu.memory_space<hbm>>
            tpu.wait_dma2 semaphore(%dma_wait3A_304 : memref<!tpu.dma_semaphore, #tpu.memory_space<semaphore_mem>>) src(%dma_wait3A_310 : memref<1x128xi32, #tpu.memory_space<hbm>>) dst(%dma_wait3A_308 : memref<1x128xi32, #tpu.memory_space<vmem>>)
            "tpu.trace_stop"() : () -> ()
          } else {
          }
          %ne3A_216 = arith.cmpi ne, %add3A_155, %add3A_165 : i32
          %or3A_217 = arith.constant false
          %or3A_218 = arith.ori %or3A_217, %ne3A_216 : i1
          %or3A_219 = arith.constant false
          %or3A_220 = arith.ori %or3A_218, %or3A_219 : i1
          %or3A_221 = arith.ori %or3A_220, %eq3A_151 : i1
          %convert_element_type3A_222 = arith.extui %or3A_221 : i1 to i32
          %cond3A_223 = arith.constant 0 : i32
          %cond3A_224 = arith.cmpi ne, %convert_element_type3A_222, %cond3A_223 : i32
          scf.if %cond3A_224 {
          } else {
          }
          %rem3A_225 = arith.constant 2 : i32
          %rem3A_226 = arith.remui %while3A_144, %rem3A_225 : i32
          %rem3A_227 = arith.constant 2 : i32
          %rem3A_228 = arith.remui %while3A_145, %rem3A_227 : i32
          %run_scoped3A_229 = arith.constant 0 : i32
          "tpu.trace_start"() <{level = 10 : i32, message = "ep_run_kernel"}> : () -> ()
          "tpu.region"() ({
            %run_scoped3A_294 = tpu.sem_alloc : memref<!tpu.dma_semaphore, #tpu.memory_space<semaphore_mem>>
            %dma_start3A_295 = arith.constant 0 : i32
            %dma_start3A_296 = arith.constant 0 : i32
            %dma_start3A_297 = tpu.memref_slice %run_scoped3A_18[%rem3A_228, %dma_start3A_295, %dma_start3A_296] : memref<2x128x128xf32, #tpu.memory_space<vmem>> -> memref<1x128x128xf32, #tpu.memory_space<vmem>>
            %dma_start3A_298 = tpu.memref_squeeze %dma_start3A_297 : memref<1x128x128xf32, #tpu.memory_space<vmem>> -> memref<128x128xf32, #tpu.memory_space<vmem>>
            %dma_start3A_299 = arith.constant 0 : i32
            %dma_start3A_300 = arith.constant 0 : i32
            %dma_start3A_301 = tpu.memref_slice %run_scoped3A[%rem3A_226, %dma_start3A_299, %dma_start3A_300] : memref<2x1x128xi32, #tpu.memory_space<vmem>> -> memref<1x1x128xi32, #tpu.memory_space<vmem>>
            %dma_start3A_302 = tpu.memref_squeeze %dma_start3A_301 : memref<1x1x128xi32, #tpu.memory_space<vmem>> -> memref<1x128xi32, #tpu.memory_space<vmem>>
            %dma_start3A_303 = arith.constant 0 : i32
            %dma_start3A_304 = tpu.memref_slice %dma_start3A_302[%run_scoped3A_229, %dma_start3A_303] : memref<1x128xi32, #tpu.memory_space<vmem>> -> memref<1x128xi32, #tpu.memory_space<vmem>>
            %dma_start3A_305 = tpu.memref_squeeze %dma_start3A_304 : memref<1x128xi32, #tpu.memory_space<vmem>> -> memref<128xi32, #tpu.memory_space<vmem>>
            %dma_start3A_306 = arith.constant 0 : i32
            %dma_start3A_307 = arith.constant 0 : i32
            %dma_start3A_308 = tpu.memref_slice %arg2[%dma_start3A_306, %dma_start3A_307] : memref<10000x128xf32, #tpu.memory_space<hbm>> -> memref<10000x128xf32, #tpu.memory_space<hbm>>
            tpu.enqueue_indirect_dma source(%dma_start3A_308 : memref<10000x128xf32, #tpu.memory_space<hbm>>) target(%dma_start3A_298 : memref<128x128xf32, #tpu.memory_space<vmem>>) offsets(%dma_start3A_305 : memref<128xi32, #tpu.memory_space<vmem>>) semaphore(%run_scoped3A_294 : memref<!tpu.dma_semaphore, #tpu.memory_space<semaphore_mem>>)
            %dma_wait3A = arith.constant 0 : i32
            %dma_wait3A_309 = arith.constant 0 : i32
            %dma_wait3A_310 = tpu.memref_slice %run_scoped3A_18[%rem3A_228, %dma_wait3A, %dma_wait3A_309] : memref<2x128x128xf32, #tpu.memory_space<vmem>> -> memref<1x128x128xf32, #tpu.memory_space<vmem>>
            %dma_wait3A_311 = tpu.memref_squeeze %dma_wait3A_310 : memref<1x128x128xf32, #tpu.memory_space<vmem>> -> memref<128x128xf32, #tpu.memory_space<vmem>>
            %dma_wait3A_312 = arith.constant 0 : i32
            %dma_wait3A_313 = arith.constant 0 : i32
            %dma_wait3A_314 = tpu.memref_slice %run_scoped3A[%rem3A_226, %dma_wait3A_312, %dma_wait3A_313] : memref<2x1x128xi32, #tpu.memory_space<vmem>> -> memref<1x1x128xi32, #tpu.memory_space<vmem>>
            %dma_wait3A_315 = tpu.memref_squeeze %dma_wait3A_314 : memref<1x1x128xi32, #tpu.memory_space<vmem>> -> memref<1x128xi32, #tpu.memory_space<vmem>>
            %dma_wait3A_316 = arith.constant 0 : i32
            %dma_wait3A_317 = tpu.memref_slice %dma_wait3A_315[%run_scoped3A_229, %dma_wait3A_316] : memref<1x128xi32, #tpu.memory_space<vmem>> -> memref<1x128xi32, #tpu.memory_space<vmem>>
            %dma_wait3A_318 = tpu.memref_squeeze %dma_wait3A_317 : memref<1x128xi32, #tpu.memory_space<vmem>> -> memref<128xi32, #tpu.memory_space<vmem>>
            %dma_wait3A_319 = arith.constant 0 : i32
            %dma_wait3A_320 = arith.constant 0 : i32
            %dma_wait3A_321 = tpu.memref_slice %arg2[%dma_wait3A_319, %dma_wait3A_320] : memref<10000x128xf32, #tpu.memory_space<hbm>> -> memref<10000x128xf32, #tpu.memory_space<hbm>>
            tpu.wait_indirect_dma semaphore(%run_scoped3A_294 : memref<!tpu.dma_semaphore, #tpu.memory_space<semaphore_mem>>) src(%dma_wait3A_321 : memref<10000x128xf32, #tpu.memory_space<hbm>>) dst(%dma_wait3A_311 : memref<128x128xf32, #tpu.memory_space<vmem>>)
            tpu.yield
          }) : () -> ()
          "tpu.trace_stop"() : () -> ()
          %ne3A_230 = arith.cmpi ne, %add3A_155, %add3A_173 : i32
          %or3A_231 = arith.constant false
          %or3A_232 = arith.ori %or3A_231, %ne3A_230 : i1
          %or3A_233 = arith.ori %or3A_232, %eq3A_154 : i1
          %convert_element_type3A_234 = arith.extui %or3A_233 : i1 to i32
          %cond3A_235 = arith.constant 0 : i32
          %cond3A_236 = arith.cmpi ne, %convert_element_type3A_234, %cond3A_235 : i32
          scf.if %cond3A_236 {
          } else {
          }
          %and3A_237 = arith.constant false
          %and3A_238 = arith.andi %or3A_233, %and3A_237 : i1
          %ne3A_239 = arith.cmpi ne, %add3A_155, %add3A_173 : i32
          %or3A_240 = arith.constant false
          %or3A_241 = arith.ori %or3A_240, %ne3A_239 : i1
          %or3A_242 = arith.constant false
          %or3A_243 = arith.ori %or3A_241, %or3A_242 : i1
          %or3A_244 = arith.ori %or3A_243, %eq3A_154 : i1
          %convert_element_type3A_245 = arith.extui %or3A_244 : i1 to i32
          %cond3A_246 = arith.constant 0 : i32
          %cond3A_247 = arith.cmpi ne, %convert_element_type3A_245, %cond3A_246 : i32
          scf.if %cond3A_247 {
            "tpu.trace_start"() <{level = 10 : i32, message = "ep_copy_out"}> : () -> ()
            %rem3A_294 = arith.constant 2 : i32
            %rem3A_295 = arith.remui %while3A_145, %rem3A_294 : i32
            %mul3A_296 = arith.constant 128 : i32
            %mul3A_297 = arith.muli %mul3A_296, %add3A_155 : i32
            %dma_start3A_298 = arith.constant 0 : i32
            %dma_start3A_299 = arith.constant 0 : i32
            %dma_start3A_300 = tpu.memref_slice %run_scoped3A_18[%rem3A_295, %dma_start3A_298, %dma_start3A_299] : memref<2x128x128xf32, #tpu.memory_space<vmem>> -> memref<1x128x128xf32, #tpu.memory_space<vmem>>
            %dma_start3A_301 = tpu.memref_squeeze %dma_start3A_300 : memref<1x128x128xf32, #tpu.memory_space<vmem>> -> memref<128x128xf32, #tpu.memory_space<vmem>>
            %dma_start3A_302 = arith.constant 0 : i32
            %dma_start3A_303 = tpu.memref_slice %arg4[%mul3A_297, %dma_start3A_302] : memref<160000x128xf32, #tpu.memory_space<hbm>> -> memref<128x128xf32, #tpu.memory_space<hbm>>
            %dma_start3A_304 = tpu.memref_slice %run_scoped3A_19[%rem3A_295] : memref<2x!tpu.dma_semaphore, #tpu.memory_space<semaphore_mem>> -> memref<1x!tpu.dma_semaphore, #tpu.memory_space<semaphore_mem>>
            %dma_start3A_305 = tpu.memref_squeeze %dma_start3A_304 : memref<1x!tpu.dma_semaphore, #tpu.memory_space<semaphore_mem>> -> memref<!tpu.dma_semaphore, #tpu.memory_space<semaphore_mem>>
            %dma_start3A_306 = arith.constant 0 : i32
            %dma_start3A_307 = tpu.memref_slice %arg4[%mul3A_297, %dma_start3A_306] : memref<160000x128xf32, #tpu.memory_space<hbm>> -> memref<128x128xf32, #tpu.memory_space<hbm>>
            %dma_start3A_308 = arith.constant 0 : i32
            %dma_start3A_309 = arith.constant 0 : i32
            %dma_start3A_310 = tpu.memref_slice %run_scoped3A_18[%rem3A_295, %dma_start3A_308, %dma_start3A_309] : memref<2x128x128xf32, #tpu.memory_space<vmem>> -> memref<1x128x128xf32, #tpu.memory_space<vmem>>
            %dma_start3A_311 = tpu.memref_squeeze %dma_start3A_310 : memref<1x128x128xf32, #tpu.memory_space<vmem>> -> memref<128x128xf32, #tpu.memory_space<vmem>>
            tpu.enqueue_dma source(%dma_start3A_311 : memref<128x128xf32, #tpu.memory_space<vmem>>) target(%dma_start3A_307 : memref<128x128xf32, #tpu.memory_space<hbm>>) target_semaphore(%dma_start3A_305 : memref<!tpu.dma_semaphore, #tpu.memory_space<semaphore_mem>>)
            "tpu.trace_stop"() : () -> ()
          } else {
          }
          %and3A_248 = arith.constant true
          %and3A_249 = arith.andi %or3A_244, %and3A_248 : i1
          %add3A_250 = arith.constant 1 : i32
          %add3A_251 = arith.addi %while3A_145, %add3A_250 : i32
          %select_n3A_252 = arith.select %and3A_249, %add3A_251, %while3A_145 : i32
          %ne3A_253 = arith.cmpi ne, %add3A_155, %add3A_165 : i32
          %or3A_254 = arith.constant false
          %or3A_255 = arith.ori %or3A_254, %ne3A_253 : i1
          %not3A_256 = arith.constant true
          %not3A_257 = arith.xori %eq3A_151, %not3A_256 : i1
          %and3A_258 = arith.andi %or3A_255, %not3A_257 : i1
          %convert_element_type3A_259 = arith.extui %and3A_258 : i1 to i32
          %cond3A_260 = arith.constant 0 : i32
          %cond3A_261 = arith.cmpi ne, %convert_element_type3A_259, %cond3A_260 : i32
          scf.if %cond3A_261 {
          } else {
          }
          %and3A_262 = arith.constant false
          %and3A_263 = arith.andi %and3A_258, %and3A_262 : i1
          %ne3A_264 = arith.cmpi ne, %add3A_155, %add3A_165 : i32
          %or3A_265 = arith.constant false
          %or3A_266 = arith.ori %or3A_265, %ne3A_264 : i1
          %or3A_267 = arith.constant false
          %or3A_268 = arith.ori %or3A_266, %or3A_267 : i1
          %not3A_269 = arith.constant true
          %not3A_270 = arith.xori %eq3A_151, %not3A_269 : i1
          %and3A_271 = arith.andi %or3A_268, %not3A_270 : i1
          %convert_element_type3A_272 = arith.extui %and3A_271 : i1 to i32
          %cond3A_273 = arith.constant 0 : i32
          %cond3A_274 = arith.cmpi ne, %convert_element_type3A_272, %cond3A_273 : i32
          scf.if %cond3A_274 {
            "tpu.trace_start"() <{level = 10 : i32, message = "ep_wait_out"}> : () -> ()
            %rem3A_294 = arith.constant 2 : i32
            %rem3A_295 = arith.remui %while3A_146, %rem3A_294 : i32
            %mul3A_296 = arith.constant 128 : i32
            %mul3A_297 = arith.muli %mul3A_296, %add3A_165 : i32
            %dma_wait3A = arith.constant 0 : i32
            %dma_wait3A_298 = arith.constant 0 : i32
            %dma_wait3A_299 = tpu.memref_slice %run_scoped3A_18[%rem3A_295, %dma_wait3A, %dma_wait3A_298] : memref<2x128x128xf32, #tpu.memory_space<vmem>> -> memref<1x128x128xf32, #tpu.memory_space<vmem>>
            %dma_wait3A_300 = tpu.memref_squeeze %dma_wait3A_299 : memref<1x128x128xf32, #tpu.memory_space<vmem>> -> memref<128x128xf32, #tpu.memory_space<vmem>>
            %dma_wait3A_301 = arith.constant 0 : i32
            %dma_wait3A_302 = tpu.memref_slice %arg4[%mul3A_297, %dma_wait3A_301] : memref<160000x128xf32, #tpu.memory_space<hbm>> -> memref<128x128xf32, #tpu.memory_space<hbm>>
            %dma_wait3A_303 = tpu.memref_slice %run_scoped3A_19[%rem3A_295] : memref<2x!tpu.dma_semaphore, #tpu.memory_space<semaphore_mem>> -> memref<1x!tpu.dma_semaphore, #tpu.memory_space<semaphore_mem>>
            %dma_wait3A_304 = tpu.memref_squeeze %dma_wait3A_303 : memref<1x!tpu.dma_semaphore, #tpu.memory_space<semaphore_mem>> -> memref<!tpu.dma_semaphore, #tpu.memory_space<semaphore_mem>>
            %dma_wait3A_305 = arith.constant 0 : i32
            %dma_wait3A_306 = tpu.memref_slice %arg4[%mul3A_297, %dma_wait3A_305] : memref<160000x128xf32, #tpu.memory_space<hbm>> -> memref<128x128xf32, #tpu.memory_space<hbm>>
            %dma_wait3A_307 = arith.constant 0 : i32
            %dma_wait3A_308 = arith.constant 0 : i32
            %dma_wait3A_309 = tpu.memref_slice %run_scoped3A_18[%rem3A_295, %dma_wait3A_307, %dma_wait3A_308] : memref<2x128x128xf32, #tpu.memory_space<vmem>> -> memref<1x128x128xf32, #tpu.memory_space<vmem>>
            %dma_wait3A_310 = tpu.memref_squeeze %dma_wait3A_309 : memref<1x128x128xf32, #tpu.memory_space<vmem>> -> memref<128x128xf32, #tpu.memory_space<vmem>>
            tpu.wait_dma2 semaphore(%dma_wait3A_304 : memref<!tpu.dma_semaphore, #tpu.memory_space<semaphore_mem>>) src(%dma_wait3A_310 : memref<128x128xf32, #tpu.memory_space<vmem>>) dst(%dma_wait3A_306 : memref<128x128xf32, #tpu.memory_space<hbm>>)
            "tpu.trace_stop"() : () -> ()
          } else {
          }
          %and3A_275 = arith.constant true
          %and3A_276 = arith.andi %and3A_271, %and3A_275 : i1
          %add3A_277 = arith.constant 1 : i32
          %add3A_278 = arith.addi %while3A_146, %add3A_277 : i32
          %select_n3A_279 = arith.select %and3A_276, %add3A_278, %while3A_146 : i32
          %ne3A_280 = arith.cmpi ne, %add3A_155, %add3A_173 : i32
          %or3A_281 = arith.constant false
          %or3A_282 = arith.ori %or3A_281, %ne3A_280 : i1
          %or3A_283 = arith.ori %or3A_282, %eq3A_154 : i1
          %add3A_284 = arith.constant 1 : i32
          %add3A_285 = arith.addi %while3A_144, %add3A_284 : i32
          %select_n3A_286 = arith.select %or3A_283, %add3A_285, %while3A_144 : i32
          %add3A_287 = arith.constant 1 : i32
          %add3A_288 = arith.addi %while3A_147, %add3A_287 : i32
          %select_n3A_289 = arith.constant true
          %select_n3A_290 = arith.select %select_n3A_289, %add3A_288, %while3A_147 : i32
          %eq3A_291 = arith.cmpi eq, %select_n3A_290, %select_n3A : i32
          %select_n3A_292 = arith.constant 0 : i32
          %select_n3A_293 = arith.select %eq3A_291, %select_n3A_292, %select_n3A_290 : i32
          scf.yield %select_n3A_195, %select_n3A_286, %select_n3A_252, %select_n3A_279, %select_n3A_293 : i32, i32, i32, i32, i32
        }
        %sub3A_91 = arith.constant 1 : i32
        %sub3A_92 = arith.subi %while3A_90#4, %sub3A_91 : i32
        %select_n3A_93 = arith.constant true
        %select_n3A_94 = arith.select %select_n3A_93, %sub3A_92, %while3A_90#4 : i32
        %eq3A_95 = arith.constant -1 : i32
        %eq3A_96 = arith.cmpi eq, %select_n3A_94, %eq3A_95 : i32
        %sub3A_97 = arith.constant 1 : i32
        %sub3A_98 = arith.subi %select_n3A, %sub3A_97 : i32
        %select_n3A_99 = arith.select %eq3A_96, %sub3A_98, %select_n3A_94 : i32
        %sub3A_100 = arith.constant 1 : i32
        %sub3A_101 = arith.subi %mul3A_16, %sub3A_100 : i32
        %mul3A_102 = arith.constant 1 : i32
        %mul3A_103 = arith.muli %mul3A_102, %select_n3A : i32
        %eq3A_104 = arith.constant 0 : i32
        %eq3A_105 = arith.cmpi eq, %sub3A_101, %eq3A_104 : i32
        %sub3A_106 = arith.constant 1 : i32
        %sub3A_107 = arith.subi %mul3A_103, %sub3A_106 : i32
        %eq3A_108 = arith.cmpi eq, %sub3A_101, %sub3A_107 : i32
        %add3A_109 = arith.addi %select_n3A_99, %select_n3A_14 : i32
        %sub3A_110 = arith.constant 1 : i32
        %sub3A_111 = arith.subi %select_n3A_99, %sub3A_110 : i32
        %select_n3A_112 = arith.constant true
        %select_n3A_113 = arith.select %select_n3A_112, %sub3A_111, %select_n3A_99 : i32
        %eq3A_114 = arith.constant -1 : i32
        %eq3A_115 = arith.cmpi eq, %select_n3A_113, %eq3A_114 : i32
        %sub3A_116 = arith.constant 1 : i32
        %sub3A_117 = arith.subi %select_n3A, %sub3A_116 : i32
        %select_n3A_118 = arith.select %eq3A_115, %sub3A_117, %select_n3A_113 : i32
        %add3A_119 = arith.addi %select_n3A_118, %select_n3A_14 : i32
        %add3A_120 = arith.constant 1 : i32
        %add3A_121 = arith.addi %select_n3A_99, %add3A_120 : i32
        %select_n3A_122 = arith.constant true
        %select_n3A_123 = arith.select %select_n3A_122, %add3A_121, %select_n3A_99 : i32
        %eq3A_124 = arith.cmpi eq, %select_n3A_123, %select_n3A : i32
        %select_n3A_125 = arith.constant 0 : i32
        %select_n3A_126 = arith.select %eq3A_124, %select_n3A_125, %select_n3A_123 : i32
        %add3A_127 = arith.addi %select_n3A_126, %select_n3A_14 : i32
        %add3A_128 = arith.constant 1 : i32
        %add3A_129 = arith.addi %select_n3A_126, %add3A_128 : i32
        %select_n3A_130 = arith.constant true
        %select_n3A_131 = arith.select %select_n3A_130, %add3A_129, %select_n3A_126 : i32
        %eq3A_132 = arith.cmpi eq, %select_n3A_131, %select_n3A : i32
        %select_n3A_133 = arith.constant 0 : i32
        %select_n3A_134 = arith.select %eq3A_132, %select_n3A_133, %select_n3A_131 : i32
        %add3A_135 = arith.addi %select_n3A_134, %select_n3A_14 : i32
        %convert_element_type3A_136 = arith.extui %eq3A_108 : i1 to i32
        %cond3A_137 = arith.constant 0 : i32
        %cond3A_138 = arith.cmpi ne, %convert_element_type3A_136, %cond3A_137 : i32
        scf.if %cond3A_138 {
        } else {
        }
        %convert_element_type3A_139 = arith.extui %eq3A_108 : i1 to i32
        %cond3A_140 = arith.constant 0 : i32
        %cond3A_141 = arith.cmpi ne, %convert_element_type3A_139, %cond3A_140 : i32
        scf.if %cond3A_141 {
          "tpu.trace_start"() <{level = 10 : i32, message = "ep_finalize"}> : () -> ()
          %rem3A_142 = arith.constant 2 : i32
          %rem3A_143 = arith.remui %while3A_90#3, %rem3A_142 : i32
          %mul3A_144 = arith.constant 128 : i32
          %mul3A_145 = arith.muli %mul3A_144, %add3A_109 : i32
          %dma_wait3A = arith.constant 0 : i32
          %dma_wait3A_146 = arith.constant 0 : i32
          %dma_wait3A_147 = tpu.memref_slice %run_scoped3A_18[%rem3A_143, %dma_wait3A, %dma_wait3A_146] : memref<2x128x128xf32, #tpu.memory_space<vmem>> -> memref<1x128x128xf32, #tpu.memory_space<vmem>>
          %dma_wait3A_148 = tpu.memref_squeeze %dma_wait3A_147 : memref<1x128x128xf32, #tpu.memory_space<vmem>> -> memref<128x128xf32, #tpu.memory_space<vmem>>
          %dma_wait3A_149 = arith.constant 0 : i32
          %dma_wait3A_150 = tpu.memref_slice %arg4[%mul3A_145, %dma_wait3A_149] : memref<160000x128xf32, #tpu.memory_space<hbm>> -> memref<128x128xf32, #tpu.memory_space<hbm>>
          %dma_wait3A_151 = tpu.memref_slice %run_scoped3A_19[%rem3A_143] : memref<2x!tpu.dma_semaphore, #tpu.memory_space<semaphore_mem>> -> memref<1x!tpu.dma_semaphore, #tpu.memory_space<semaphore_mem>>
          %dma_wait3A_152 = tpu.memref_squeeze %dma_wait3A_151 : memref<1x!tpu.dma_semaphore, #tpu.memory_space<semaphore_mem>> -> memref<!tpu.dma_semaphore, #tpu.memory_space<semaphore_mem>>
          %dma_wait3A_153 = arith.constant 0 : i32
          %dma_wait3A_154 = tpu.memref_slice %arg4[%mul3A_145, %dma_wait3A_153] : memref<160000x128xf32, #tpu.memory_space<hbm>> -> memref<128x128xf32, #tpu.memory_space<hbm>>
          %dma_wait3A_155 = arith.constant 0 : i32
          %dma_wait3A_156 = arith.constant 0 : i32
          %dma_wait3A_157 = tpu.memref_slice %run_scoped3A_18[%rem3A_143, %dma_wait3A_155, %dma_wait3A_156] : memref<2x128x128xf32, #tpu.memory_space<vmem>> -> memref<1x128x128xf32, #tpu.memory_space<vmem>>
          %dma_wait3A_158 = tpu.memref_squeeze %dma_wait3A_157 : memref<1x128x128xf32, #tpu.memory_space<vmem>> -> memref<128x128xf32, #tpu.memory_space<vmem>>
          tpu.wait_dma2 semaphore(%dma_wait3A_152 : memref<!tpu.dma_semaphore, #tpu.memory_space<semaphore_mem>>) src(%dma_wait3A_158 : memref<128x128xf32, #tpu.memory_space<vmem>>) dst(%dma_wait3A_154 : memref<128x128xf32, #tpu.memory_space<hbm>>)
          "tpu.trace_stop"() : () -> ()
        } else {
        }
      } else {
      }
      tpu.yield
    }) : () -> ()
    return
  }
}

#map = affine_map<(d0, d1) -> (0, 0)>
module attributes {stable_mosaic.version = 14 : i64} {
  func.func @gk(%arg0: i32, %arg1: i32, %arg2: memref<10000x256xf32, #tpu.memory_space<hbm>>, %arg3: memref<1x160000xi32, #tpu.memory_space<hbm>>, %arg4: memref<160000x256xf32, #tpu.memory_space<hbm>>) attributes {dimension_semantics = [#tpu.dimension_semantics<core_parallel>, #tpu.dimension_semantics<subcore_parallel>], iteration_bounds = array<i64: 2, 16>, scalar_prefetch = 0 : i64, scratch_operands = 0 : i64, tpu.core_type = #tpu.core_type<sc_vector_subcore>, window_params = [{transform_indices = #map}, {transform_indices = #map}, {transform_indices = #map}]} {
    %mul3A = arith.constant 1 : i32
    %mul3A_0 = arith.muli %arg1, %mul3A : i32
    %add3A = arith.constant 0 : i32
    %add3A_1 = arith.addi %add3A, %mul3A_0 : i32
    %mul3A_2 = arith.constant 16 : i32
    %mul3A_3 = arith.muli %arg0, %mul3A_2 : i32
    %add3A_4 = arith.addi %add3A_1, %mul3A_3 : i32
    %lt3A = arith.constant 2 : i32
    %lt3A_5 = arith.cmpi slt, %add3A_4, %lt3A : i32
    %jit3A = arith.constant 40 : i32
    %jit3A_6 = arith.constant 39 : i32
    %select_n3A = arith.select %lt3A_5, %jit3A, %jit3A_6 : i32
    %lt3A_7 = arith.constant 2 : i32
    %lt3A_8 = arith.cmpi slt, %add3A_4, %lt3A_7 : i32
    %mul3A_9 = arith.muli %add3A_4, %select_n3A : i32
    %mul3A_10 = arith.constant 39 : i32
    %mul3A_11 = arith.muli %add3A_4, %mul3A_10 : i32
    %add3A_12 = arith.constant 2 : i32
    %add3A_13 = arith.addi %mul3A_11, %add3A_12 : i32
    %select_n3A_14 = arith.select %lt3A_8, %mul3A_9, %add3A_13 : i32
    %mul3A_15 = arith.constant 1 : i32
    %mul3A_16 = arith.muli %mul3A_15, %select_n3A : i32
    "tpu.region"() ({
      %run_scoped3A = memref.alloca() : memref<2x1x128xi32, #tpu.memory_space<vmem>>
      %run_scoped3A_17 = tpu.sem_alloc : memref<2x!tpu.dma_semaphore, #tpu.memory_space<semaphore_mem>>
      %run_scoped3A_18 = memref.alloca() : memref<2x128x256xf32, #tpu.memory_space<vmem>>
      %run_scoped3A_19 = tpu.sem_alloc : memref<2x!tpu.dma_semaphore, #tpu.memory_space<semaphore_mem>>
      %gt3A = arith.constant 0 : i32
      %gt3A_20 = arith.cmpi sgt, %mul3A_16, %gt3A : i32
      %convert_element_type3A = arith.extui %gt3A_20 : i1 to i32
      %cond3A = arith.constant 0 : i32
      %cond3A_21 = arith.cmpi ne, %convert_element_type3A, %cond3A : i32
      scf.if %cond3A_21 {
        %mul3A_22 = arith.constant 1 : i32
        %mul3A_23 = arith.muli %mul3A_22, %select_n3A : i32
        %sub3A = arith.constant 1 : i32
        %sub3A_24 = arith.subi %mul3A_23, %sub3A : i32
        %eq3A = arith.constant 0 : i32
        %eq3A_25 = arith.cmpi eq, %sub3A_24, %eq3A : i32
        %add3A_26 = arith.constant 0 : i32
        %add3A_27 = arith.addi %add3A_26, %select_n3A_14 : i32
        %select_n3A_28 = arith.constant true
        %select_n3A_29 = arith.constant 0 : i32
        %select_n3A_30 = arith.constant -1 : i32
        %select_n3A_31 = arith.select %select_n3A_28, %select_n3A_30, %select_n3A_29 : i32
        %eq3A_32 = arith.constant -1 : i32
        %eq3A_33 = arith.cmpi eq, %select_n3A_31, %eq3A_32 : i32
        %sub3A_34 = arith.constant 1 : i32
        %sub3A_35 = arith.subi %select_n3A, %sub3A_34 : i32
        %select_n3A_36 = arith.select %eq3A_33, %sub3A_35, %select_n3A_31 : i32
        %add3A_37 = arith.addi %select_n3A_36, %select_n3A_14 : i32
        %select_n3A_38 = arith.constant true
        %select_n3A_39 = arith.constant 0 : i32
        %select_n3A_40 = arith.constant 1 : i32
        %select_n3A_41 = arith.select %select_n3A_38, %select_n3A_40, %select_n3A_39 : i32
        %eq3A_42 = arith.cmpi eq, %select_n3A_41, %select_n3A : i32
        %select_n3A_43 = arith.constant 0 : i32
        %select_n3A_44 = arith.select %eq3A_42, %select_n3A_43, %select_n3A_41 : i32
        %add3A_45 = arith.addi %select_n3A_44, %select_n3A_14 : i32
        %add3A_46 = arith.constant 1 : i32
        %add3A_47 = arith.addi %select_n3A_44, %add3A_46 : i32
        %select_n3A_48 = arith.constant true
        %select_n3A_49 = arith.select %select_n3A_48, %add3A_47, %select_n3A_44 : i32
        %eq3A_50 = arith.cmpi eq, %select_n3A_49, %select_n3A : i32
        %select_n3A_51 = arith.constant 0 : i32
        %select_n3A_52 = arith.select %eq3A_50, %select_n3A_51, %select_n3A_49 : i32
        %add3A_53 = arith.addi %select_n3A_52, %select_n3A_14 : i32
        "tpu.trace_start"() <{level = 10 : i32, message = "ep_initialize_0"}> : () -> ()
        %rem3A = arith.constant 0 : i32
        %rem3A_54 = arith.constant 2 : i32
        %rem3A_55 = arith.remui %rem3A, %rem3A_54 : i32
        %mul3A_56 = arith.constant 128 : i32
        %mul3A_57 = arith.muli %mul3A_56, %add3A_27 : i32
        %dma_start3A = arith.constant 0 : i32
        %dma_start3A_58 = arith.constant 0 : i32
        %dma_start3A_59 = tpu.memref_slice %run_scoped3A[%rem3A_55, %dma_start3A, %dma_start3A_58] : memref<2x1x128xi32, #tpu.memory_space<vmem>> -> memref<1x1x128xi32, #tpu.memory_space<vmem>>
        %dma_start3A_60 = tpu.memref_squeeze %dma_start3A_59 : memref<1x1x128xi32, #tpu.memory_space<vmem>> -> memref<1x128xi32, #tpu.memory_space<vmem>>
        %dma_start3A_61 = arith.constant 0 : i32
        %dma_start3A_62 = tpu.memref_slice %arg3[%dma_start3A_61, %mul3A_57] : memref<1x160000xi32, #tpu.memory_space<hbm>> -> memref<1x128xi32, #tpu.memory_space<hbm>>
        %dma_start3A_63 = tpu.memref_slice %run_scoped3A_17[%rem3A_55] : memref<2x!tpu.dma_semaphore, #tpu.memory_space<semaphore_mem>> -> memref<1x!tpu.dma_semaphore, #tpu.memory_space<semaphore_mem>>
        %dma_start3A_64 = tpu.memref_squeeze %dma_start3A_63 : memref<1x!tpu.dma_semaphore, #tpu.memory_space<semaphore_mem>> -> memref<!tpu.dma_semaphore, #tpu.memory_space<semaphore_mem>>
        %dma_start3A_65 = arith.constant 0 : i32
        %dma_start3A_66 = arith.constant 0 : i32
        %dma_start3A_67 = tpu.memref_slice %run_scoped3A[%rem3A_55, %dma_start3A_65, %dma_start3A_66] : memref<2x1x128xi32, #tpu.memory_space<vmem>> -> memref<1x1x128xi32, #tpu.memory_space<vmem>>
        %dma_start3A_68 = tpu.memref_squeeze %dma_start3A_67 : memref<1x1x128xi32, #tpu.memory_space<vmem>> -> memref<1x128xi32, #tpu.memory_space<vmem>>
        %dma_start3A_69 = arith.constant 0 : i32
        %dma_start3A_70 = tpu.memref_slice %arg3[%dma_start3A_69, %mul3A_57] : memref<1x160000xi32, #tpu.memory_space<hbm>> -> memref<1x128xi32, #tpu.memory_space<hbm>>
        tpu.enqueue_dma source(%dma_start3A_70 : memref<1x128xi32, #tpu.memory_space<hbm>>) target(%dma_start3A_68 : memref<1x128xi32, #tpu.memory_space<vmem>>) target_semaphore(%dma_start3A_64 : memref<!tpu.dma_semaphore, #tpu.memory_space<semaphore_mem>>)
        %add3A_71 = arith.constant 0 : i32
        %add3A_72 = arith.constant 1 : i32
        %add3A_73 = arith.addi %add3A_71, %add3A_72 : i32
        %select_n3A_74 = arith.constant true
        %select_n3A_75 = arith.constant 0 : i32
        %select_n3A_76 = arith.select %select_n3A_74, %add3A_73, %select_n3A_75 : i32
        %while3A = arith.constant 0 : i32
        %while3A_77 = arith.constant 0 : i32
        %while3A_78 = arith.constant 0 : i32
        %while3A_79 = arith.constant 0 : i32
        %while3A_80 = arith.constant 0 : i32
        "tpu.trace_stop"() : () -> ()
        %while3A_81 = arith.subi %mul3A_16, %while3A : i32
        %while3A_82 = arith.addi %while3A, %while3A_81 : i32
        %while3A_83 = arith.constant 1 : i32
        %while3A_84 = arith.divsi %while3A_81, %while3A_83 : i32
        %while3A_85 = arith.muli %while3A_84, %while3A_83 : i32
        %while3A_86 = arith.addi %while3A, %while3A_85 : i32
        %while3A_87 = arith.constant 1 : i32
        %while3A_88:5 = scf.for %while3A_142 = %while3A to %while3A_86 step %while3A_87 iter_args(%while3A_143 = %select_n3A_76, %while3A_144 = %while3A_77, %while3A_145 = %while3A_78, %while3A_146 = %while3A_79, %while3A_147 = %while3A_80) -> (i32, i32, i32, i32, i32)  : i32 {
          %mul3A_148 = arith.constant 1 : i32
          %mul3A_149 = arith.muli %mul3A_148, %select_n3A : i32
          %eq3A_150 = arith.constant 0 : i32
          %eq3A_151 = arith.cmpi eq, %while3A_142, %eq3A_150 : i32
          %sub3A_152 = arith.constant 1 : i32
          %sub3A_153 = arith.subi %mul3A_149, %sub3A_152 : i32
          %eq3A_154 = arith.cmpi eq, %while3A_142, %sub3A_153 : i32
          %add3A_155 = arith.addi %while3A_147, %select_n3A_14 : i32
          %sub3A_156 = arith.constant 1 : i32
          %sub3A_157 = arith.subi %while3A_147, %sub3A_156 : i32
          %select_n3A_158 = arith.constant true
          %select_n3A_159 = arith.select %select_n3A_158, %sub3A_157, %while3A_147 : i32
          %eq3A_160 = arith.constant -1 : i32
          %eq3A_161 = arith.cmpi eq, %select_n3A_159, %eq3A_160 : i32
          %sub3A_162 = arith.constant 1 : i32
          %sub3A_163 = arith.subi %select_n3A, %sub3A_162 : i32
          %select_n3A_164 = arith.select %eq3A_161, %sub3A_163, %select_n3A_159 : i32
          %add3A_165 = arith.addi %select_n3A_164, %select_n3A_14 : i32
          %add3A_166 = arith.constant 1 : i32
          %add3A_167 = arith.addi %while3A_147, %add3A_166 : i32
          %select_n3A_168 = arith.constant true
          %select_n3A_169 = arith.select %select_n3A_168, %add3A_167, %while3A_147 : i32
          %eq3A_170 = arith.cmpi eq, %select_n3A_169, %select_n3A : i32
          %select_n3A_171 = arith.constant 0 : i32
          %select_n3A_172 = arith.select %eq3A_170, %select_n3A_171, %select_n3A_169 : i32
          %add3A_173 = arith.addi %select_n3A_172, %select_n3A_14 : i32
          %add3A_174 = arith.constant 1 : i32
          %add3A_175 = arith.addi %select_n3A_172, %add3A_174 : i32
          %select_n3A_176 = arith.constant true
          %select_n3A_177 = arith.select %select_n3A_176, %add3A_175, %select_n3A_172 : i32
          %eq3A_178 = arith.cmpi eq, %select_n3A_177, %select_n3A : i32
          %select_n3A_179 = arith.constant 0 : i32
          %select_n3A_180 = arith.select %eq3A_178, %select_n3A_179, %select_n3A_177 : i32
          %add3A_181 = arith.addi %select_n3A_180, %select_n3A_14 : i32
          %ne3A = arith.cmpi ne, %add3A_155, %add3A_173 : i32
          %or3A = arith.constant false
          %or3A_182 = arith.ori %or3A, %ne3A : i1
          %sub3A_183 = arith.constant 2 : i32
          %sub3A_184 = arith.subi %mul3A_149, %sub3A_183 : i32
          %add3A_185 = arith.constant 1 : i32
          %add3A_186 = arith.addi %sub3A_184, %add3A_185 : i32
          %ge3A = arith.cmpi sge, %while3A_142, %add3A_186 : i32
          %not3A = arith.constant true
          %not3A_187 = arith.xori %ge3A, %not3A : i1
          %and3A = arith.andi %or3A_182, %not3A_187 : i1
          %convert_element_type3A_188 = arith.extui %and3A : i1 to i32
          %cond3A_189 = arith.constant 0 : i32
          %cond3A_190 = arith.cmpi ne, %convert_element_type3A_188, %cond3A_189 : i32
          scf.if %cond3A_190 {
            "tpu.trace_start"() <{level = 10 : i32, message = "ep_copy_in"}> : () -> ()
            %rem3A_294 = arith.constant 2 : i32
            %rem3A_295 = arith.remui %while3A_143, %rem3A_294 : i32
            %mul3A_296 = arith.constant 128 : i32
            %mul3A_297 = arith.muli %mul3A_296, %add3A_173 : i32
            %dma_start3A_298 = arith.constant 0 : i32
            %dma_start3A_299 = arith.constant 0 : i32
            %dma_start3A_300 = tpu.memref_slice %run_scoped3A[%rem3A_295, %dma_start3A_298, %dma_start3A_299] : memref<2x1x128xi32, #tpu.memory_space<vmem>> -> memref<1x1x128xi32, #tpu.memory_space<vmem>>
            %dma_start3A_301 = tpu.memref_squeeze %dma_start3A_300 : memref<1x1x128xi32, #tpu.memory_space<vmem>> -> memref<1x128xi32, #tpu.memory_space<vmem>>
            %dma_start3A_302 = arith.constant 0 : i32
            %dma_start3A_303 = tpu.memref_slice %arg3[%dma_start3A_302, %mul3A_297] : memref<1x160000xi32, #tpu.memory_space<hbm>> -> memref<1x128xi32, #tpu.memory_space<hbm>>
            %dma_start3A_304 = tpu.memref_slice %run_scoped3A_17[%rem3A_295] : memref<2x!tpu.dma_semaphore, #tpu.memory_space<semaphore_mem>> -> memref<1x!tpu.dma_semaphore, #tpu.memory_space<semaphore_mem>>
            %dma_start3A_305 = tpu.memref_squeeze %dma_start3A_304 : memref<1x!tpu.dma_semaphore, #tpu.memory_space<semaphore_mem>> -> memref<!tpu.dma_semaphore, #tpu.memory_space<semaphore_mem>>
            %dma_start3A_306 = arith.constant 0 : i32
            %dma_start3A_307 = arith.constant 0 : i32
            %dma_start3A_308 = tpu.memref_slice %run_scoped3A[%rem3A_295, %dma_start3A_306, %dma_start3A_307] : memref<2x1x128xi32, #tpu.memory_space<vmem>> -> memref<1x1x128xi32, #tpu.memory_space<vmem>>
            %dma_start3A_309 = tpu.memref_squeeze %dma_start3A_308 : memref<1x1x128xi32, #tpu.memory_space<vmem>> -> memref<1x128xi32, #tpu.memory_space<vmem>>
            %dma_start3A_310 = arith.constant 0 : i32
            %dma_start3A_311 = tpu.memref_slice %arg3[%dma_start3A_310, %mul3A_297] : memref<1x160000xi32, #tpu.memory_space<hbm>> -> memref<1x128xi32, #tpu.memory_space<hbm>>
            tpu.enqueue_dma source(%dma_start3A_311 : memref<1x128xi32, #tpu.memory_space<hbm>>) target(%dma_start3A_309 : memref<1x128xi32, #tpu.memory_space<vmem>>) target_semaphore(%dma_start3A_305 : memref<!tpu.dma_semaphore, #tpu.memory_space<semaphore_mem>>)
            "tpu.trace_stop"() : () -> ()
          } else {
          }
          %and3A_191 = arith.constant true
          %and3A_192 = arith.andi %and3A, %and3A_191 : i1
          %add3A_193 = arith.constant 1 : i32
          %add3A_194 = arith.addi %while3A_143, %add3A_193 : i32
          %select_n3A_195 = arith.select %and3A_192, %add3A_194, %while3A_143 : i32
          %ne3A_196 = arith.cmpi ne, %add3A_155, %add3A_173 : i32
          %or3A_197 = arith.constant false
          %or3A_198 = arith.ori %or3A_197, %ne3A_196 : i1
          %or3A_199 = arith.constant false
          %or3A_200 = arith.ori %or3A_198, %or3A_199 : i1
          %sub3A_201 = arith.constant 2 : i32
          %sub3A_202 = arith.subi %mul3A_149, %sub3A_201 : i32
          %add3A_203 = arith.constant 1 : i32
          %add3A_204 = arith.addi %sub3A_202, %add3A_203 : i32
          %ge3A_205 = arith.cmpi sge, %while3A_142, %add3A_204 : i32
          %not3A_206 = arith.constant true
          %not3A_207 = arith.xori %ge3A_205, %not3A_206 : i1
          %and3A_208 = arith.andi %or3A_200, %not3A_207 : i1
          %ne3A_209 = arith.cmpi ne, %add3A_155, %add3A_165 : i32
          %or3A_210 = arith.constant false
          %or3A_211 = arith.ori %or3A_210, %ne3A_209 : i1
          %or3A_212 = arith.ori %or3A_211, %eq3A_151 : i1
          %convert_element_type3A_213 = arith.extui %or3A_212 : i1 to i32
          %cond3A_214 = arith.constant 0 : i32
          %cond3A_215 = arith.cmpi ne, %convert_element_type3A_213, %cond3A_214 : i32
          scf.if %cond3A_215 {
            "tpu.trace_start"() <{level = 10 : i32, message = "ep_wait_in"}> : () -> ()
            %mul3A_294 = arith.constant 128 : i32
            %mul3A_295 = arith.muli %mul3A_294, %add3A_155 : i32
            %rem3A_296 = arith.constant 2 : i32
            %rem3A_297 = arith.remui %while3A_144, %rem3A_296 : i32
            %dma_wait3A = arith.constant 0 : i32
            %dma_wait3A_298 = arith.constant 0 : i32
            %dma_wait3A_299 = tpu.memref_slice %run_scoped3A[%rem3A_297, %dma_wait3A, %dma_wait3A_298] : memref<2x1x128xi32, #tpu.memory_space<vmem>> -> memref<1x1x128xi32, #tpu.memory_space<vmem>>
            %dma_wait3A_300 = tpu.memref_squeeze %dma_wait3A_299 : memref<1x1x128xi32, #tpu.memory_space<vmem>> -> memref<1x128xi32, #tpu.memory_space<vmem>>
            %dma_wait3A_301 = arith.constant 0 : i32
            %dma_wait3A_302 = tpu.memref_slice %arg3[%dma_wait3A_301, %mul3A_295] : memref<1x160000xi32, #tpu.memory_space<hbm>> -> memref<1x128xi32, #tpu.memory_space<hbm>>
            %dma_wait3A_303 = tpu.memref_slice %run_scoped3A_17[%rem3A_297] : memref<2x!tpu.dma_semaphore, #tpu.memory_space<semaphore_mem>> -> memref<1x!tpu.dma_semaphore, #tpu.memory_space<semaphore_mem>>
            %dma_wait3A_304 = tpu.memref_squeeze %dma_wait3A_303 : memref<1x!tpu.dma_semaphore, #tpu.memory_space<semaphore_mem>> -> memref<!tpu.dma_semaphore, #tpu.memory_space<semaphore_mem>>
            %dma_wait3A_305 = arith.constant 0 : i32
            %dma_wait3A_306 = arith.constant 0 : i32
            %dma_wait3A_307 = tpu.memref_slice %run_scoped3A[%rem3A_297, %dma_wait3A_305, %dma_wait3A_306] : memref<2x1x128xi32, #tpu.memory_space<vmem>> -> memref<1x1x128xi32, #tpu.memory_space<vmem>>
            %dma_wait3A_308 = tpu.memref_squeeze %dma_wait3A_307 : memref<1x1x128xi32, #tpu.memory_space<vmem>> -> memref<1x128xi32, #tpu.memory_space<vmem>>
            %dma_wait3A_309 = arith.constant 0 : i32
            %dma_wait3A_310 = tpu.memref_slice %arg3[%dma_wait3A_309, %mul3A_295] : memref<1x160000xi32, #tpu.memory_space<hbm>> -> memref<1x128xi32, #tpu.memory_space<hbm>>
            tpu.wait_dma2 semaphore(%dma_wait3A_304 : memref<!tpu.dma_semaphore, #tpu.memory_space<semaphore_mem>>) src(%dma_wait3A_310 : memref<1x128xi32, #tpu.memory_space<hbm>>) dst(%dma_wait3A_308 : memref<1x128xi32, #tpu.memory_space<vmem>>)
            "tpu.trace_stop"() : () -> ()
          } else {
          }
          %ne3A_216 = arith.cmpi ne, %add3A_155, %add3A_165 : i32
          %or3A_217 = arith.constant false
          %or3A_218 = arith.ori %or3A_217, %ne3A_216 : i1
          %or3A_219 = arith.constant false
          %or3A_220 = arith.ori %or3A_218, %or3A_219 : i1
          %or3A_221 = arith.ori %or3A_220, %eq3A_151 : i1
          %convert_element_type3A_222 = arith.extui %or3A_221 : i1 to i32
          %cond3A_223 = arith.constant 0 : i32
          %cond3A_224 = arith.cmpi ne, %convert_element_type3A_222, %cond3A_223 : i32
          scf.if %cond3A_224 {
          } else {
          }
          %rem3A_225 = arith.constant 2 : i32
          %rem3A_226 = arith.remui %while3A_144, %rem3A_225 : i32
          %rem3A_227 = arith.constant 2 : i32
          %rem3A_228 = arith.remui %while3A_145, %rem3A_227 : i32
          %run_scoped3A_229 = arith.constant 0 : i32
          "tpu.trace_start"() <{level = 10 : i32, message = "ep_run_kernel"}> : () -> ()
          "tpu.region"() ({
            %run_scoped3A_294 = tpu.sem_alloc : memref<!tpu.dma_semaphore, #tpu.memory_space<semaphore_mem>>
            %dma_start3A_295 = arith.constant 0 : i32
            %dma_start3A_296 = arith.constant 0 : i32
            %dma_start3A_297 = tpu.memref_slice %run_scoped3A_18[%rem3A_228, %dma_start3A_295, %dma_start3A_296] : memref<2x128x256xf32, #tpu.memory_space<vmem>> -> memref<1x128x256xf32, #tpu.memory_space<vmem>>
            %dma_start3A_298 = tpu.memref_squeeze %dma_start3A_297 : memref<1x128x256xf32, #tpu.memory_space<vmem>> -> memref<128x256xf32, #tpu.memory_space<vmem>>
            %dma_start3A_299 = arith.constant 0 : i32
            %dma_start3A_300 = arith.constant 0 : i32
            %dma_start3A_301 = tpu.memref_slice %run_scoped3A[%rem3A_226, %dma_start3A_299, %dma_start3A_300] : memref<2x1x128xi32, #tpu.memory_space<vmem>> -> memref<1x1x128xi32, #tpu.memory_space<vmem>>
            %dma_start3A_302 = tpu.memref_squeeze %dma_start3A_301 : memref<1x1x128xi32, #tpu.memory_space<vmem>> -> memref<1x128xi32, #tpu.memory_space<vmem>>
            %dma_start3A_303 = arith.constant 0 : i32
            %dma_start3A_304 = tpu.memref_slice %dma_start3A_302[%run_scoped3A_229, %dma_start3A_303] : memref<1x128xi32, #tpu.memory_space<vmem>> -> memref<1x128xi32, #tpu.memory_space<vmem>>
            %dma_start3A_305 = tpu.memref_squeeze %dma_start3A_304 : memref<1x128xi32, #tpu.memory_space<vmem>> -> memref<128xi32, #tpu.memory_space<vmem>>
            %dma_start3A_306 = arith.constant 0 : i32
            %dma_start3A_307 = arith.constant 0 : i32
            %dma_start3A_308 = tpu.memref_slice %arg2[%dma_start3A_306, %dma_start3A_307] : memref<10000x256xf32, #tpu.memory_space<hbm>> -> memref<10000x256xf32, #tpu.memory_space<hbm>>
            tpu.enqueue_indirect_dma source(%dma_start3A_308 : memref<10000x256xf32, #tpu.memory_space<hbm>>) target(%dma_start3A_298 : memref<128x256xf32, #tpu.memory_space<vmem>>) offsets(%dma_start3A_305 : memref<128xi32, #tpu.memory_space<vmem>>) semaphore(%run_scoped3A_294 : memref<!tpu.dma_semaphore, #tpu.memory_space<semaphore_mem>>)
            %dma_wait3A = arith.constant 0 : i32
            %dma_wait3A_309 = arith.constant 0 : i32
            %dma_wait3A_310 = tpu.memref_slice %run_scoped3A_18[%rem3A_228, %dma_wait3A, %dma_wait3A_309] : memref<2x128x256xf32, #tpu.memory_space<vmem>> -> memref<1x128x256xf32, #tpu.memory_space<vmem>>
            %dma_wait3A_311 = tpu.memref_squeeze %dma_wait3A_310 : memref<1x128x256xf32, #tpu.memory_space<vmem>> -> memref<128x256xf32, #tpu.memory_space<vmem>>
            %dma_wait3A_312 = arith.constant 0 : i32
            %dma_wait3A_313 = arith.constant 0 : i32
            %dma_wait3A_314 = tpu.memref_slice %run_scoped3A[%rem3A_226, %dma_wait3A_312, %dma_wait3A_313] : memref<2x1x128xi32, #tpu.memory_space<vmem>> -> memref<1x1x128xi32, #tpu.memory_space<vmem>>
            %dma_wait3A_315 = tpu.memref_squeeze %dma_wait3A_314 : memref<1x1x128xi32, #tpu.memory_space<vmem>> -> memref<1x128xi32, #tpu.memory_space<vmem>>
            %dma_wait3A_316 = arith.constant 0 : i32
            %dma_wait3A_317 = tpu.memref_slice %dma_wait3A_315[%run_scoped3A_229, %dma_wait3A_316] : memref<1x128xi32, #tpu.memory_space<vmem>> -> memref<1x128xi32, #tpu.memory_space<vmem>>
            %dma_wait3A_318 = tpu.memref_squeeze %dma_wait3A_317 : memref<1x128xi32, #tpu.memory_space<vmem>> -> memref<128xi32, #tpu.memory_space<vmem>>
            %dma_wait3A_319 = arith.constant 0 : i32
            %dma_wait3A_320 = arith.constant 0 : i32
            %dma_wait3A_321 = tpu.memref_slice %arg2[%dma_wait3A_319, %dma_wait3A_320] : memref<10000x256xf32, #tpu.memory_space<hbm>> -> memref<10000x256xf32, #tpu.memory_space<hbm>>
            tpu.wait_indirect_dma semaphore(%run_scoped3A_294 : memref<!tpu.dma_semaphore, #tpu.memory_space<semaphore_mem>>) src(%dma_wait3A_321 : memref<10000x256xf32, #tpu.memory_space<hbm>>) dst(%dma_wait3A_311 : memref<128x256xf32, #tpu.memory_space<vmem>>)
            tpu.yield
          }) : () -> ()
          "tpu.trace_stop"() : () -> ()
          %ne3A_230 = arith.cmpi ne, %add3A_155, %add3A_173 : i32
          %or3A_231 = arith.constant false
          %or3A_232 = arith.ori %or3A_231, %ne3A_230 : i1
          %or3A_233 = arith.ori %or3A_232, %eq3A_154 : i1
          %convert_element_type3A_234 = arith.extui %or3A_233 : i1 to i32
          %cond3A_235 = arith.constant 0 : i32
          %cond3A_236 = arith.cmpi ne, %convert_element_type3A_234, %cond3A_235 : i32
          scf.if %cond3A_236 {
          } else {
          }
          %and3A_237 = arith.constant false
          %and3A_238 = arith.andi %or3A_233, %and3A_237 : i1
          %ne3A_239 = arith.cmpi ne, %add3A_155, %add3A_173 : i32
          %or3A_240 = arith.constant false
          %or3A_241 = arith.ori %or3A_240, %ne3A_239 : i1
          %or3A_242 = arith.constant false
          %or3A_243 = arith.ori %or3A_241, %or3A_242 : i1
          %or3A_244 = arith.ori %or3A_243, %eq3A_154 : i1
          %convert_element_type3A_245 = arith.extui %or3A_244 : i1 to i32
          %cond3A_246 = arith.constant 0 : i32
          %cond3A_247 = arith.cmpi ne, %convert_element_type3A_245, %cond3A_246 : i32
          scf.if %cond3A_247 {
            "tpu.trace_start"() <{level = 10 : i32, message = "ep_copy_out"}> : () -> ()
            %rem3A_294 = arith.constant 2 : i32
            %rem3A_295 = arith.remui %while3A_145, %rem3A_294 : i32
            %mul3A_296 = arith.constant 128 : i32
            %mul3A_297 = arith.muli %mul3A_296, %add3A_155 : i32
            %dma_start3A_298 = arith.constant 0 : i32
            %dma_start3A_299 = arith.constant 0 : i32
            %dma_start3A_300 = tpu.memref_slice %run_scoped3A_18[%rem3A_295, %dma_start3A_298, %dma_start3A_299] : memref<2x128x256xf32, #tpu.memory_space<vmem>> -> memref<1x128x256xf32, #tpu.memory_space<vmem>>
            %dma_start3A_301 = tpu.memref_squeeze %dma_start3A_300 : memref<1x128x256xf32, #tpu.memory_space<vmem>> -> memref<128x256xf32, #tpu.memory_space<vmem>>
            %dma_start3A_302 = arith.constant 0 : i32
            %dma_start3A_303 = tpu.memref_slice %arg4[%mul3A_297, %dma_start3A_302] : memref<160000x256xf32, #tpu.memory_space<hbm>> -> memref<128x256xf32, #tpu.memory_space<hbm>>
            %dma_start3A_304 = tpu.memref_slice %run_scoped3A_19[%rem3A_295] : memref<2x!tpu.dma_semaphore, #tpu.memory_space<semaphore_mem>> -> memref<1x!tpu.dma_semaphore, #tpu.memory_space<semaphore_mem>>
            %dma_start3A_305 = tpu.memref_squeeze %dma_start3A_304 : memref<1x!tpu.dma_semaphore, #tpu.memory_space<semaphore_mem>> -> memref<!tpu.dma_semaphore, #tpu.memory_space<semaphore_mem>>
            %dma_start3A_306 = arith.constant 0 : i32
            %dma_start3A_307 = tpu.memref_slice %arg4[%mul3A_297, %dma_start3A_306] : memref<160000x256xf32, #tpu.memory_space<hbm>> -> memref<128x256xf32, #tpu.memory_space<hbm>>
            %dma_start3A_308 = arith.constant 0 : i32
            %dma_start3A_309 = arith.constant 0 : i32
            %dma_start3A_310 = tpu.memref_slice %run_scoped3A_18[%rem3A_295, %dma_start3A_308, %dma_start3A_309] : memref<2x128x256xf32, #tpu.memory_space<vmem>> -> memref<1x128x256xf32, #tpu.memory_space<vmem>>
            %dma_start3A_311 = tpu.memref_squeeze %dma_start3A_310 : memref<1x128x256xf32, #tpu.memory_space<vmem>> -> memref<128x256xf32, #tpu.memory_space<vmem>>
            tpu.enqueue_dma source(%dma_start3A_311 : memref<128x256xf32, #tpu.memory_space<vmem>>) target(%dma_start3A_307 : memref<128x256xf32, #tpu.memory_space<hbm>>) target_semaphore(%dma_start3A_305 : memref<!tpu.dma_semaphore, #tpu.memory_space<semaphore_mem>>)
            "tpu.trace_stop"() : () -> ()
          } else {
          }
          %and3A_248 = arith.constant true
          %and3A_249 = arith.andi %or3A_244, %and3A_248 : i1
          %add3A_250 = arith.constant 1 : i32
          %add3A_251 = arith.addi %while3A_145, %add3A_250 : i32
          %select_n3A_252 = arith.select %and3A_249, %add3A_251, %while3A_145 : i32
          %ne3A_253 = arith.cmpi ne, %add3A_155, %add3A_165 : i32
          %or3A_254 = arith.constant false
          %or3A_255 = arith.ori %or3A_254, %ne3A_253 : i1
          %not3A_256 = arith.constant true
          %not3A_257 = arith.xori %eq3A_151, %not3A_256 : i1
          %and3A_258 = arith.andi %or3A_255, %not3A_257 : i1
          %convert_element_type3A_259 = arith.extui %and3A_258 : i1 to i32
          %cond3A_260 = arith.constant 0 : i32
          %cond3A_261 = arith.cmpi ne, %convert_element_type3A_259, %cond3A_260 : i32
          scf.if %cond3A_261 {
          } else {
          }
          %and3A_262 = arith.constant false
          %and3A_263 = arith.andi %and3A_258, %and3A_262 : i1
          %ne3A_264 = arith.cmpi ne, %add3A_155, %add3A_165 : i32
          %or3A_265 = arith.constant false
          %or3A_266 = arith.ori %or3A_265, %ne3A_264 : i1
          %or3A_267 = arith.constant false
          %or3A_268 = arith.ori %or3A_266, %or3A_267 : i1
          %not3A_269 = arith.constant true
          %not3A_270 = arith.xori %eq3A_151, %not3A_269 : i1
          %and3A_271 = arith.andi %or3A_268, %not3A_270 : i1
          %convert_element_type3A_272 = arith.extui %and3A_271 : i1 to i32
          %cond3A_273 = arith.constant 0 : i32
          %cond3A_274 = arith.cmpi ne, %convert_element_type3A_272, %cond3A_273 : i32
          scf.if %cond3A_274 {
            "tpu.trace_start"() <{level = 10 : i32, message = "ep_wait_out"}> : () -> ()
            %rem3A_294 = arith.constant 2 : i32
            %rem3A_295 = arith.remui %while3A_146, %rem3A_294 : i32
            %mul3A_296 = arith.constant 128 : i32
            %mul3A_297 = arith.muli %mul3A_296, %add3A_165 : i32
            %dma_wait3A = arith.constant 0 : i32
            %dma_wait3A_298 = arith.constant 0 : i32
            %dma_wait3A_299 = tpu.memref_slice %run_scoped3A_18[%rem3A_295, %dma_wait3A, %dma_wait3A_298] : memref<2x128x256xf32, #tpu.memory_space<vmem>> -> memref<1x128x256xf32, #tpu.memory_space<vmem>>
            %dma_wait3A_300 = tpu.memref_squeeze %dma_wait3A_299 : memref<1x128x256xf32, #tpu.memory_space<vmem>> -> memref<128x256xf32, #tpu.memory_space<vmem>>
            %dma_wait3A_301 = arith.constant 0 : i32
            %dma_wait3A_302 = tpu.memref_slice %arg4[%mul3A_297, %dma_wait3A_301] : memref<160000x256xf32, #tpu.memory_space<hbm>> -> memref<128x256xf32, #tpu.memory_space<hbm>>
            %dma_wait3A_303 = tpu.memref_slice %run_scoped3A_19[%rem3A_295] : memref<2x!tpu.dma_semaphore, #tpu.memory_space<semaphore_mem>> -> memref<1x!tpu.dma_semaphore, #tpu.memory_space<semaphore_mem>>
            %dma_wait3A_304 = tpu.memref_squeeze %dma_wait3A_303 : memref<1x!tpu.dma_semaphore, #tpu.memory_space<semaphore_mem>> -> memref<!tpu.dma_semaphore, #tpu.memory_space<semaphore_mem>>
            %dma_wait3A_305 = arith.constant 0 : i32
            %dma_wait3A_306 = tpu.memref_slice %arg4[%mul3A_297, %dma_wait3A_305] : memref<160000x256xf32, #tpu.memory_space<hbm>> -> memref<128x256xf32, #tpu.memory_space<hbm>>
            %dma_wait3A_307 = arith.constant 0 : i32
            %dma_wait3A_308 = arith.constant 0 : i32
            %dma_wait3A_309 = tpu.memref_slice %run_scoped3A_18[%rem3A_295, %dma_wait3A_307, %dma_wait3A_308] : memref<2x128x256xf32, #tpu.memory_space<vmem>> -> memref<1x128x256xf32, #tpu.memory_space<vmem>>
            %dma_wait3A_310 = tpu.memref_squeeze %dma_wait3A_309 : memref<1x128x256xf32, #tpu.memory_space<vmem>> -> memref<128x256xf32, #tpu.memory_space<vmem>>
            tpu.wait_dma2 semaphore(%dma_wait3A_304 : memref<!tpu.dma_semaphore, #tpu.memory_space<semaphore_mem>>) src(%dma_wait3A_310 : memref<128x256xf32, #tpu.memory_space<vmem>>) dst(%dma_wait3A_306 : memref<128x256xf32, #tpu.memory_space<hbm>>)
            "tpu.trace_stop"() : () -> ()
          } else {
          }
          %and3A_275 = arith.constant true
          %and3A_276 = arith.andi %and3A_271, %and3A_275 : i1
          %add3A_277 = arith.constant 1 : i32
          %add3A_278 = arith.addi %while3A_146, %add3A_277 : i32
          %select_n3A_279 = arith.select %and3A_276, %add3A_278, %while3A_146 : i32
          %ne3A_280 = arith.cmpi ne, %add3A_155, %add3A_173 : i32
          %or3A_281 = arith.constant false
          %or3A_282 = arith.ori %or3A_281, %ne3A_280 : i1
          %or3A_283 = arith.ori %or3A_282, %eq3A_154 : i1
          %add3A_284 = arith.constant 1 : i32
          %add3A_285 = arith.addi %while3A_144, %add3A_284 : i32
          %select_n3A_286 = arith.select %or3A_283, %add3A_285, %while3A_144 : i32
          %add3A_287 = arith.constant 1 : i32
          %add3A_288 = arith.addi %while3A_147, %add3A_287 : i32
          %select_n3A_289 = arith.constant true
          %select_n3A_290 = arith.select %select_n3A_289, %add3A_288, %while3A_147 : i32
          %eq3A_291 = arith.cmpi eq, %select_n3A_290, %select_n3A : i32
          %select_n3A_292 = arith.constant 0 : i32
          %select_n3A_293 = arith.select %eq3A_291, %select_n3A_292, %select_n3A_290 : i32
          scf.yield %select_n3A_195, %select_n3A_286, %select_n3A_252, %select_n3A_279, %select_n3A_293 : i32, i32, i32, i32, i32
        }
        %while3A_89 = arith.constant 1 : i32
        %while3A_90:5 = scf.for %while3A_142 = %while3A_86 to %while3A_82 step %while3A_89 iter_args(%while3A_143 = %while3A_88#0, %while3A_144 = %while3A_88#1, %while3A_145 = %while3A_88#2, %while3A_146 = %while3A_88#3, %while3A_147 = %while3A_88#4) -> (i32, i32, i32, i32, i32)  : i32 {
          %mul3A_148 = arith.constant 1 : i32
          %mul3A_149 = arith.muli %mul3A_148, %select_n3A : i32
          %eq3A_150 = arith.constant 0 : i32
          %eq3A_151 = arith.cmpi eq, %while3A_142, %eq3A_150 : i32
          %sub3A_152 = arith.constant 1 : i32
          %sub3A_153 = arith.subi %mul3A_149, %sub3A_152 : i32
          %eq3A_154 = arith.cmpi eq, %while3A_142, %sub3A_153 : i32
          %add3A_155 = arith.addi %while3A_147, %select_n3A_14 : i32
          %sub3A_156 = arith.constant 1 : i32
          %sub3A_157 = arith.subi %while3A_147, %sub3A_156 : i32
          %select_n3A_158 = arith.constant true
          %select_n3A_159 = arith.select %select_n3A_158, %sub3A_157, %while3A_147 : i32
          %eq3A_160 = arith.constant -1 : i32
          %eq3A_161 = arith.cmpi eq, %select_n3A_159, %eq3A_160 : i32
          %sub3A_162 = arith.constant 1 : i32
          %sub3A_163 = arith.subi %select_n3A, %sub3A_162 : i32
          %select_n3A_164 = arith.select %eq3A_161, %sub3A_163, %select_n3A_159 : i32
          %add3A_165 = arith.addi %select_n3A_164, %select_n3A_14 : i32
          %add3A_166 = arith.constant 1 : i32
          %add3A_167 = arith.addi %while3A_147, %add3A_166 : i32
          %select_n3A_168 = arith.constant true
          %select_n3A_169 = arith.select %select_n3A_168, %add3A_167, %while3A_147 : i32
          %eq3A_170 = arith.cmpi eq, %select_n3A_169, %select_n3A : i32
          %select_n3A_171 = arith.constant 0 : i32
          %select_n3A_172 = arith.select %eq3A_170, %select_n3A_171, %select_n3A_169 : i32
          %add3A_173 = arith.addi %select_n3A_172, %select_n3A_14 : i32
          %add3A_174 = arith.constant 1 : i32
          %add3A_175 = arith.addi %select_n3A_172, %add3A_174 : i32
          %select_n3A_176 = arith.constant true
          %select_n3A_177 = arith.select %select_n3A_176, %add3A_175, %select_n3A_172 : i32
          %eq3A_178 = arith.cmpi eq, %select_n3A_177, %select_n3A : i32
          %select_n3A_179 = arith.constant 0 : i32
          %select_n3A_180 = arith.select %eq3A_178, %select_n3A_179, %select_n3A_177 : i32
          %add3A_181 = arith.addi %select_n3A_180, %select_n3A_14 : i32
          %ne3A = arith.cmpi ne, %add3A_155, %add3A_173 : i32
          %or3A = arith.constant false
          %or3A_182 = arith.ori %or3A, %ne3A : i1
          %sub3A_183 = arith.constant 2 : i32
          %sub3A_184 = arith.subi %mul3A_149, %sub3A_183 : i32
          %add3A_185 = arith.constant 1 : i32
          %add3A_186 = arith.addi %sub3A_184, %add3A_185 : i32
          %ge3A = arith.cmpi sge, %while3A_142, %add3A_186 : i32
          %not3A = arith.constant true
          %not3A_187 = arith.xori %ge3A, %not3A : i1
          %and3A = arith.andi %or3A_182, %not3A_187 : i1
          %convert_element_type3A_188 = arith.extui %and3A : i1 to i32
          %cond3A_189 = arith.constant 0 : i32
          %cond3A_190 = arith.cmpi ne, %convert_element_type3A_188, %cond3A_189 : i32
          scf.if %cond3A_190 {
            "tpu.trace_start"() <{level = 10 : i32, message = "ep_copy_in"}> : () -> ()
            %rem3A_294 = arith.constant 2 : i32
            %rem3A_295 = arith.remui %while3A_143, %rem3A_294 : i32
            %mul3A_296 = arith.constant 128 : i32
            %mul3A_297 = arith.muli %mul3A_296, %add3A_173 : i32
            %dma_start3A_298 = arith.constant 0 : i32
            %dma_start3A_299 = arith.constant 0 : i32
            %dma_start3A_300 = tpu.memref_slice %run_scoped3A[%rem3A_295, %dma_start3A_298, %dma_start3A_299] : memref<2x1x128xi32, #tpu.memory_space<vmem>> -> memref<1x1x128xi32, #tpu.memory_space<vmem>>
            %dma_start3A_301 = tpu.memref_squeeze %dma_start3A_300 : memref<1x1x128xi32, #tpu.memory_space<vmem>> -> memref<1x128xi32, #tpu.memory_space<vmem>>
            %dma_start3A_302 = arith.constant 0 : i32
            %dma_start3A_303 = tpu.memref_slice %arg3[%dma_start3A_302, %mul3A_297] : memref<1x160000xi32, #tpu.memory_space<hbm>> -> memref<1x128xi32, #tpu.memory_space<hbm>>
            %dma_start3A_304 = tpu.memref_slice %run_scoped3A_17[%rem3A_295] : memref<2x!tpu.dma_semaphore, #tpu.memory_space<semaphore_mem>> -> memref<1x!tpu.dma_semaphore, #tpu.memory_space<semaphore_mem>>
            %dma_start3A_305 = tpu.memref_squeeze %dma_start3A_304 : memref<1x!tpu.dma_semaphore, #tpu.memory_space<semaphore_mem>> -> memref<!tpu.dma_semaphore, #tpu.memory_space<semaphore_mem>>
            %dma_start3A_306 = arith.constant 0 : i32
            %dma_start3A_307 = arith.constant 0 : i32
            %dma_start3A_308 = tpu.memref_slice %run_scoped3A[%rem3A_295, %dma_start3A_306, %dma_start3A_307] : memref<2x1x128xi32, #tpu.memory_space<vmem>> -> memref<1x1x128xi32, #tpu.memory_space<vmem>>
            %dma_start3A_309 = tpu.memref_squeeze %dma_start3A_308 : memref<1x1x128xi32, #tpu.memory_space<vmem>> -> memref<1x128xi32, #tpu.memory_space<vmem>>
            %dma_start3A_310 = arith.constant 0 : i32
            %dma_start3A_311 = tpu.memref_slice %arg3[%dma_start3A_310, %mul3A_297] : memref<1x160000xi32, #tpu.memory_space<hbm>> -> memref<1x128xi32, #tpu.memory_space<hbm>>
            tpu.enqueue_dma source(%dma_start3A_311 : memref<1x128xi32, #tpu.memory_space<hbm>>) target(%dma_start3A_309 : memref<1x128xi32, #tpu.memory_space<vmem>>) target_semaphore(%dma_start3A_305 : memref<!tpu.dma_semaphore, #tpu.memory_space<semaphore_mem>>)
            "tpu.trace_stop"() : () -> ()
          } else {
          }
          %and3A_191 = arith.constant true
          %and3A_192 = arith.andi %and3A, %and3A_191 : i1
          %add3A_193 = arith.constant 1 : i32
          %add3A_194 = arith.addi %while3A_143, %add3A_193 : i32
          %select_n3A_195 = arith.select %and3A_192, %add3A_194, %while3A_143 : i32
          %ne3A_196 = arith.cmpi ne, %add3A_155, %add3A_173 : i32
          %or3A_197 = arith.constant false
          %or3A_198 = arith.ori %or3A_197, %ne3A_196 : i1
          %or3A_199 = arith.constant false
          %or3A_200 = arith.ori %or3A_198, %or3A_199 : i1
          %sub3A_201 = arith.constant 2 : i32
          %sub3A_202 = arith.subi %mul3A_149, %sub3A_201 : i32
          %add3A_203 = arith.constant 1 : i32
          %add3A_204 = arith.addi %sub3A_202, %add3A_203 : i32
          %ge3A_205 = arith.cmpi sge, %while3A_142, %add3A_204 : i32
          %not3A_206 = arith.constant true
          %not3A_207 = arith.xori %ge3A_205, %not3A_206 : i1
          %and3A_208 = arith.andi %or3A_200, %not3A_207 : i1
          %ne3A_209 = arith.cmpi ne, %add3A_155, %add3A_165 : i32
          %or3A_210 = arith.constant false
          %or3A_211 = arith.ori %or3A_210, %ne3A_209 : i1
          %or3A_212 = arith.ori %or3A_211, %eq3A_151 : i1
          %convert_element_type3A_213 = arith.extui %or3A_212 : i1 to i32
          %cond3A_214 = arith.constant 0 : i32
          %cond3A_215 = arith.cmpi ne, %convert_element_type3A_213, %cond3A_214 : i32
          scf.if %cond3A_215 {
            "tpu.trace_start"() <{level = 10 : i32, message = "ep_wait_in"}> : () -> ()
            %mul3A_294 = arith.constant 128 : i32
            %mul3A_295 = arith.muli %mul3A_294, %add3A_155 : i32
            %rem3A_296 = arith.constant 2 : i32
            %rem3A_297 = arith.remui %while3A_144, %rem3A_296 : i32
            %dma_wait3A = arith.constant 0 : i32
            %dma_wait3A_298 = arith.constant 0 : i32
            %dma_wait3A_299 = tpu.memref_slice %run_scoped3A[%rem3A_297, %dma_wait3A, %dma_wait3A_298] : memref<2x1x128xi32, #tpu.memory_space<vmem>> -> memref<1x1x128xi32, #tpu.memory_space<vmem>>
            %dma_wait3A_300 = tpu.memref_squeeze %dma_wait3A_299 : memref<1x1x128xi32, #tpu.memory_space<vmem>> -> memref<1x128xi32, #tpu.memory_space<vmem>>
            %dma_wait3A_301 = arith.constant 0 : i32
            %dma_wait3A_302 = tpu.memref_slice %arg3[%dma_wait3A_301, %mul3A_295] : memref<1x160000xi32, #tpu.memory_space<hbm>> -> memref<1x128xi32, #tpu.memory_space<hbm>>
            %dma_wait3A_303 = tpu.memref_slice %run_scoped3A_17[%rem3A_297] : memref<2x!tpu.dma_semaphore, #tpu.memory_space<semaphore_mem>> -> memref<1x!tpu.dma_semaphore, #tpu.memory_space<semaphore_mem>>
            %dma_wait3A_304 = tpu.memref_squeeze %dma_wait3A_303 : memref<1x!tpu.dma_semaphore, #tpu.memory_space<semaphore_mem>> -> memref<!tpu.dma_semaphore, #tpu.memory_space<semaphore_mem>>
            %dma_wait3A_305 = arith.constant 0 : i32
            %dma_wait3A_306 = arith.constant 0 : i32
            %dma_wait3A_307 = tpu.memref_slice %run_scoped3A[%rem3A_297, %dma_wait3A_305, %dma_wait3A_306] : memref<2x1x128xi32, #tpu.memory_space<vmem>> -> memref<1x1x128xi32, #tpu.memory_space<vmem>>
            %dma_wait3A_308 = tpu.memref_squeeze %dma_wait3A_307 : memref<1x1x128xi32, #tpu.memory_space<vmem>> -> memref<1x128xi32, #tpu.memory_space<vmem>>
            %dma_wait3A_309 = arith.constant 0 : i32
            %dma_wait3A_310 = tpu.memref_slice %arg3[%dma_wait3A_309, %mul3A_295] : memref<1x160000xi32, #tpu.memory_space<hbm>> -> memref<1x128xi32, #tpu.memory_space<hbm>>
            tpu.wait_dma2 semaphore(%dma_wait3A_304 : memref<!tpu.dma_semaphore, #tpu.memory_space<semaphore_mem>>) src(%dma_wait3A_310 : memref<1x128xi32, #tpu.memory_space<hbm>>) dst(%dma_wait3A_308 : memref<1x128xi32, #tpu.memory_space<vmem>>)
            "tpu.trace_stop"() : () -> ()
          } else {
          }
          %ne3A_216 = arith.cmpi ne, %add3A_155, %add3A_165 : i32
          %or3A_217 = arith.constant false
          %or3A_218 = arith.ori %or3A_217, %ne3A_216 : i1
          %or3A_219 = arith.constant false
          %or3A_220 = arith.ori %or3A_218, %or3A_219 : i1
          %or3A_221 = arith.ori %or3A_220, %eq3A_151 : i1
          %convert_element_type3A_222 = arith.extui %or3A_221 : i1 to i32
          %cond3A_223 = arith.constant 0 : i32
          %cond3A_224 = arith.cmpi ne, %convert_element_type3A_222, %cond3A_223 : i32
          scf.if %cond3A_224 {
          } else {
          }
          %rem3A_225 = arith.constant 2 : i32
          %rem3A_226 = arith.remui %while3A_144, %rem3A_225 : i32
          %rem3A_227 = arith.constant 2 : i32
          %rem3A_228 = arith.remui %while3A_145, %rem3A_227 : i32
          %run_scoped3A_229 = arith.constant 0 : i32
          "tpu.trace_start"() <{level = 10 : i32, message = "ep_run_kernel"}> : () -> ()
          "tpu.region"() ({
            %run_scoped3A_294 = tpu.sem_alloc : memref<!tpu.dma_semaphore, #tpu.memory_space<semaphore_mem>>
            %dma_start3A_295 = arith.constant 0 : i32
            %dma_start3A_296 = arith.constant 0 : i32
            %dma_start3A_297 = tpu.memref_slice %run_scoped3A_18[%rem3A_228, %dma_start3A_295, %dma_start3A_296] : memref<2x128x256xf32, #tpu.memory_space<vmem>> -> memref<1x128x256xf32, #tpu.memory_space<vmem>>
            %dma_start3A_298 = tpu.memref_squeeze %dma_start3A_297 : memref<1x128x256xf32, #tpu.memory_space<vmem>> -> memref<128x256xf32, #tpu.memory_space<vmem>>
            %dma_start3A_299 = arith.constant 0 : i32
            %dma_start3A_300 = arith.constant 0 : i32
            %dma_start3A_301 = tpu.memref_slice %run_scoped3A[%rem3A_226, %dma_start3A_299, %dma_start3A_300] : memref<2x1x128xi32, #tpu.memory_space<vmem>> -> memref<1x1x128xi32, #tpu.memory_space<vmem>>
            %dma_start3A_302 = tpu.memref_squeeze %dma_start3A_301 : memref<1x1x128xi32, #tpu.memory_space<vmem>> -> memref<1x128xi32, #tpu.memory_space<vmem>>
            %dma_start3A_303 = arith.constant 0 : i32
            %dma_start3A_304 = tpu.memref_slice %dma_start3A_302[%run_scoped3A_229, %dma_start3A_303] : memref<1x128xi32, #tpu.memory_space<vmem>> -> memref<1x128xi32, #tpu.memory_space<vmem>>
            %dma_start3A_305 = tpu.memref_squeeze %dma_start3A_304 : memref<1x128xi32, #tpu.memory_space<vmem>> -> memref<128xi32, #tpu.memory_space<vmem>>
            %dma_start3A_306 = arith.constant 0 : i32
            %dma_start3A_307 = arith.constant 0 : i32
            %dma_start3A_308 = tpu.memref_slice %arg2[%dma_start3A_306, %dma_start3A_307] : memref<10000x256xf32, #tpu.memory_space<hbm>> -> memref<10000x256xf32, #tpu.memory_space<hbm>>
            tpu.enqueue_indirect_dma source(%dma_start3A_308 : memref<10000x256xf32, #tpu.memory_space<hbm>>) target(%dma_start3A_298 : memref<128x256xf32, #tpu.memory_space<vmem>>) offsets(%dma_start3A_305 : memref<128xi32, #tpu.memory_space<vmem>>) semaphore(%run_scoped3A_294 : memref<!tpu.dma_semaphore, #tpu.memory_space<semaphore_mem>>)
            %dma_wait3A = arith.constant 0 : i32
            %dma_wait3A_309 = arith.constant 0 : i32
            %dma_wait3A_310 = tpu.memref_slice %run_scoped3A_18[%rem3A_228, %dma_wait3A, %dma_wait3A_309] : memref<2x128x256xf32, #tpu.memory_space<vmem>> -> memref<1x128x256xf32, #tpu.memory_space<vmem>>
            %dma_wait3A_311 = tpu.memref_squeeze %dma_wait3A_310 : memref<1x128x256xf32, #tpu.memory_space<vmem>> -> memref<128x256xf32, #tpu.memory_space<vmem>>
            %dma_wait3A_312 = arith.constant 0 : i32
            %dma_wait3A_313 = arith.constant 0 : i32
            %dma_wait3A_314 = tpu.memref_slice %run_scoped3A[%rem3A_226, %dma_wait3A_312, %dma_wait3A_313] : memref<2x1x128xi32, #tpu.memory_space<vmem>> -> memref<1x1x128xi32, #tpu.memory_space<vmem>>
            %dma_wait3A_315 = tpu.memref_squeeze %dma_wait3A_314 : memref<1x1x128xi32, #tpu.memory_space<vmem>> -> memref<1x128xi32, #tpu.memory_space<vmem>>
            %dma_wait3A_316 = arith.constant 0 : i32
            %dma_wait3A_317 = tpu.memref_slice %dma_wait3A_315[%run_scoped3A_229, %dma_wait3A_316] : memref<1x128xi32, #tpu.memory_space<vmem>> -> memref<1x128xi32, #tpu.memory_space<vmem>>
            %dma_wait3A_318 = tpu.memref_squeeze %dma_wait3A_317 : memref<1x128xi32, #tpu.memory_space<vmem>> -> memref<128xi32, #tpu.memory_space<vmem>>
            %dma_wait3A_319 = arith.constant 0 : i32
            %dma_wait3A_320 = arith.constant 0 : i32
            %dma_wait3A_321 = tpu.memref_slice %arg2[%dma_wait3A_319, %dma_wait3A_320] : memref<10000x256xf32, #tpu.memory_space<hbm>> -> memref<10000x256xf32, #tpu.memory_space<hbm>>
            tpu.wait_indirect_dma semaphore(%run_scoped3A_294 : memref<!tpu.dma_semaphore, #tpu.memory_space<semaphore_mem>>) src(%dma_wait3A_321 : memref<10000x256xf32, #tpu.memory_space<hbm>>) dst(%dma_wait3A_311 : memref<128x256xf32, #tpu.memory_space<vmem>>)
            tpu.yield
          }) : () -> ()
          "tpu.trace_stop"() : () -> ()
          %ne3A_230 = arith.cmpi ne, %add3A_155, %add3A_173 : i32
          %or3A_231 = arith.constant false
          %or3A_232 = arith.ori %or3A_231, %ne3A_230 : i1
          %or3A_233 = arith.ori %or3A_232, %eq3A_154 : i1
          %convert_element_type3A_234 = arith.extui %or3A_233 : i1 to i32
          %cond3A_235 = arith.constant 0 : i32
          %cond3A_236 = arith.cmpi ne, %convert_element_type3A_234, %cond3A_235 : i32
          scf.if %cond3A_236 {
          } else {
          }
          %and3A_237 = arith.constant false
          %and3A_238 = arith.andi %or3A_233, %and3A_237 : i1
          %ne3A_239 = arith.cmpi ne, %add3A_155, %add3A_173 : i32
          %or3A_240 = arith.constant false
          %or3A_241 = arith.ori %or3A_240, %ne3A_239 : i1
          %or3A_242 = arith.constant false
          %or3A_243 = arith.ori %or3A_241, %or3A_242 : i1
          %or3A_244 = arith.ori %or3A_243, %eq3A_154 : i1
          %convert_element_type3A_245 = arith.extui %or3A_244 : i1 to i32
          %cond3A_246 = arith.constant 0 : i32
          %cond3A_247 = arith.cmpi ne, %convert_element_type3A_245, %cond3A_246 : i32
          scf.if %cond3A_247 {
            "tpu.trace_start"() <{level = 10 : i32, message = "ep_copy_out"}> : () -> ()
            %rem3A_294 = arith.constant 2 : i32
            %rem3A_295 = arith.remui %while3A_145, %rem3A_294 : i32
            %mul3A_296 = arith.constant 128 : i32
            %mul3A_297 = arith.muli %mul3A_296, %add3A_155 : i32
            %dma_start3A_298 = arith.constant 0 : i32
            %dma_start3A_299 = arith.constant 0 : i32
            %dma_start3A_300 = tpu.memref_slice %run_scoped3A_18[%rem3A_295, %dma_start3A_298, %dma_start3A_299] : memref<2x128x256xf32, #tpu.memory_space<vmem>> -> memref<1x128x256xf32, #tpu.memory_space<vmem>>
            %dma_start3A_301 = tpu.memref_squeeze %dma_start3A_300 : memref<1x128x256xf32, #tpu.memory_space<vmem>> -> memref<128x256xf32, #tpu.memory_space<vmem>>
            %dma_start3A_302 = arith.constant 0 : i32
            %dma_start3A_303 = tpu.memref_slice %arg4[%mul3A_297, %dma_start3A_302] : memref<160000x256xf32, #tpu.memory_space<hbm>> -> memref<128x256xf32, #tpu.memory_space<hbm>>
            %dma_start3A_304 = tpu.memref_slice %run_scoped3A_19[%rem3A_295] : memref<2x!tpu.dma_semaphore, #tpu.memory_space<semaphore_mem>> -> memref<1x!tpu.dma_semaphore, #tpu.memory_space<semaphore_mem>>
            %dma_start3A_305 = tpu.memref_squeeze %dma_start3A_304 : memref<1x!tpu.dma_semaphore, #tpu.memory_space<semaphore_mem>> -> memref<!tpu.dma_semaphore, #tpu.memory_space<semaphore_mem>>
            %dma_start3A_306 = arith.constant 0 : i32
            %dma_start3A_307 = tpu.memref_slice %arg4[%mul3A_297, %dma_start3A_306] : memref<160000x256xf32, #tpu.memory_space<hbm>> -> memref<128x256xf32, #tpu.memory_space<hbm>>
            %dma_start3A_308 = arith.constant 0 : i32
            %dma_start3A_309 = arith.constant 0 : i32
            %dma_start3A_310 = tpu.memref_slice %run_scoped3A_18[%rem3A_295, %dma_start3A_308, %dma_start3A_309] : memref<2x128x256xf32, #tpu.memory_space<vmem>> -> memref<1x128x256xf32, #tpu.memory_space<vmem>>
            %dma_start3A_311 = tpu.memref_squeeze %dma_start3A_310 : memref<1x128x256xf32, #tpu.memory_space<vmem>> -> memref<128x256xf32, #tpu.memory_space<vmem>>
            tpu.enqueue_dma source(%dma_start3A_311 : memref<128x256xf32, #tpu.memory_space<vmem>>) target(%dma_start3A_307 : memref<128x256xf32, #tpu.memory_space<hbm>>) target_semaphore(%dma_start3A_305 : memref<!tpu.dma_semaphore, #tpu.memory_space<semaphore_mem>>)
            "tpu.trace_stop"() : () -> ()
          } else {
          }
          %and3A_248 = arith.constant true
          %and3A_249 = arith.andi %or3A_244, %and3A_248 : i1
          %add3A_250 = arith.constant 1 : i32
          %add3A_251 = arith.addi %while3A_145, %add3A_250 : i32
          %select_n3A_252 = arith.select %and3A_249, %add3A_251, %while3A_145 : i32
          %ne3A_253 = arith.cmpi ne, %add3A_155, %add3A_165 : i32
          %or3A_254 = arith.constant false
          %or3A_255 = arith.ori %or3A_254, %ne3A_253 : i1
          %not3A_256 = arith.constant true
          %not3A_257 = arith.xori %eq3A_151, %not3A_256 : i1
          %and3A_258 = arith.andi %or3A_255, %not3A_257 : i1
          %convert_element_type3A_259 = arith.extui %and3A_258 : i1 to i32
          %cond3A_260 = arith.constant 0 : i32
          %cond3A_261 = arith.cmpi ne, %convert_element_type3A_259, %cond3A_260 : i32
          scf.if %cond3A_261 {
          } else {
          }
          %and3A_262 = arith.constant false
          %and3A_263 = arith.andi %and3A_258, %and3A_262 : i1
          %ne3A_264 = arith.cmpi ne, %add3A_155, %add3A_165 : i32
          %or3A_265 = arith.constant false
          %or3A_266 = arith.ori %or3A_265, %ne3A_264 : i1
          %or3A_267 = arith.constant false
          %or3A_268 = arith.ori %or3A_266, %or3A_267 : i1
          %not3A_269 = arith.constant true
          %not3A_270 = arith.xori %eq3A_151, %not3A_269 : i1
          %and3A_271 = arith.andi %or3A_268, %not3A_270 : i1
          %convert_element_type3A_272 = arith.extui %and3A_271 : i1 to i32
          %cond3A_273 = arith.constant 0 : i32
          %cond3A_274 = arith.cmpi ne, %convert_element_type3A_272, %cond3A_273 : i32
          scf.if %cond3A_274 {
            "tpu.trace_start"() <{level = 10 : i32, message = "ep_wait_out"}> : () -> ()
            %rem3A_294 = arith.constant 2 : i32
            %rem3A_295 = arith.remui %while3A_146, %rem3A_294 : i32
            %mul3A_296 = arith.constant 128 : i32
            %mul3A_297 = arith.muli %mul3A_296, %add3A_165 : i32
            %dma_wait3A = arith.constant 0 : i32
            %dma_wait3A_298 = arith.constant 0 : i32
            %dma_wait3A_299 = tpu.memref_slice %run_scoped3A_18[%rem3A_295, %dma_wait3A, %dma_wait3A_298] : memref<2x128x256xf32, #tpu.memory_space<vmem>> -> memref<1x128x256xf32, #tpu.memory_space<vmem>>
            %dma_wait3A_300 = tpu.memref_squeeze %dma_wait3A_299 : memref<1x128x256xf32, #tpu.memory_space<vmem>> -> memref<128x256xf32, #tpu.memory_space<vmem>>
            %dma_wait3A_301 = arith.constant 0 : i32
            %dma_wait3A_302 = tpu.memref_slice %arg4[%mul3A_297, %dma_wait3A_301] : memref<160000x256xf32, #tpu.memory_space<hbm>> -> memref<128x256xf32, #tpu.memory_space<hbm>>
            %dma_wait3A_303 = tpu.memref_slice %run_scoped3A_19[%rem3A_295] : memref<2x!tpu.dma_semaphore, #tpu.memory_space<semaphore_mem>> -> memref<1x!tpu.dma_semaphore, #tpu.memory_space<semaphore_mem>>
            %dma_wait3A_304 = tpu.memref_squeeze %dma_wait3A_303 : memref<1x!tpu.dma_semaphore, #tpu.memory_space<semaphore_mem>> -> memref<!tpu.dma_semaphore, #tpu.memory_space<semaphore_mem>>
            %dma_wait3A_305 = arith.constant 0 : i32
            %dma_wait3A_306 = tpu.memref_slice %arg4[%mul3A_297, %dma_wait3A_305] : memref<160000x256xf32, #tpu.memory_space<hbm>> -> memref<128x256xf32, #tpu.memory_space<hbm>>
            %dma_wait3A_307 = arith.constant 0 : i32
            %dma_wait3A_308 = arith.constant 0 : i32
            %dma_wait3A_309 = tpu.memref_slice %run_scoped3A_18[%rem3A_295, %dma_wait3A_307, %dma_wait3A_308] : memref<2x128x256xf32, #tpu.memory_space<vmem>> -> memref<1x128x256xf32, #tpu.memory_space<vmem>>
            %dma_wait3A_310 = tpu.memref_squeeze %dma_wait3A_309 : memref<1x128x256xf32, #tpu.memory_space<vmem>> -> memref<128x256xf32, #tpu.memory_space<vmem>>
            tpu.wait_dma2 semaphore(%dma_wait3A_304 : memref<!tpu.dma_semaphore, #tpu.memory_space<semaphore_mem>>) src(%dma_wait3A_310 : memref<128x256xf32, #tpu.memory_space<vmem>>) dst(%dma_wait3A_306 : memref<128x256xf32, #tpu.memory_space<hbm>>)
            "tpu.trace_stop"() : () -> ()
          } else {
          }
          %and3A_275 = arith.constant true
          %and3A_276 = arith.andi %and3A_271, %and3A_275 : i1
          %add3A_277 = arith.constant 1 : i32
          %add3A_278 = arith.addi %while3A_146, %add3A_277 : i32
          %select_n3A_279 = arith.select %and3A_276, %add3A_278, %while3A_146 : i32
          %ne3A_280 = arith.cmpi ne, %add3A_155, %add3A_173 : i32
          %or3A_281 = arith.constant false
          %or3A_282 = arith.ori %or3A_281, %ne3A_280 : i1
          %or3A_283 = arith.ori %or3A_282, %eq3A_154 : i1
          %add3A_284 = arith.constant 1 : i32
          %add3A_285 = arith.addi %while3A_144, %add3A_284 : i32
          %select_n3A_286 = arith.select %or3A_283, %add3A_285, %while3A_144 : i32
          %add3A_287 = arith.constant 1 : i32
          %add3A_288 = arith.addi %while3A_147, %add3A_287 : i32
          %select_n3A_289 = arith.constant true
          %select_n3A_290 = arith.select %select_n3A_289, %add3A_288, %while3A_147 : i32
          %eq3A_291 = arith.cmpi eq, %select_n3A_290, %select_n3A : i32
          %select_n3A_292 = arith.constant 0 : i32
          %select_n3A_293 = arith.select %eq3A_291, %select_n3A_292, %select_n3A_290 : i32
          scf.yield %select_n3A_195, %select_n3A_286, %select_n3A_252, %select_n3A_279, %select_n3A_293 : i32, i32, i32, i32, i32
        }
        %sub3A_91 = arith.constant 1 : i32
        %sub3A_92 = arith.subi %while3A_90#4, %sub3A_91 : i32
        %select_n3A_93 = arith.constant true
        %select_n3A_94 = arith.select %select_n3A_93, %sub3A_92, %while3A_90#4 : i32
        %eq3A_95 = arith.constant -1 : i32
        %eq3A_96 = arith.cmpi eq, %select_n3A_94, %eq3A_95 : i32
        %sub3A_97 = arith.constant 1 : i32
        %sub3A_98 = arith.subi %select_n3A, %sub3A_97 : i32
        %select_n3A_99 = arith.select %eq3A_96, %sub3A_98, %select_n3A_94 : i32
        %sub3A_100 = arith.constant 1 : i32
        %sub3A_101 = arith.subi %mul3A_16, %sub3A_100 : i32
        %mul3A_102 = arith.constant 1 : i32
        %mul3A_103 = arith.muli %mul3A_102, %select_n3A : i32
        %eq3A_104 = arith.constant 0 : i32
        %eq3A_105 = arith.cmpi eq, %sub3A_101, %eq3A_104 : i32
        %sub3A_106 = arith.constant 1 : i32
        %sub3A_107 = arith.subi %mul3A_103, %sub3A_106 : i32
        %eq3A_108 = arith.cmpi eq, %sub3A_101, %sub3A_107 : i32
        %add3A_109 = arith.addi %select_n3A_99, %select_n3A_14 : i32
        %sub3A_110 = arith.constant 1 : i32
        %sub3A_111 = arith.subi %select_n3A_99, %sub3A_110 : i32
        %select_n3A_112 = arith.constant true
        %select_n3A_113 = arith.select %select_n3A_112, %sub3A_111, %select_n3A_99 : i32
        %eq3A_114 = arith.constant -1 : i32
        %eq3A_115 = arith.cmpi eq, %select_n3A_113, %eq3A_114 : i32
        %sub3A_116 = arith.constant 1 : i32
        %sub3A_117 = arith.subi %select_n3A, %sub3A_116 : i32
        %select_n3A_118 = arith.select %eq3A_115, %sub3A_117, %select_n3A_113 : i32
        %add3A_119 = arith.addi %select_n3A_118, %select_n3A_14 : i32
        %add3A_120 = arith.constant 1 : i32
        %add3A_121 = arith.addi %select_n3A_99, %add3A_120 : i32
        %select_n3A_122 = arith.constant true
        %select_n3A_123 = arith.select %select_n3A_122, %add3A_121, %select_n3A_99 : i32
        %eq3A_124 = arith.cmpi eq, %select_n3A_123, %select_n3A : i32
        %select_n3A_125 = arith.constant 0 : i32
        %select_n3A_126 = arith.select %eq3A_124, %select_n3A_125, %select_n3A_123 : i32
        %add3A_127 = arith.addi %select_n3A_126, %select_n3A_14 : i32
        %add3A_128 = arith.constant 1 : i32
        %add3A_129 = arith.addi %select_n3A_126, %add3A_128 : i32
        %select_n3A_130 = arith.constant true
        %select_n3A_131 = arith.select %select_n3A_130, %add3A_129, %select_n3A_126 : i32
        %eq3A_132 = arith.cmpi eq, %select_n3A_131, %select_n3A : i32
        %select_n3A_133 = arith.constant 0 : i32
        %select_n3A_134 = arith.select %eq3A_132, %select_n3A_133, %select_n3A_131 : i32
        %add3A_135 = arith.addi %select_n3A_134, %select_n3A_14 : i32
        %convert_element_type3A_136 = arith.extui %eq3A_108 : i1 to i32
        %cond3A_137 = arith.constant 0 : i32
        %cond3A_138 = arith.cmpi ne, %convert_element_type3A_136, %cond3A_137 : i32
        scf.if %cond3A_138 {
        } else {
        }
        %convert_element_type3A_139 = arith.extui %eq3A_108 : i1 to i32
        %cond3A_140 = arith.constant 0 : i32
        %cond3A_141 = arith.cmpi ne, %convert_element_type3A_139, %cond3A_140 : i32
        scf.if %cond3A_141 {
          "tpu.trace_start"() <{level = 10 : i32, message = "ep_finalize"}> : () -> ()
          %rem3A_142 = arith.constant 2 : i32
          %rem3A_143 = arith.remui %while3A_90#3, %rem3A_142 : i32
          %mul3A_144 = arith.constant 128 : i32
          %mul3A_145 = arith.muli %mul3A_144, %add3A_109 : i32
          %dma_wait3A = arith.constant 0 : i32
          %dma_wait3A_146 = arith.constant 0 : i32
          %dma_wait3A_147 = tpu.memref_slice %run_scoped3A_18[%rem3A_143, %dma_wait3A, %dma_wait3A_146] : memref<2x128x256xf32, #tpu.memory_space<vmem>> -> memref<1x128x256xf32, #tpu.memory_space<vmem>>
          %dma_wait3A_148 = tpu.memref_squeeze %dma_wait3A_147 : memref<1x128x256xf32, #tpu.memory_space<vmem>> -> memref<128x256xf32, #tpu.memory_space<vmem>>
          %dma_wait3A_149 = arith.constant 0 : i32
          %dma_wait3A_150 = tpu.memref_slice %arg4[%mul3A_145, %dma_wait3A_149] : memref<160000x256xf32, #tpu.memory_space<hbm>> -> memref<128x256xf32, #tpu.memory_space<hbm>>
          %dma_wait3A_151 = tpu.memref_slice %run_scoped3A_19[%rem3A_143] : memref<2x!tpu.dma_semaphore, #tpu.memory_space<semaphore_mem>> -> memref<1x!tpu.dma_semaphore, #tpu.memory_space<semaphore_mem>>
          %dma_wait3A_152 = tpu.memref_squeeze %dma_wait3A_151 : memref<1x!tpu.dma_semaphore, #tpu.memory_space<semaphore_mem>> -> memref<!tpu.dma_semaphore, #tpu.memory_space<semaphore_mem>>
          %dma_wait3A_153 = arith.constant 0 : i32
          %dma_wait3A_154 = tpu.memref_slice %arg4[%mul3A_145, %dma_wait3A_153] : memref<160000x256xf32, #tpu.memory_space<hbm>> -> memref<128x256xf32, #tpu.memory_space<hbm>>
          %dma_wait3A_155 = arith.constant 0 : i32
          %dma_wait3A_156 = arith.constant 0 : i32
          %dma_wait3A_157 = tpu.memref_slice %run_scoped3A_18[%rem3A_143, %dma_wait3A_155, %dma_wait3A_156] : memref<2x128x256xf32, #tpu.memory_space<vmem>> -> memref<1x128x256xf32, #tpu.memory_space<vmem>>
          %dma_wait3A_158 = tpu.memref_squeeze %dma_wait3A_157 : memref<1x128x256xf32, #tpu.memory_space<vmem>> -> memref<128x256xf32, #tpu.memory_space<vmem>>
          tpu.wait_dma2 semaphore(%dma_wait3A_152 : memref<!tpu.dma_semaphore, #tpu.memory_space<semaphore_mem>>) src(%dma_wait3A_158 : memref<128x256xf32, #tpu.memory_space<vmem>>) dst(%dma_wait3A_154 : memref<128x256xf32, #tpu.memory_space<hbm>>)
          "tpu.trace_stop"() : () -> ()
        } else {
        }
      } else {
      }
      tpu.yield
    }) : () -> ()
    return
  }
}

module attributes {stable_mosaic.version = 14 : i64} {
  func.func @_node_pre_kernel(%arg0: i32, %arg1: memref<1000x1xi32, #tpu.memory_space<vmem>>, %arg2: memref<64x128xf32, #tpu.memory_space<vmem>>, %arg3: memref<1x128xf32, #tpu.memory_space<vmem>>, %arg4: memref<128x8xf32, #tpu.memory_space<vmem>>, %arg5: memref<1000x128xf32, #tpu.memory_space<vmem>>, %arg6: memref<1000x128xf32, #tpu.memory_space<vmem>>) attributes {dimension_semantics = [#tpu.dimension_semantics<parallel>], iteration_bounds = array<i64: 10>, scalar_prefetch = 0 : i64, scratch_operands = 0 : i64, tpu.core_type = #tpu.core_type<tc>, window_params = [{transform_indices = @transform_0, window_bounds = array<i64: 1000, 1>}, {pipeline_mode = #tpu.pipeline_mode<synchronous>, transform_indices = @transform_1, window_bounds = array<i64: 64, 128>}, {pipeline_mode = #tpu.pipeline_mode<synchronous>, transform_indices = @transform_2, window_bounds = array<i64: 1, 128>}, {pipeline_mode = #tpu.pipeline_mode<synchronous>, transform_indices = @transform_3, window_bounds = array<i64: 128, 8>}, {transform_indices = @transform_4, window_bounds = array<i64: 1000, 128>}, {transform_indices = @transform_5, window_bounds = array<i64: 1000, 128>}]} {
    %get3A = arith.constant 0 : index
    %get3A_0 = arith.constant 0 : index
    %get3A_1 = vector.load %arg1[%get3A, %get3A_0] : memref<1000x1xi32, #tpu.memory_space<vmem>>, vector<1000x1xi32>
    %iota3A = tpu.iota {dimensions = array<i32: 1>} : vector<1000x64xi32>
    %eq3A = vector.broadcast %get3A_1 : vector<1000x1xi32> to vector<1000x64xi32>
    %eq3A_2 = arith.cmpi eq, %eq3A, %iota3A : vector<1000x64xi32>
    %convert_element_type3A = arith.extui %eq3A_2 : vector<1000x64xi1> to vector<1000x64xi32>
    %convert_element_type3A_3 = arith.sitofp %convert_element_type3A : vector<1000x64xi32> to vector<1000x64xf32>
    %get3A_4 = arith.constant 0 : index
    %get3A_5 = arith.constant 0 : index
    %get3A_6 = vector.load %arg2[%get3A_4, %get3A_5] : memref<64x128xf32, #tpu.memory_space<vmem>>, vector<64x128xf32>
    %dot_general3A = arith.constant dense<0.000000e+00> : vector<1000x128xf32>
    %dot_general3A_7 = tpu.matmul %convert_element_type3A_3, %get3A_6, %dot_general3A {dimension_numbers = #tpu.dot_dimension_numbers<[1], [0], [0], [1], [0, 0, 1, 1], [], []>, transpose_lhs_hint = false} : vector<1000x64xf32>, vector<64x128xf32>, vector<1000x128xf32> -> vector<1000x128xf32>
    %get3A_8 = arith.constant 0 : index
    %get3A_9 = arith.constant 0 : index
    %get3A_10 = vector.load %arg3[%get3A_8, %get3A_9] : memref<1x128xf32, #tpu.memory_space<vmem>>, vector<1x128xf32>
    %add3A = vector.broadcast %get3A_10 : vector<1x128xf32> to vector<1000x128xf32>
    %add3A_11 = arith.addf %dot_general3A_7, %add3A : vector<1000x128xf32>
    %swap3A = arith.constant 0 : index
    %swap3A_12 = arith.constant 0 : index
    %swap3A_13 = vector.load %arg5[%swap3A, %swap3A_12] : memref<1000x128xf32, #tpu.memory_space<vmem>>, vector<1000x128xf32>
    tpu.vector_store %arg5[%swap3A, %swap3A_12], %add3A_11 {strides = array<i32>} : memref<1000x128xf32, #tpu.memory_space<vmem>>, vector<1000x128xf32>,
    %get3A_14 = arith.constant 0 : index
    %get3A_15 = arith.constant 0 : index
    %get3A_16 = vector.load %arg4[%get3A_14, %get3A_15] : memref<128x8xf32, #tpu.memory_space<vmem>>, vector<128x8xf32>
    %dot_general3A_17 = arith.constant dense<0.000000e+00> : vector<1000x8xf32>
    %dot_general3A_18 = tpu.matmul %add3A_11, %get3A_16, %dot_general3A_17 {dimension_numbers = #tpu.dot_dimension_numbers<[1], [0], [0], [1], [0, 0, 1, 1], [], []>, transpose_lhs_hint = false} : vector<1000x128xf32>, vector<128x8xf32>, vector<1000x8xf32> -> vector<1000x8xf32>
    %broadcast_in_dim3A = arith.constant 0.000000e+00 : f32
    %broadcast_in_dim3A_19 = vector.broadcast %broadcast_in_dim3A : f32 to vector<1000x120xf32>
    %concatenate3A = tpu.concatenate %dot_general3A_18, %broadcast_in_dim3A_19 in 1 : vector<1000x8xf32>, vector<1000x120xf32> -> vector<1000x128xf32>
    %swap3A_20 = arith.constant 0 : index
    %swap3A_21 = arith.constant 0 : index
    %swap3A_22 = vector.load %arg6[%swap3A_20, %swap3A_21] : memref<1000x128xf32, #tpu.memory_space<vmem>>, vector<1000x128xf32>
    tpu.vector_store %arg6[%swap3A_20, %swap3A_21], %concatenate3A {strides = array<i32>} : memref<1000x128xf32, #tpu.memory_space<vmem>>, vector<1000x128xf32>,
    return
  }
  func.func @transform_0(%arg0: i32) -> (i32, i32) {
    %c0_i32 = arith.constant 0 : i32
    %c0_i32_0 = arith.constant 0 : i32
    return %arg0, %c0_i32 : i32, i32
  }
  func.func @transform_1(%arg0: i32) -> (i32, i32) {
    %c0_i32 = arith.constant 0 : i32
    %c0_i32_0 = arith.constant 0 : i32
    %c0_i32_1 = arith.constant 0 : i32
    return %c0_i32, %c0_i32_0 : i32, i32
  }
  func.func @transform_2(%arg0: i32) -> (i32, i32) {
    %c0_i32 = arith.constant 0 : i32
    %c0_i32_0 = arith.constant 0 : i32
    %c0_i32_1 = arith.constant 0 : i32
    return %c0_i32, %c0_i32_0 : i32, i32
  }
  func.func @transform_3(%arg0: i32) -> (i32, i32) {
    %c0_i32 = arith.constant 0 : i32
    %c0_i32_0 = arith.constant 0 : i32
    %c0_i32_1 = arith.constant 0 : i32
    return %c0_i32, %c0_i32_0 : i32, i32
  }
  func.func @transform_4(%arg0: i32) -> (i32, i32) {
    %c0_i32 = arith.constant 0 : i32
    %c0_i32_0 = arith.constant 0 : i32
    return %arg0, %c0_i32 : i32, i32
  }
  func.func @transform_5(%arg0: i32) -> (i32, i32) {
    %c0_i32 = arith.constant 0 : i32
    %c0_i32_0 = arith.constant 0 : i32
    return %arg0, %c0_i32 : i32, i32
  }
}

module attributes {stable_mosaic.version = 14 : i64} {
  func.func @_geom_kernel(%arg0: i32, %arg1: memref<1250x128xf32, #tpu.memory_space<vmem>>, %arg2: memref<1250x128xf32, #tpu.memory_space<vmem>>, %arg3: memref<1250x128xf32, #tpu.memory_space<vmem>>, %arg4: memref<1250x128xf32, #tpu.memory_space<vmem>>, %arg5: memref<1250x128xf32, #tpu.memory_space<vmem>>, %arg6: memref<1250x1024xf32, #tpu.memory_space<vmem>>, %arg7: memref<1250x1152xf32, #tpu.memory_space<vmem>>) attributes {dimension_semantics = [#tpu.dimension_semantics<parallel>], iteration_bounds = array<i64: 1>, scalar_prefetch = 0 : i64, scratch_operands = 0 : i64, tpu.core_type = #tpu.core_type<tc>, window_params = [{pipeline_mode = #tpu.pipeline_mode<synchronous>, transform_indices = @transform_0, window_bounds = array<i64: 1250, 128>}, {pipeline_mode = #tpu.pipeline_mode<synchronous>, transform_indices = @transform_1, window_bounds = array<i64: 1250, 128>}, {pipeline_mode = #tpu.pipeline_mode<synchronous>, transform_indices = @transform_2, window_bounds = array<i64: 1250, 128>}, {pipeline_mode = #tpu.pipeline_mode<synchronous>, transform_indices = @transform_3, window_bounds = array<i64: 1250, 128>}, {pipeline_mode = #tpu.pipeline_mode<synchronous>, transform_indices = @transform_4, window_bounds = array<i64: 1250, 128>}, {pipeline_mode = #tpu.pipeline_mode<synchronous>, transform_indices = @transform_5, window_bounds = array<i64: 1250, 1024>}, {pipeline_mode = #tpu.pipeline_mode<synchronous>, transform_indices = @transform_6, window_bounds = array<i64: 1250, 1152>}]} {
    %get3A = arith.constant 0 : index
    %get3A_0 = arith.constant 0 : index
    %get3A_1 = vector.load %arg1[%get3A, %get3A_0] : memref<1250x128xf32, #tpu.memory_space<vmem>>, vector<1250x128xf32>
    %div3A = arith.constant 1.000000e+00 : f32
    %div3A_2 = vector.broadcast %div3A : f32 to vector<1250x128xf32>
    %div3A_3 = arith.divf %div3A_2, %get3A_1 : vector<1250x128xf32>
    %mul3A = arith.constant 0.632455527 : f32
    %mul3A_4 = vector.broadcast %mul3A : f32 to vector<1250x128xf32>
    %mul3A_5 = arith.mulf %mul3A_4, %div3A_3 : vector<1250x128xf32>
    %get3A_6 = arith.constant 0 : index
    %get3A_7 = arith.constant 0 : index
    %get3A_8 = vector.load %arg2[%get3A_6, %get3A_7] : memref<1250x128xf32, #tpu.memory_space<vmem>>, vector<1250x128xf32>
    %mul3A_9 = arith.mulf %mul3A_5, %get3A_8 : vector<1250x128xf32>
    %mul3A_10 = arith.constant 0.628318548 : f32
    %mul3A_11 = vector.broadcast %mul3A_10 : f32 to vector<1250x128xf32>
    %mul3A_12 = arith.mulf %get3A_1, %mul3A_11 : vector<1250x128xf32>
    %sin3A = math.sin %mul3A_12 : vector<1250x128xf32>
    %cos3A = math.cos %mul3A_12 : vector<1250x128xf32>
    %mul3A_13 = arith.constant 2.000000e+00 : f32
    %mul3A_14 = vector.broadcast %mul3A_13 : f32 to vector<1250x128xf32>
    %mul3A_15 = arith.mulf %mul3A_14, %cos3A : vector<1250x128xf32>
    %mul3A_16 = arith.mulf %mul3A_15, %sin3A : vector<1250x128xf32>
    %mul3A_17 = arith.mulf %mul3A_15, %mul3A_16 : vector<1250x128xf32>
    %sub3A = arith.subf %mul3A_17, %sin3A : vector<1250x128xf32>
    %mul3A_18 = arith.mulf %mul3A_15, %sub3A : vector<1250x128xf32>
    %sub3A_19 = arith.subf %mul3A_18, %mul3A_16 : vector<1250x128xf32>
    %mul3A_20 = arith.mulf %mul3A_15, %sub3A_19 : vector<1250x128xf32>
    %sub3A_21 = arith.subf %mul3A_20, %sub3A : vector<1250x128xf32>
    %mul3A_22 = arith.mulf %mul3A_15, %sub3A_21 : vector<1250x128xf32>
    %sub3A_23 = arith.subf %mul3A_22, %sub3A_19 : vector<1250x128xf32>
    %mul3A_24 = arith.mulf %mul3A_15, %sub3A_23 : vector<1250x128xf32>
    %sub3A_25 = arith.subf %mul3A_24, %sub3A_21 : vector<1250x128xf32>
    %mul3A_26 = arith.mulf %mul3A_15, %sub3A_25 : vector<1250x128xf32>
    %sub3A_27 = arith.subf %mul3A_26, %sub3A_23 : vector<1250x128xf32>
    %mul3A_28 = arith.mulf %sin3A, %mul3A_9 : vector<1250x128xf32>
    %mul3A_29 = arith.mulf %mul3A_16, %mul3A_9 : vector<1250x128xf32>
    %mul3A_30 = arith.mulf %sub3A, %mul3A_9 : vector<1250x128xf32>
    %mul3A_31 = arith.mulf %sub3A_19, %mul3A_9 : vector<1250x128xf32>
    %mul3A_32 = arith.mulf %sub3A_21, %mul3A_9 : vector<1250x128xf32>
    %mul3A_33 = arith.mulf %sub3A_23, %mul3A_9 : vector<1250x128xf32>
    %mul3A_34 = arith.mulf %sub3A_25, %mul3A_9 : vector<1250x128xf32>
    %mul3A_35 = arith.mulf %sub3A_27, %mul3A_9 : vector<1250x128xf32>
    %concatenate3A = tpu.concatenate %mul3A_28, %mul3A_29, %mul3A_30, %mul3A_31, %mul3A_32, %mul3A_33, %mul3A_34, %mul3A_35 in 1 : vector<1250x128xf32>, vector<1250x128xf32>, vector<1250x128xf32>, vector<1250x128xf32>, vector<1250x128xf32>, vector<1250x128xf32>, vector<1250x128xf32>, vector<1250x128xf32> -> vector<1250x1024xf32>
    %swap3A = arith.constant 0 : index
    %swap3A_36 = arith.constant 0 : index
    %swap3A_37 = vector.load %arg6[%swap3A, %swap3A_36] : memref<1250x1024xf32, #tpu.memory_space<vmem>>, vector<1250x1024xf32>
    tpu.vector_store %arg6[%swap3A, %swap3A_36], %concatenate3A {strides = array<i32>} : memref<1250x1024xf32, #tpu.memory_space<vmem>>, vector<1250x1024xf32>,
    %get3A_38 = arith.constant 0 : index
    %get3A_39 = arith.constant 0 : index
    %get3A_40 = vector.load %arg3[%get3A_38, %get3A_39] : memref<1250x128xf32, #tpu.memory_space<vmem>>, vector<1250x128xf32>
    %mul3A_41 = arith.mulf %get3A_40, %div3A_3 : vector<1250x128xf32>
    %get3A_42 = arith.constant 0 : index
    %get3A_43 = arith.constant 0 : index
    %get3A_44 = vector.load %arg4[%get3A_42, %get3A_43] : memref<1250x128xf32, #tpu.memory_space<vmem>>, vector<1250x128xf32>
    %mul3A_45 = arith.mulf %get3A_44, %div3A_3 : vector<1250x128xf32>
    %get3A_46 = arith.constant 0 : index
    %get3A_47 = arith.constant 0 : index
    %get3A_48 = vector.load %arg5[%get3A_46, %get3A_47] : memref<1250x128xf32, #tpu.memory_space<vmem>>, vector<1250x128xf32>
    %mul3A_49 = arith.mulf %get3A_48, %div3A_3 : vector<1250x128xf32>
    %broadcast_in_dim3A = arith.constant 1.000000e+00 : f32
    %broadcast_in_dim3A_50 = vector.broadcast %broadcast_in_dim3A : f32 to vector<1250x128xf32>
    %mul3A_51 = arith.constant 1.73205078 : f32
    %mul3A_52 = vector.broadcast %mul3A_51 : f32 to vector<1250x128xf32>
    %mul3A_53 = arith.mulf %mul3A_52, %mul3A_45 : vector<1250x128xf32>
    %mul3A_54 = arith.constant 1.73205078 : f32
    %mul3A_55 = vector.broadcast %mul3A_54 : f32 to vector<1250x128xf32>
    %mul3A_56 = arith.mulf %mul3A_55, %mul3A_49 : vector<1250x128xf32>
    %mul3A_57 = arith.constant 1.73205078 : f32
    %mul3A_58 = vector.broadcast %mul3A_57 : f32 to vector<1250x128xf32>
    %mul3A_59 = arith.mulf %mul3A_58, %mul3A_41 : vector<1250x128xf32>
    %mul3A_60 = arith.constant 3.87298346 : f32
    %mul3A_61 = vector.broadcast %mul3A_60 : f32 to vector<1250x128xf32>
    %mul3A_62 = arith.mulf %mul3A_61, %mul3A_41 : vector<1250x128xf32>
    %mul3A_63 = arith.mulf %mul3A_62, %mul3A_45 : vector<1250x128xf32>
    %mul3A_64 = arith.constant 3.87298346 : f32
    %mul3A_65 = vector.broadcast %mul3A_64 : f32 to vector<1250x128xf32>
    %mul3A_66 = arith.mulf %mul3A_65, %mul3A_45 : vector<1250x128xf32>
    %mul3A_67 = arith.mulf %mul3A_66, %mul3A_49 : vector<1250x128xf32>
    %mul3A_68 = arith.constant 3.000000e+00 : f32
    %mul3A_69 = vector.broadcast %mul3A_68 : f32 to vector<1250x128xf32>
    %mul3A_70 = arith.mulf %mul3A_69, %mul3A_49 : vector<1250x128xf32>
    %mul3A_71 = arith.mulf %mul3A_70, %mul3A_49 : vector<1250x128xf32>
    %sub3A_72 = arith.constant 1.000000e+00 : f32
    %sub3A_73 = vector.broadcast %sub3A_72 : f32 to vector<1250x128xf32>
    %sub3A_74 = arith.subf %mul3A_71, %sub3A_73 : vector<1250x128xf32>
    %mul3A_75 = arith.constant 1.11803401 : f32
    %mul3A_76 = vector.broadcast %mul3A_75 : f32 to vector<1250x128xf32>
    %mul3A_77 = arith.mulf %mul3A_76, %sub3A_74 : vector<1250x128xf32>
    %mul3A_78 = arith.constant 3.87298346 : f32
    %mul3A_79 = vector.broadcast %mul3A_78 : f32 to vector<1250x128xf32>
    %mul3A_80 = arith.mulf %mul3A_79, %mul3A_41 : vector<1250x128xf32>
    %mul3A_81 = arith.mulf %mul3A_80, %mul3A_49 : vector<1250x128xf32>
    %mul3A_82 = arith.mulf %mul3A_41, %mul3A_41 : vector<1250x128xf32>
    %mul3A_83 = arith.mulf %mul3A_45, %mul3A_45 : vector<1250x128xf32>
    %sub3A_84 = arith.subf %mul3A_82, %mul3A_83 : vector<1250x128xf32>
    %mul3A_85 = arith.constant 1.93649173 : f32
    %mul3A_86 = vector.broadcast %mul3A_85 : f32 to vector<1250x128xf32>
    %mul3A_87 = arith.mulf %mul3A_86, %sub3A_84 : vector<1250x128xf32>
    %concatenate3A_88 = tpu.concatenate %broadcast_in_dim3A_50, %mul3A_53, %mul3A_56, %mul3A_59, %mul3A_63, %mul3A_67, %mul3A_77, %mul3A_81, %mul3A_87 in 1 : vector<1250x128xf32>, vector<1250x128xf32>, vector<1250x128xf32>, vector<1250x128xf32>, vector<1250x128xf32>, vector<1250x128xf32>, vector<1250x128xf32>, vector<1250x128xf32>, vector<1250x128xf32> -> vector<1250x1152xf32>
    %swap3A_89 = arith.constant 0 : index
    %swap3A_90 = arith.constant 0 : index
    %swap3A_91 = vector.load %arg7[%swap3A_89, %swap3A_90] : memref<1250x1152xf32, #tpu.memory_space<vmem>>, vector<1250x1152xf32>
    tpu.vector_store %arg7[%swap3A_89, %swap3A_90], %concatenate3A_88 {strides = array<i32>} : memref<1250x1152xf32, #tpu.memory_space<vmem>>, vector<1250x1152xf32>,
    return
  }
  func.func @transform_0(%arg0: i32) -> (i32, i32) {
    %c0_i32 = arith.constant 0 : i32
    %c0_i32_0 = arith.constant 0 : i32
    %c0_i32_1 = arith.constant 0 : i32
    return %c0_i32, %c0_i32_0 : i32, i32
  }
  func.func @transform_1(%arg0: i32) -> (i32, i32) {
    %c0_i32 = arith.constant 0 : i32
    %c0_i32_0 = arith.constant 0 : i32
    %c0_i32_1 = arith.constant 0 : i32
    return %c0_i32, %c0_i32_0 : i32, i32
  }
  func.func @transform_2(%arg0: i32) -> (i32, i32) {
    %c0_i32 = arith.constant 0 : i32
    %c0_i32_0 = arith.constant 0 : i32
    %c0_i32_1 = arith.constant 0 : i32
    return %c0_i32, %c0_i32_0 : i32, i32
  }
  func.func @transform_3(%arg0: i32) -> (i32, i32) {
    %c0_i32 = arith.constant 0 : i32
    %c0_i32_0 = arith.constant 0 : i32
    %c0_i32_1 = arith.constant 0 : i32
    return %c0_i32, %c0_i32_0 : i32, i32
  }
  func.func @transform_4(%arg0: i32) -> (i32, i32) {
    %c0_i32 = arith.constant 0 : i32
    %c0_i32_0 = arith.constant 0 : i32
    %c0_i32_1 = arith.constant 0 : i32
    return %c0_i32, %c0_i32_0 : i32, i32
  }
  func.func @transform_5(%arg0: i32) -> (i32, i32) {
    %c0_i32 = arith.constant 0 : i32
    %c0_i32_0 = arith.constant 0 : i32
    %c0_i32_1 = arith.constant 0 : i32
    return %c0_i32, %c0_i32_0 : i32, i32
  }
  func.func @transform_6(%arg0: i32) -> (i32, i32) {
    %c0_i32 = arith.constant 0 : i32
    %c0_i32_0 = arith.constant 0 : i32
    %c0_i32_1 = arith.constant 0 : i32
    return %c0_i32, %c0_i32_0 : i32, i32
  }
}

module attributes {stable_mosaic.version = 14 : i64} {
  func.func @_seg0_kernel(%arg0: i32, %arg1: memref<1280x1xi32, #tpu.memory_space<vmem>>, %arg2: memref<1280x8xf32, #tpu.memory_space<vmem>>, %arg3: memref<1280x9xf32, #tpu.memory_space<vmem>>, %arg4: memref<1280x128xf32, #tpu.memory_space<vmem>>, %arg5: memref<8x576xf32, #tpu.memory_space<vmem>>, %arg6: memref<8x576xf32, #tpu.memory_space<vmem>>, %arg7: memref<9x576xf32, #tpu.memory_space<vmem>>, %arg8: memref<10128x576xf32, #tpu.memory_space<vmem>>) attributes {dimension_semantics = [#tpu.dimension_semantics<arbitrary>], iteration_bounds = array<i64: 125>, scalar_prefetch = 0 : i64, scratch_operands = 0 : i64, tpu.core_type = #tpu.core_type<tc>, window_params = [{transform_indices = @transform_0, window_bounds = array<i64: 1280, 1>}, {transform_indices = @transform_1, window_bounds = array<i64: 1280, 8>}, {transform_indices = @transform_2, window_bounds = array<i64: 1280, 9>}, {transform_indices = @transform_3, window_bounds = array<i64: 1280, 128>}, {pipeline_mode = #tpu.pipeline_mode<synchronous>, transform_indices = @transform_4, window_bounds = array<i64: 8, 576>}, {pipeline_mode = #tpu.pipeline_mode<synchronous>, transform_indices = @transform_5, window_bounds = array<i64: 8, 576>}, {pipeline_mode = #tpu.pipeline_mode<synchronous>, transform_indices = @transform_6, window_bounds = array<i64: 9, 576>}, {pipeline_mode = #tpu.pipeline_mode<synchronous>, transform_indices = @transform_7, window_bounds = array<i64: 10128, 576>}]} {
    %eq3A = arith.constant 0 : i32
    %eq3A_0 = arith.cmpi eq, %arg0, %eq3A : i32
    %convert_element_type3A = arith.extui %eq3A_0 : i1 to i32
    %cond3A = arith.constant 0 : i32
    %cond3A_1 = arith.cmpi ne, %convert_element_type3A, %cond3A : i32
    scf.if %cond3A_1 {
      %broadcast_in_dim3A = arith.constant 0.000000e+00 : f32
      %broadcast_in_dim3A_35 = vector.broadcast %broadcast_in_dim3A : f32 to vector<10128x576xf32>
      %swap3A = arith.constant 0 : index
      %swap3A_36 = arith.constant 0 : index
      %swap3A_37 = vector.load %arg8[%swap3A, %swap3A_36] : memref<10128x576xf32, #tpu.memory_space<vmem>>, vector<10128x576xf32>
      tpu.vector_store %arg8[%swap3A, %swap3A_36], %broadcast_in_dim3A_35 {strides = array<i32>} : memref<10128x576xf32, #tpu.memory_space<vmem>>, vector<10128x576xf32>,
    } else {
    }
    %get3A = arith.constant 0 : index
    %get3A_2 = arith.constant 0 : index
    %get3A_3 = vector.load %arg4[%get3A, %get3A_2] : memref<1280x128xf32, #tpu.memory_space<vmem>>, vector<1280x128xf32>
    %slice3A = vector.extract_strided_slice %get3A_3 {offsets = [0, 0], sizes = [1280, 8], strides = [1, 1]} : vector<1280x128xf32> to vector<1280x8xf32>
    %get3A_4 = arith.constant 0 : index
    %get3A_5 = arith.constant 0 : index
    %get3A_6 = vector.load %arg3[%get3A_4, %get3A_5] : memref<1280x9xf32, #tpu.memory_space<vmem>>, vector<1280x9xf32>
    %get3A_7 = arith.constant 0 : index
    %get3A_8 = arith.constant 0 : index
    %get3A_9 = vector.load %arg7[%get3A_7, %get3A_8] : memref<9x576xf32, #tpu.memory_space<vmem>>, vector<9x576xf32>
    %convert_element_type3A_10 = arith.truncf %get3A_6 : vector<1280x9xf32> to vector<1280x9xbf16>
    %convert_element_type3A_11 = arith.truncf %get3A_9 : vector<9x576xf32> to vector<9x576xbf16>
    %dot_general3A = arith.constant dense<0.000000e+00> : vector<1280x576xf32>
    %dot_general3A_12 = tpu.matmul %convert_element_type3A_10, %convert_element_type3A_11, %dot_general3A {dimension_numbers = #tpu.dot_dimension_numbers<[1], [0], [0], [1], [0, 0, 1, 1], [], []>, transpose_lhs_hint = false} : vector<1280x9xbf16>, vector<9x576xbf16>, vector<1280x576xf32> -> vector<1280x576xf32>
    %get3A_13 = arith.constant 0 : index
    %get3A_14 = arith.constant 0 : index
    %get3A_15 = vector.load %arg5[%get3A_13, %get3A_14] : memref<8x576xf32, #tpu.memory_space<vmem>>, vector<8x576xf32>
    %convert_element_type3A_16 = arith.truncf %slice3A : vector<1280x8xf32> to vector<1280x8xbf16>
    %convert_element_type3A_17 = arith.truncf %get3A_15 : vector<8x576xf32> to vector<8x576xbf16>
    %dot_general3A_18 = arith.constant dense<0.000000e+00> : vector<1280x576xf32>
    %dot_general3A_19 = tpu.matmul %convert_element_type3A_16, %convert_element_type3A_17, %dot_general3A_18 {dimension_numbers = #tpu.dot_dimension_numbers<[1], [0], [0], [1], [0, 0, 1, 1], [], []>, transpose_lhs_hint = false} : vector<1280x8xbf16>, vector<8x576xbf16>, vector<1280x576xf32> -> vector<1280x576xf32>
    %mul3A = arith.mulf %dot_general3A_12, %dot_general3A_19 : vector<1280x576xf32>
    %get3A_20 = arith.constant 0 : index
    %get3A_21 = arith.constant 0 : index
    %get3A_22 = vector.load %arg2[%get3A_20, %get3A_21] : memref<1280x8xf32, #tpu.memory_space<vmem>>, vector<1280x8xf32>
    %get3A_23 = arith.constant 0 : index
    %get3A_24 = arith.constant 0 : index
    %get3A_25 = vector.load %arg6[%get3A_23, %get3A_24] : memref<8x576xf32, #tpu.memory_space<vmem>>, vector<8x576xf32>
    %convert_element_type3A_26 = arith.truncf %get3A_22 : vector<1280x8xf32> to vector<1280x8xbf16>
    %convert_element_type3A_27 = arith.truncf %get3A_25 : vector<8x576xf32> to vector<8x576xbf16>
    %dot_general3A_28 = arith.constant dense<0.000000e+00> : vector<1280x576xf32>
    %dot_general3A_29 = tpu.matmul %convert_element_type3A_26, %convert_element_type3A_27, %dot_general3A_28 {dimension_numbers = #tpu.dot_dimension_numbers<[1], [0], [0], [1], [0, 0, 1, 1], [], []>, transpose_lhs_hint = false} : vector<1280x8xbf16>, vector<8x576xbf16>, vector<1280x576xf32> -> vector<1280x576xf32>
    %mul3A_30 = arith.mulf %mul3A, %dot_general3A_29 : vector<1280x576xf32>
    %get3A_31 = arith.constant 0 : index
    %get3A_32 = arith.constant 0 : index
    %get3A_33 = vector.load %arg1[%get3A_31, %get3A_32] : memref<1280x1xi32, #tpu.memory_space<vmem>>, vector<1280x1xi32>
    %iota3A = tpu.iota {dimensions = array<i32: 1>} : vector<1280x128xi32>
    %while3A = arith.constant 0 : i32
    %while3A_34 = scf.while (%while3A_35 = %while3A) : (i32) -> i32 {
      %lt3A = arith.constant 1280 : i32
      %lt3A_36 = arith.cmpi slt, %while3A_35, %lt3A : i32
      scf.condition(%lt3A_36) %while3A_35 : i32
    } do {
    ^bb0(%while3A_35: i32):
      %get3A_36 = arith.index_cast %while3A_35 : i32 to index
      %get3A_37 = arith.constant 0 : index
      %get3A_38 = vector.load %arg1[%get3A_36, %get3A_37] : memref<1280x1xi32, #tpu.memory_space<vmem>>, vector<1x1xi32>
      %squeeze3A = vector.extract %get3A_38[0, 0] : i32 from vector<1x1xi32>
      %jit3A = arith.constant 8 : i32
      %div3A = arith.divsi %squeeze3A, %jit3A : i32
      %sign3A = arith.constant 0 : i32
      %sign3A_39 = arith.cmpi sgt, %squeeze3A, %sign3A : i32
      %sign3A_40 = arith.extui %sign3A_39 : i1 to i32
      %sign3A_41 = arith.constant 0 : i32
      %sign3A_42 = arith.cmpi slt, %squeeze3A, %sign3A_41 : i32
      %sign3A_43 = arith.extui %sign3A_42 : i1 to i32
      %sign3A_44 = arith.subi %sign3A_40, %sign3A_43 : i32
      %sign3A_45 = arith.constant 0 : i32
      %sign3A_46 = arith.cmpi sgt, %jit3A, %sign3A_45 : i32
      %sign3A_47 = arith.extui %sign3A_46 : i1 to i32
      %sign3A_48 = arith.constant 0 : i32
      %sign3A_49 = arith.cmpi slt, %jit3A, %sign3A_48 : i32
      %sign3A_50 = arith.extui %sign3A_49 : i1 to i32
      %sign3A_51 = arith.subi %sign3A_47, %sign3A_50 : i32
      %ne3A = arith.cmpi ne, %sign3A_44, %sign3A_51 : i32
      %rem3A = arith.remsi %squeeze3A, %jit3A : i32
      %ne3A_52 = arith.constant 0 : i32
      %ne3A_53 = arith.cmpi ne, %rem3A, %ne3A_52 : i32
      %and3A = arith.andi %ne3A, %ne3A_53 : i1
      %sub3A = arith.constant 1 : i32
      %sub3A_54 = arith.subi %div3A, %sub3A : i32
      %select_n3A = arith.select %and3A, %sub3A_54, %div3A : i32
      %mul3A_55 = arith.constant 8 : i32
      %mul3A_56 = arith.muli %select_n3A, %mul3A_55 : i32
      %sub3A_57 = arith.subi %squeeze3A, %mul3A_56 : i32
      %sub3A_58 = vector.broadcast %mul3A_56 : i32 to vector<1280x1xi32>
      %sub3A_59 = arith.subi %get3A_33, %sub3A_58 : vector<1280x1xi32>
      %eq3A_60 = vector.broadcast %sub3A_59 : vector<1280x1xi32> to vector<1280x128xi32>
      %eq3A_61 = arith.cmpi eq, %eq3A_60, %iota3A : vector<1280x128xi32>
      %ge3A = vector.broadcast %sub3A_57 : i32 to vector<1280x128xi32>
      %ge3A_62 = arith.cmpi sge, %iota3A, %ge3A : vector<1280x128xi32>
      %and3A_63 = arith.andi %eq3A_61, %ge3A_62 : vector<1280x128xi1>
      %convert_element_type3A_64 = arith.extui %and3A_63 : vector<1280x128xi1> to vector<1280x128xi32>
      %convert_element_type3A_65 = arith.sitofp %convert_element_type3A_64 : vector<1280x128xi32> to vector<1280x128xf32>
      %convert_element_type3A_66 = arith.truncf %convert_element_type3A_65 : vector<1280x128xf32> to vector<1280x128xbf16>
      %convert_element_type3A_67 = arith.truncf %mul3A_30 : vector<1280x576xf32> to vector<1280x576xbf16>
      %dot_general3A_68 = arith.constant dense<0.000000e+00> : vector<128x576xf32>
      %dot_general3A_69 = tpu.matmul %convert_element_type3A_66, %convert_element_type3A_67, %dot_general3A_68 {dimension_numbers = #tpu.dot_dimension_numbers<[0], [0], [1], [1], [0, 1, 1, 1], [], []>, transpose_lhs_hint = false} : vector<1280x128xbf16>, vector<1280x576xbf16>, vector<128x576xf32> -> vector<128x576xf32>
      %get3A_70 = arith.index_cast %mul3A_56 : i32 to index
      %get3A_71 = arith.constant 0 : index
      %get3A_72 = vector.load %arg8[%get3A_70, %get3A_71] : memref<10128x576xf32, #tpu.memory_space<vmem>>, vector<128x576xf32>
      %add3A = arith.addf %get3A_72, %dot_general3A_69 : vector<128x576xf32>
      %swap3A = arith.index_cast %mul3A_56 : i32 to index
      %swap3A_73 = arith.constant 0 : index
      %swap3A_74 = vector.load %arg8[%swap3A, %swap3A_73] : memref<10128x576xf32, #tpu.memory_space<vmem>>, vector<128x576xf32>
      tpu.vector_store %arg8[%swap3A, %swap3A_73], %add3A {strides = array<i32>} : memref<10128x576xf32, #tpu.memory_space<vmem>>, vector<128x576xf32>,
      %add3A_75 = arith.constant 128 : i32
      %add3A_76 = arith.addi %mul3A_56, %add3A_75 : i32
      %lt3A = vector.broadcast %add3A_76 : i32 to vector<1280x1xi32>
      %lt3A_77 = arith.cmpi slt, %get3A_33, %lt3A : vector<1280x1xi32>
      %convert_element_type3A_78 = arith.extui %lt3A_77 : vector<1280x1xi1> to vector<1280x1xi32>
      %reduce_sum3A = vector.shape_cast %convert_element_type3A_78 : vector<1280x1xi32> to vector<1x1280x1xi32>
      %reduce_sum3A_79 = arith.constant dense<0> : vector<1xi32>
      %reduce_sum3A_80 = vector.multi_reduction <add>, %reduce_sum3A, %reduce_sum3A_79 [1, 2] : vector<1x1280x1xi32> to vector<1xi32>
      %reduce_sum3A_81 = vector.shape_cast %reduce_sum3A_80 : vector<1xi32> to vector<1x1x1xi32>
      %reduce_sum3A_82 = vector.extract %reduce_sum3A_81[0, 0, 0] : i32 from vector<1x1x1xi32>
      scf.yield %reduce_sum3A_82 : i32
    }
    return
  }
  func.func @transform_0(%arg0: i32) -> (i32, i32) {
    %c0_i32 = arith.constant 0 : i32
    %c0_i32_0 = arith.constant 0 : i32
    return %arg0, %c0_i32 : i32, i32
  }
  func.func @transform_1(%arg0: i32) -> (i32, i32) {
    %c0_i32 = arith.constant 0 : i32
    %c0_i32_0 = arith.constant 0 : i32
    return %arg0, %c0_i32 : i32, i32
  }
  func.func @transform_2(%arg0: i32) -> (i32, i32) {
    %c0_i32 = arith.constant 0 : i32
    %c0_i32_0 = arith.constant 0 : i32
    return %arg0, %c0_i32 : i32, i32
  }
  func.func @transform_3(%arg0: i32) -> (i32, i32) {
    %c0_i32 = arith.constant 0 : i32
    %c0_i32_0 = arith.constant 0 : i32
    return %arg0, %c0_i32 : i32, i32
  }
  func.func @transform_4(%arg0: i32) -> (i32, i32) {
    %c0_i32 = arith.constant 0 : i32
    %c0_i32_0 = arith.constant 0 : i32
    %c0_i32_1 = arith.constant 0 : i32
    return %c0_i32, %c0_i32_0 : i32, i32
  }
  func.func @transform_5(%arg0: i32) -> (i32, i32) {
    %c0_i32 = arith.constant 0 : i32
    %c0_i32_0 = arith.constant 0 : i32
    %c0_i32_1 = arith.constant 0 : i32
    return %c0_i32, %c0_i32_0 : i32, i32
  }
  func.func @transform_6(%arg0: i32) -> (i32, i32) {
    %c0_i32 = arith.constant 0 : i32
    %c0_i32_0 = arith.constant 0 : i32
    %c0_i32_1 = arith.constant 0 : i32
    return %c0_i32, %c0_i32_0 : i32, i32
  }
  func.func @transform_7(%arg0: i32) -> (i32, i32) {
    %c0_i32 = arith.constant 0 : i32
    %c0_i32_0 = arith.constant 0 : i32
    %c0_i32_1 = arith.constant 0 : i32
    return %c0_i32, %c0_i32_0 : i32, i32
  }
}

module attributes {stable_mosaic.version = 14 : i64} {
  func.func @_node_mid_kernel(%arg0: i32, %arg1: memref<1000x576xf32, #tpu.memory_space<vmem>>, %arg2: memref<1000x128xf32, #tpu.memory_space<vmem>>, %arg3: memref<576x144xf32, #tpu.memory_space<vmem>>, %arg4: memref<576x144xf32, #tpu.memory_space<vmem>>, %arg5: memref<576x144xf32, #tpu.memory_space<vmem>>, %arg6: memref<144x1296xf32, #tpu.memory_space<vmem>>, %arg7: memref<144x1296xf32, #tpu.memory_space<vmem>>, %arg8: memref<1296x144xf32, #tpu.memory_space<vmem>>, %arg9: memref<1296x144xf32, #tpu.memory_space<vmem>>, %arg10: memref<224x128xf32, #tpu.memory_space<vmem>>, %arg11: memref<1x128xf32, #tpu.memory_space<vmem>>, %arg12: memref<128x128xf32, #tpu.memory_space<vmem>>, %arg13: memref<1x128xf32, #tpu.memory_space<vmem>>, %arg14: memref<128x8xf32, #tpu.memory_space<vmem>>, %arg15: memref<1000x128xf32, #tpu.memory_space<vmem>>, %arg16: memref<1000x144xf32, #tpu.memory_space<vmem>>, %arg17: memref<1000x256xf32, #tpu.memory_space<vmem>>) attributes {dimension_semantics = [#tpu.dimension_semantics<parallel>], iteration_bounds = array<i64: 10>, scalar_prefetch = 0 : i64, scratch_operands = 0 : i64, tpu.core_type = #tpu.core_type<tc>, window_params = [{transform_indices = @transform_0, window_bounds = array<i64: 1000, 576>}, {transform_indices = @transform_1, window_bounds = array<i64: 1000, 128>}, {pipeline_mode = #tpu.pipeline_mode<synchronous>, transform_indices = @transform_2, window_bounds = array<i64: 576, 144>}, {pipeline_mode = #tpu.pipeline_mode<synchronous>, transform_indices = @transform_3, window_bounds = array<i64: 576, 144>}, {pipeline_mode = #tpu.pipeline_mode<synchronous>, transform_indices = @transform_4, window_bounds = array<i64: 576, 144>}, {pipeline_mode = #tpu.pipeline_mode<synchronous>, transform_indices = @transform_5, window_bounds = array<i64: 144, 1296>}, {pipeline_mode = #tpu.pipeline_mode<synchronous>, transform_indices = @transform_6, window_bounds = array<i64: 144, 1296>}, {pipeline_mode = #tpu.pipeline_mode<synchronous>, transform_indices = @transform_7, window_bounds = array<i64: 1296, 144>}, {pipeline_mode = #tpu.pipeline_mode<synchronous>, transform_indices = @transform_8, window_bounds = array<i64: 1296, 144>}, {pipeline_mode = #tpu.pipeline_mode<synchronous>, transform_indices = @transform_9, window_bounds = array<i64: 224, 128>}, {pipeline_mode = #tpu.pipeline_mode<synchronous>, transform_indices = @transform_10, window_bounds = array<i64: 1, 128>}, {pipeline_mode = #tpu.pipeline_mode<synchronous>, transform_indices = @transform_11, window_bounds = array<i64: 128, 128>}, {pipeline_mode = #tpu.pipeline_mode<synchronous>, transform_indices = @transform_12, window_bounds = array<i64: 1, 128>}, {pipeline_mode = #tpu.pipeline_mode<synchronous>, transform_indices = @transform_13, window_bounds = array<i64: 128, 8>}, {transform_indices = @transform_14, window_bounds = array<i64: 1000, 128>}, {transform_indices = @transform_15, window_bounds = array<i64: 1000, 144>}, {transform_indices = @transform_16, window_bounds = array<i64: 1000, 256>}]} {
    %get3A = arith.constant 0 : index
    %get3A_0 = arith.constant 0 : index
    %get3A_1 = vector.load %arg1[%get3A, %get3A_0] : memref<1000x576xf32, #tpu.memory_space<vmem>>, vector<1000x576xf32>
    %get3A_2 = arith.constant 0 : index
    %get3A_3 = arith.constant 0 : index
    %get3A_4 = vector.load %arg3[%get3A_2, %get3A_3] : memref<576x144xf32, #tpu.memory_space<vmem>>, vector<576x144xf32>
    %convert_element_type3A = arith.truncf %get3A_1 : vector<1000x576xf32> to vector<1000x576xbf16>
    %convert_element_type3A_5 = arith.truncf %get3A_4 : vector<576x144xf32> to vector<576x144xbf16>
    %dot_general3A = arith.constant dense<0.000000e+00> : vector<1000x144xf32>
    %dot_general3A_6 = tpu.matmul %convert_element_type3A, %convert_element_type3A_5, %dot_general3A {dimension_numbers = #tpu.dot_dimension_numbers<[1], [0], [0], [1], [0, 0, 1, 1], [], []>, transpose_lhs_hint = false} : vector<1000x576xbf16>, vector<576x144xbf16>, vector<1000x144xf32> -> vector<1000x144xf32>
    %get3A_7 = arith.constant 0 : index
    %get3A_8 = arith.constant 0 : index
    %get3A_9 = vector.load %arg2[%get3A_7, %get3A_8] : memref<1000x128xf32, #tpu.memory_space<vmem>>, vector<1000x128xf32>
    %get3A_10 = arith.constant 0 : index
    %get3A_11 = arith.constant 0 : index
    %get3A_12 = vector.load %arg4[%get3A_10, %get3A_11] : memref<576x144xf32, #tpu.memory_space<vmem>>, vector<576x144xf32>
    %get3A_13 = arith.constant 0 : index
    %get3A_14 = arith.constant 0 : index
    %get3A_15 = vector.load %arg5[%get3A_13, %get3A_14] : memref<576x144xf32, #tpu.memory_space<vmem>>, vector<576x144xf32>
    %get3A_16 = arith.constant 0 : index
    %get3A_17 = arith.constant 0 : index
    %get3A_18 = vector.load %arg6[%get3A_16, %get3A_17] : memref<144x1296xf32, #tpu.memory_space<vmem>>, vector<144x1296xf32>
    %get3A_19 = arith.constant 0 : index
    %get3A_20 = arith.constant 0 : index
    %get3A_21 = vector.load %arg7[%get3A_19, %get3A_20] : memref<144x1296xf32, #tpu.memory_space<vmem>>, vector<144x1296xf32>
    %get3A_22 = arith.constant 0 : index
    %get3A_23 = arith.constant 0 : index
    %get3A_24 = vector.load %arg8[%get3A_22, %get3A_23] : memref<1296x144xf32, #tpu.memory_space<vmem>>, vector<1296x144xf32>
    %get3A_25 = arith.constant 0 : index
    %get3A_26 = arith.constant 0 : index
    %get3A_27 = vector.load %arg9[%get3A_25, %get3A_26] : memref<1296x144xf32, #tpu.memory_space<vmem>>, vector<1296x144xf32>
    %get3A_28 = arith.constant 0 : index
    %get3A_29 = arith.constant 0 : index
    %get3A_30 = vector.load %arg10[%get3A_28, %get3A_29] : memref<224x128xf32, #tpu.memory_space<vmem>>, vector<224x128xf32>
    %get3A_31 = arith.constant 0 : index
    %get3A_32 = arith.constant 0 : index
    %get3A_33 = vector.load %arg11[%get3A_31, %get3A_32] : memref<1x128xf32, #tpu.memory_space<vmem>>, vector<1x128xf32>
    %get3A_34 = arith.constant 0 : index
    %get3A_35 = arith.constant 0 : index
    %get3A_36 = vector.load %arg12[%get3A_34, %get3A_35] : memref<128x128xf32, #tpu.memory_space<vmem>>, vector<128x128xf32>
    %get3A_37 = arith.constant 0 : index
    %get3A_38 = arith.constant 0 : index
    %get3A_39 = vector.load %arg13[%get3A_37, %get3A_38] : memref<1x128xf32, #tpu.memory_space<vmem>>, vector<1x128xf32>
    %convert_element_type3A_40 = arith.truncf %get3A_1 : vector<1000x576xf32> to vector<1000x576xbf16>
    %convert_element_type3A_41 = arith.truncf %get3A_12 : vector<576x144xf32> to vector<576x144xbf16>
    %dot_general3A_42 = arith.constant dense<0.000000e+00> : vector<1000x144xf32>
    %dot_general3A_43 = tpu.matmul %convert_element_type3A_40, %convert_element_type3A_41, %dot_general3A_42 {dimension_numbers = #tpu.dot_dimension_numbers<[1], [0], [0], [1], [0, 0, 1, 1], [], []>, transpose_lhs_hint = false} : vector<1000x576xbf16>, vector<576x144xbf16>, vector<1000x144xf32> -> vector<1000x144xf32>
    %convert_element_type3A_44 = arith.truncf %dot_general3A_6 : vector<1000x144xf32> to vector<1000x144xbf16>
    %convert_element_type3A_45 = arith.truncf %get3A_18 : vector<144x1296xf32> to vector<144x1296xbf16>
    %dot_general3A_46 = arith.constant dense<0.000000e+00> : vector<1000x1296xf32>
    %dot_general3A_47 = tpu.matmul %convert_element_type3A_44, %convert_element_type3A_45, %dot_general3A_46 {dimension_numbers = #tpu.dot_dimension_numbers<[1], [0], [0], [1], [0, 0, 1, 1], [], []>, transpose_lhs_hint = false} : vector<1000x144xbf16>, vector<144x1296xbf16>, vector<1000x1296xf32> -> vector<1000x1296xf32>
    %convert_element_type3A_48 = arith.truncf %dot_general3A_43 : vector<1000x144xf32> to vector<1000x144xbf16>
    %convert_element_type3A_49 = arith.truncf %get3A_21 : vector<144x1296xf32> to vector<144x1296xbf16>
    %dot_general3A_50 = arith.constant dense<0.000000e+00> : vector<1000x1296xf32>
    %dot_general3A_51 = tpu.matmul %convert_element_type3A_48, %convert_element_type3A_49, %dot_general3A_50 {dimension_numbers = #tpu.dot_dimension_numbers<[1], [0], [0], [1], [0, 0, 1, 1], [], []>, transpose_lhs_hint = false} : vector<1000x144xbf16>, vector<144x1296xbf16>, vector<1000x1296xf32> -> vector<1000x1296xf32>
    %mul3A = arith.mulf %dot_general3A_47, %dot_general3A_51 : vector<1000x1296xf32>
    %convert_element_type3A_52 = arith.truncf %mul3A : vector<1000x1296xf32> to vector<1000x1296xbf16>
    %convert_element_type3A_53 = arith.truncf %get3A_24 : vector<1296x144xf32> to vector<1296x144xbf16>
    %dot_general3A_54 = arith.constant dense<0.000000e+00> : vector<1000x144xf32>
    %dot_general3A_55 = tpu.matmul %convert_element_type3A_52, %convert_element_type3A_53, %dot_general3A_54 {dimension_numbers = #tpu.dot_dimension_numbers<[1], [0], [0], [1], [0, 0, 1, 1], [], []>, transpose_lhs_hint = false} : vector<1000x1296xbf16>, vector<1296x144xbf16>, vector<1000x144xf32> -> vector<1000x144xf32>
    %add3A = arith.addf %dot_general3A_6, %dot_general3A_55 : vector<1000x144xf32>
    %convert_element_type3A_56 = arith.truncf %get3A_1 : vector<1000x576xf32> to vector<1000x576xbf16>
    %convert_element_type3A_57 = arith.truncf %get3A_15 : vector<576x144xf32> to vector<576x144xbf16>
    %dot_general3A_58 = arith.constant dense<0.000000e+00> : vector<1000x144xf32>
    %dot_general3A_59 = tpu.matmul %convert_element_type3A_56, %convert_element_type3A_57, %dot_general3A_58 {dimension_numbers = #tpu.dot_dimension_numbers<[1], [0], [0], [1], [0, 0, 1, 1], [], []>, transpose_lhs_hint = false} : vector<1000x576xbf16>, vector<576x144xbf16>, vector<1000x144xf32> -> vector<1000x144xf32>
    %convert_element_type3A_60 = arith.truncf %add3A : vector<1000x144xf32> to vector<1000x144xbf16>
    %convert_element_type3A_61 = arith.truncf %get3A_18 : vector<144x1296xf32> to vector<144x1296xbf16>
    %dot_general3A_62 = arith.constant dense<0.000000e+00> : vector<1000x1296xf32>
    %dot_general3A_63 = tpu.matmul %convert_element_type3A_60, %convert_element_type3A_61, %dot_general3A_62 {dimension_numbers = #tpu.dot_dimension_numbers<[1], [0], [0], [1], [0, 0, 1, 1], [], []>, transpose_lhs_hint = false} : vector<1000x144xbf16>, vector<144x1296xbf16>, vector<1000x1296xf32> -> vector<1000x1296xf32>
    %convert_element_type3A_64 = arith.truncf %dot_general3A_59 : vector<1000x144xf32> to vector<1000x144xbf16>
    %convert_element_type3A_65 = arith.truncf %get3A_21 : vector<144x1296xf32> to vector<144x1296xbf16>
    %dot_general3A_66 = arith.constant dense<0.000000e+00> : vector<1000x1296xf32>
    %dot_general3A_67 = tpu.matmul %convert_element_type3A_64, %convert_element_type3A_65, %dot_general3A_66 {dimension_numbers = #tpu.dot_dimension_numbers<[1], [0], [0], [1], [0, 0, 1, 1], [], []>, transpose_lhs_hint = false} : vector<1000x144xbf16>, vector<144x1296xbf16>, vector<1000x1296xf32> -> vector<1000x1296xf32>
    %mul3A_68 = arith.mulf %dot_general3A_63, %dot_general3A_67 : vector<1000x1296xf32>
    %convert_element_type3A_69 = arith.truncf %mul3A_68 : vector<1000x1296xf32> to vector<1000x1296xbf16>
    %convert_element_type3A_70 = arith.truncf %get3A_27 : vector<1296x144xf32> to vector<1296x144xbf16>
    %dot_general3A_71 = arith.constant dense<0.000000e+00> : vector<1000x144xf32>
    %dot_general3A_72 = tpu.matmul %convert_element_type3A_69, %convert_element_type3A_70, %dot_general3A_71 {dimension_numbers = #tpu.dot_dimension_numbers<[1], [0], [0], [1], [0, 0, 1, 1], [], []>, transpose_lhs_hint = false} : vector<1000x1296xbf16>, vector<1296x144xbf16>, vector<1000x144xf32> -> vector<1000x144xf32>
    %add3A_73 = arith.addf %add3A, %dot_general3A_72 : vector<1000x144xf32>
    %slice3A = vector.extract_strided_slice %get3A_1 {offsets = [0, 0], sizes = [1000, 64], strides = [1, 1]} : vector<1000x576xf32> to vector<1000x64xf32>
    %slice3A_74 = vector.extract_strided_slice %dot_general3A_55 {offsets = [0, 0], sizes = [1000, 16], strides = [1, 1]} : vector<1000x144xf32> to vector<1000x16xf32>
    %slice3A_75 = vector.extract_strided_slice %dot_general3A_72 {offsets = [0, 0], sizes = [1000, 16], strides = [1, 1]} : vector<1000x144xf32> to vector<1000x16xf32>
    %concatenate3A = tpu.concatenate %get3A_9, %slice3A, %slice3A_74, %slice3A_75 in 1 : vector<1000x128xf32>, vector<1000x64xf32>, vector<1000x16xf32>, vector<1000x16xf32> -> vector<1000x224xf32>
    %dot_general3A_76 = arith.constant dense<0.000000e+00> : vector<1000x128xf32>
    %dot_general3A_77 = tpu.matmul %concatenate3A, %get3A_30, %dot_general3A_76 {dimension_numbers = #tpu.dot_dimension_numbers<[1], [0], [0], [1], [0, 0, 1, 1], [], []>, transpose_lhs_hint = false} : vector<1000x224xf32>, vector<224x128xf32>, vector<1000x128xf32> -> vector<1000x128xf32>
    %add3A_78 = vector.broadcast %get3A_33 : vector<1x128xf32> to vector<1000x128xf32>
    %add3A_79 = arith.addf %dot_general3A_77, %add3A_78 : vector<1000x128xf32>
    %logistic3A = arith.negf %add3A_79 : vector<1000x128xf32>
    %logistic3A_80 = math.exp %logistic3A : vector<1000x128xf32>
    %logistic3A_81 = arith.constant 1.000000e+00 : f32
    %logistic3A_82 = vector.broadcast %logistic3A_81 : f32 to vector<1000x128xf32>
    %logistic3A_83 = arith.addf %logistic3A_82, %logistic3A_80 : vector<1000x128xf32>
    %logistic3A_84 = arith.divf %logistic3A_82, %logistic3A_83 : vector<1000x128xf32>
    %mul3A_85 = arith.mulf %add3A_79, %logistic3A_84 : vector<1000x128xf32>
    %dot_general3A_86 = arith.constant dense<0.000000e+00> : vector<1000x128xf32>
    %dot_general3A_87 = tpu.matmul %mul3A_85, %get3A_36, %dot_general3A_86 {dimension_numbers = #tpu.dot_dimension_numbers<[1], [0], [0], [1], [0, 0, 1, 1], [], []>, transpose_lhs_hint = false} : vector<1000x128xf32>, vector<128x128xf32>, vector<1000x128xf32> -> vector<1000x128xf32>
    %add3A_88 = arith.addf %get3A_9, %dot_general3A_87 : vector<1000x128xf32>
    %add3A_89 = vector.broadcast %get3A_39 : vector<1x128xf32> to vector<1000x128xf32>
    %add3A_90 = arith.addf %add3A_88, %add3A_89 : vector<1000x128xf32>
    %swap3A = arith.constant 0 : index
    %swap3A_91 = arith.constant 0 : index
    %swap3A_92 = vector.load %arg15[%swap3A, %swap3A_91] : memref<1000x128xf32, #tpu.memory_space<vmem>>, vector<1000x128xf32>
    tpu.vector_store %arg15[%swap3A, %swap3A_91], %add3A_90 {strides = array<i32>} : memref<1000x128xf32, #tpu.memory_space<vmem>>, vector<1000x128xf32>,
    %swap3A_93 = arith.constant 0 : index
    %swap3A_94 = arith.constant 0 : index
    %swap3A_95 = vector.load %arg16[%swap3A_93, %swap3A_94] : memref<1000x144xf32, #tpu.memory_space<vmem>>, vector<1000x144xf32>
    tpu.vector_store %arg16[%swap3A_93, %swap3A_94], %add3A_73 {strides = array<i32>} : memref<1000x144xf32, #tpu.memory_space<vmem>>, vector<1000x144xf32>,
    %get3A_96 = arith.constant 0 : index
    %get3A_97 = arith.constant 0 : index
    %get3A_98 = vector.load %arg14[%get3A_96, %get3A_97] : memref<128x8xf32, #tpu.memory_space<vmem>>, vector<128x8xf32>
    %dot_general3A_99 = arith.constant dense<0.000000e+00> : vector<1000x8xf32>
    %dot_general3A_100 = tpu.matmul %add3A_90, %get3A_98, %dot_general3A_99 {dimension_numbers = #tpu.dot_dimension_numbers<[1], [0], [0], [1], [0, 0, 1, 1], [], []>, transpose_lhs_hint = false} : vector<1000x128xf32>, vector<128x8xf32>, vector<1000x8xf32> -> vector<1000x8xf32>
    %broadcast_in_dim3A = arith.constant 0.000000e+00 : f32
    %broadcast_in_dim3A_101 = vector.broadcast %broadcast_in_dim3A : f32 to vector<1000x104xf32>
    %concatenate3A_102 = tpu.concatenate %dot_general3A_100, %add3A_73, %broadcast_in_dim3A_101 in 1 : vector<1000x8xf32>, vector<1000x144xf32>, vector<1000x104xf32> -> vector<1000x256xf32>
    %swap3A_103 = arith.constant 0 : index
    %swap3A_104 = arith.constant 0 : index
    %swap3A_105 = vector.load %arg17[%swap3A_103, %swap3A_104] : memref<1000x256xf32, #tpu.memory_space<vmem>>, vector<1000x256xf32>
    tpu.vector_store %arg17[%swap3A_103, %swap3A_104], %concatenate3A_102 {strides = array<i32>} : memref<1000x256xf32, #tpu.memory_space<vmem>>, vector<1000x256xf32>,
    return
  }
  func.func @transform_0(%arg0: i32) -> (i32, i32) {
    %c0_i32 = arith.constant 0 : i32
    %c0_i32_0 = arith.constant 0 : i32
    return %arg0, %c0_i32 : i32, i32
  }
  func.func @transform_1(%arg0: i32) -> (i32, i32) {
    %c0_i32 = arith.constant 0 : i32
    %c0_i32_0 = arith.constant 0 : i32
    return %arg0, %c0_i32 : i32, i32
  }
  func.func @transform_2(%arg0: i32) -> (i32, i32) {
    %c0_i32 = arith.constant 0 : i32
    %c0_i32_0 = arith.constant 0 : i32
    %c0_i32_1 = arith.constant 0 : i32
    return %c0_i32, %c0_i32_0 : i32, i32
  }
  func.func @transform_3(%arg0: i32) -> (i32, i32) {
    %c0_i32 = arith.constant 0 : i32
    %c0_i32_0 = arith.constant 0 : i32
    %c0_i32_1 = arith.constant 0 : i32
    return %c0_i32, %c0_i32_0 : i32, i32
  }
  func.func @transform_4(%arg0: i32) -> (i32, i32) {
    %c0_i32 = arith.constant 0 : i32
    %c0_i32_0 = arith.constant 0 : i32
    %c0_i32_1 = arith.constant 0 : i32
    return %c0_i32, %c0_i32_0 : i32, i32
  }
  func.func @transform_5(%arg0: i32) -> (i32, i32) {
    %c0_i32 = arith.constant 0 : i32
    %c0_i32_0 = arith.constant 0 : i32
    %c0_i32_1 = arith.constant 0 : i32
    return %c0_i32, %c0_i32_0 : i32, i32
  }
  func.func @transform_6(%arg0: i32) -> (i32, i32) {
    %c0_i32 = arith.constant 0 : i32
    %c0_i32_0 = arith.constant 0 : i32
    %c0_i32_1 = arith.constant 0 : i32
    return %c0_i32, %c0_i32_0 : i32, i32
  }
  func.func @transform_7(%arg0: i32) -> (i32, i32) {
    %c0_i32 = arith.constant 0 : i32
    %c0_i32_0 = arith.constant 0 : i32
    %c0_i32_1 = arith.constant 0 : i32
    return %c0_i32, %c0_i32_0 : i32, i32
  }
  func.func @transform_8(%arg0: i32) -> (i32, i32) {
    %c0_i32 = arith.constant 0 : i32
    %c0_i32_0 = arith.constant 0 : i32
    %c0_i32_1 = arith.constant 0 : i32
    return %c0_i32, %c0_i32_0 : i32, i32
  }
  func.func @transform_9(%arg0: i32) -> (i32, i32) {
    %c0_i32 = arith.constant 0 : i32
    %c0_i32_0 = arith.constant 0 : i32
    %c0_i32_1 = arith.constant 0 : i32
    return %c0_i32, %c0_i32_0 : i32, i32
  }
  func.func @transform_10(%arg0: i32) -> (i32, i32) {
    %c0_i32 = arith.constant 0 : i32
    %c0_i32_0 = arith.constant 0 : i32
    %c0_i32_1 = arith.constant 0 : i32
    return %c0_i32, %c0_i32_0 : i32, i32
  }
  func.func @transform_11(%arg0: i32) -> (i32, i32) {
    %c0_i32 = arith.constant 0 : i32
    %c0_i32_0 = arith.constant 0 : i32
    %c0_i32_1 = arith.constant 0 : i32
    return %c0_i32, %c0_i32_0 : i32, i32
  }
  func.func @transform_12(%arg0: i32) -> (i32, i32) {
    %c0_i32 = arith.constant 0 : i32
    %c0_i32_0 = arith.constant 0 : i32
    %c0_i32_1 = arith.constant 0 : i32
    return %c0_i32, %c0_i32_0 : i32, i32
  }
  func.func @transform_13(%arg0: i32) -> (i32, i32) {
    %c0_i32 = arith.constant 0 : i32
    %c0_i32_0 = arith.constant 0 : i32
    %c0_i32_1 = arith.constant 0 : i32
    return %c0_i32, %c0_i32_0 : i32, i32
  }
  func.func @transform_14(%arg0: i32) -> (i32, i32) {
    %c0_i32 = arith.constant 0 : i32
    %c0_i32_0 = arith.constant 0 : i32
    return %arg0, %c0_i32 : i32, i32
  }
  func.func @transform_15(%arg0: i32) -> (i32, i32) {
    %c0_i32 = arith.constant 0 : i32
    %c0_i32_0 = arith.constant 0 : i32
    return %arg0, %c0_i32 : i32, i32
  }
  func.func @transform_16(%arg0: i32) -> (i32, i32) {
    %c0_i32 = arith.constant 0 : i32
    %c0_i32_0 = arith.constant 0 : i32
    return %arg0, %c0_i32 : i32, i32
  }
}

module attributes {stable_mosaic.version = 14 : i64} {
  func.func @_seg1_kernel(%arg0: i32, %arg1: memref<1280x1xi32, #tpu.memory_space<vmem>>, %arg2: memref<1280x8xf32, #tpu.memory_space<vmem>>, %arg3: memref<1280x256xf32, #tpu.memory_space<vmem>>, %arg4: memref<144x576xf32, #tpu.memory_space<vmem>>, %arg5: memref<8x576xf32, #tpu.memory_space<vmem>>, %arg6: memref<8x576xf32, #tpu.memory_space<vmem>>, %arg7: memref<10128x576xf32, #tpu.memory_space<vmem>>) attributes {dimension_semantics = [#tpu.dimension_semantics<arbitrary>], iteration_bounds = array<i64: 125>, scalar_prefetch = 0 : i64, scratch_operands = 0 : i64, tpu.core_type = #tpu.core_type<tc>, window_params = [{transform_indices = @transform_0, window_bounds = array<i64: 1280, 1>}, {transform_indices = @transform_1, window_bounds = array<i64: 1280, 8>}, {transform_indices = @transform_2, window_bounds = array<i64: 1280, 256>}, {pipeline_mode = #tpu.pipeline_mode<synchronous>, transform_indices = @transform_3, window_bounds = array<i64: 144, 576>}, {pipeline_mode = #tpu.pipeline_mode<synchronous>, transform_indices = @transform_4, window_bounds = array<i64: 8, 576>}, {pipeline_mode = #tpu.pipeline_mode<synchronous>, transform_indices = @transform_5, window_bounds = array<i64: 8, 576>}, {pipeline_mode = #tpu.pipeline_mode<synchronous>, transform_indices = @transform_6, window_bounds = array<i64: 10128, 576>}]} {
    %eq3A = arith.constant 0 : i32
    %eq3A_0 = arith.cmpi eq, %arg0, %eq3A : i32
    %convert_element_type3A = arith.extui %eq3A_0 : i1 to i32
    %cond3A = arith.constant 0 : i32
    %cond3A_1 = arith.cmpi ne, %convert_element_type3A, %cond3A : i32
    scf.if %cond3A_1 {
      %broadcast_in_dim3A = arith.constant 0.000000e+00 : f32
      %broadcast_in_dim3A_33 = vector.broadcast %broadcast_in_dim3A : f32 to vector<10128x576xf32>
      %swap3A = arith.constant 0 : index
      %swap3A_34 = arith.constant 0 : index
      %swap3A_35 = vector.load %arg7[%swap3A, %swap3A_34] : memref<10128x576xf32, #tpu.memory_space<vmem>>, vector<10128x576xf32>
      tpu.vector_store %arg7[%swap3A, %swap3A_34], %broadcast_in_dim3A_33 {strides = array<i32>} : memref<10128x576xf32, #tpu.memory_space<vmem>>, vector<10128x576xf32>,
    } else {
    }
    %get3A = arith.constant 0 : index
    %get3A_2 = arith.constant 0 : index
    %get3A_3 = vector.load %arg3[%get3A, %get3A_2] : memref<1280x256xf32, #tpu.memory_space<vmem>>, vector<1280x256xf32>
    %slice3A = vector.extract_strided_slice %get3A_3 {offsets = [0, 0], sizes = [1280, 8], strides = [1, 1]} : vector<1280x256xf32> to vector<1280x8xf32>
    %slice3A_4 = vector.extract_strided_slice %get3A_3 {offsets = [0, 8], sizes = [1280, 144], strides = [1, 1]} : vector<1280x256xf32> to vector<1280x144xf32>
    %get3A_5 = arith.constant 0 : index
    %get3A_6 = arith.constant 0 : index
    %get3A_7 = vector.load %arg4[%get3A_5, %get3A_6] : memref<144x576xf32, #tpu.memory_space<vmem>>, vector<144x576xf32>
    %convert_element_type3A_8 = arith.truncf %slice3A_4 : vector<1280x144xf32> to vector<1280x144xbf16>
    %convert_element_type3A_9 = arith.truncf %get3A_7 : vector<144x576xf32> to vector<144x576xbf16>
    %dot_general3A = arith.constant dense<0.000000e+00> : vector<1280x576xf32>
    %dot_general3A_10 = tpu.matmul %convert_element_type3A_8, %convert_element_type3A_9, %dot_general3A {dimension_numbers = #tpu.dot_dimension_numbers<[1], [0], [0], [1], [0, 0, 1, 1], [], []>, transpose_lhs_hint = false} : vector<1280x144xbf16>, vector<144x576xbf16>, vector<1280x576xf32> -> vector<1280x576xf32>
    %get3A_11 = arith.constant 0 : index
    %get3A_12 = arith.constant 0 : index
    %get3A_13 = vector.load %arg5[%get3A_11, %get3A_12] : memref<8x576xf32, #tpu.memory_space<vmem>>, vector<8x576xf32>
    %convert_element_type3A_14 = arith.truncf %slice3A : vector<1280x8xf32> to vector<1280x8xbf16>
    %convert_element_type3A_15 = arith.truncf %get3A_13 : vector<8x576xf32> to vector<8x576xbf16>
    %dot_general3A_16 = arith.constant dense<0.000000e+00> : vector<1280x576xf32>
    %dot_general3A_17 = tpu.matmul %convert_element_type3A_14, %convert_element_type3A_15, %dot_general3A_16 {dimension_numbers = #tpu.dot_dimension_numbers<[1], [0], [0], [1], [0, 0, 1, 1], [], []>, transpose_lhs_hint = false} : vector<1280x8xbf16>, vector<8x576xbf16>, vector<1280x576xf32> -> vector<1280x576xf32>
    %get3A_18 = arith.constant 0 : index
    %get3A_19 = arith.constant 0 : index
    %get3A_20 = vector.load %arg2[%get3A_18, %get3A_19] : memref<1280x8xf32, #tpu.memory_space<vmem>>, vector<1280x8xf32>
    %get3A_21 = arith.constant 0 : index
    %get3A_22 = arith.constant 0 : index
    %get3A_23 = vector.load %arg6[%get3A_21, %get3A_22] : memref<8x576xf32, #tpu.memory_space<vmem>>, vector<8x576xf32>
    %convert_element_type3A_24 = arith.truncf %get3A_20 : vector<1280x8xf32> to vector<1280x8xbf16>
    %convert_element_type3A_25 = arith.truncf %get3A_23 : vector<8x576xf32> to vector<8x576xbf16>
    %dot_general3A_26 = arith.constant dense<0.000000e+00> : vector<1280x576xf32>
    %dot_general3A_27 = tpu.matmul %convert_element_type3A_24, %convert_element_type3A_25, %dot_general3A_26 {dimension_numbers = #tpu.dot_dimension_numbers<[1], [0], [0], [1], [0, 0, 1, 1], [], []>, transpose_lhs_hint = false} : vector<1280x8xbf16>, vector<8x576xbf16>, vector<1280x576xf32> -> vector<1280x576xf32>
    %mul3A = arith.mulf %dot_general3A_17, %dot_general3A_27 : vector<1280x576xf32>
    %mul3A_28 = arith.mulf %mul3A, %dot_general3A_10 : vector<1280x576xf32>
    %get3A_29 = arith.constant 0 : index
    %get3A_30 = arith.constant 0 : index
    %get3A_31 = vector.load %arg1[%get3A_29, %get3A_30] : memref<1280x1xi32, #tpu.memory_space<vmem>>, vector<1280x1xi32>
    %iota3A = tpu.iota {dimensions = array<i32: 1>} : vector<1280x128xi32>
    %while3A = arith.constant 0 : i32
    %while3A_32 = scf.while (%while3A_33 = %while3A) : (i32) -> i32 {
      %lt3A = arith.constant 1280 : i32
      %lt3A_34 = arith.cmpi slt, %while3A_33, %lt3A : i32
      scf.condition(%lt3A_34) %while3A_33 : i32
    } do {
    ^bb0(%while3A_33: i32):
      %get3A_34 = arith.index_cast %while3A_33 : i32 to index
      %get3A_35 = arith.constant 0 : index
      %get3A_36 = vector.load %arg1[%get3A_34, %get3A_35] : memref<1280x1xi32, #tpu.memory_space<vmem>>, vector<1x1xi32>
      %squeeze3A = vector.extract %get3A_36[0, 0] : i32 from vector<1x1xi32>
      %jit3A = arith.constant 8 : i32
      %div3A = arith.divsi %squeeze3A, %jit3A : i32
      %sign3A = arith.constant 0 : i32
      %sign3A_37 = arith.cmpi sgt, %squeeze3A, %sign3A : i32
      %sign3A_38 = arith.extui %sign3A_37 : i1 to i32
      %sign3A_39 = arith.constant 0 : i32
      %sign3A_40 = arith.cmpi slt, %squeeze3A, %sign3A_39 : i32
      %sign3A_41 = arith.extui %sign3A_40 : i1 to i32
      %sign3A_42 = arith.subi %sign3A_38, %sign3A_41 : i32
      %sign3A_43 = arith.constant 0 : i32
      %sign3A_44 = arith.cmpi sgt, %jit3A, %sign3A_43 : i32
      %sign3A_45 = arith.extui %sign3A_44 : i1 to i32
      %sign3A_46 = arith.constant 0 : i32
      %sign3A_47 = arith.cmpi slt, %jit3A, %sign3A_46 : i32
      %sign3A_48 = arith.extui %sign3A_47 : i1 to i32
      %sign3A_49 = arith.subi %sign3A_45, %sign3A_48 : i32
      %ne3A = arith.cmpi ne, %sign3A_42, %sign3A_49 : i32
      %rem3A = arith.remsi %squeeze3A, %jit3A : i32
      %ne3A_50 = arith.constant 0 : i32
      %ne3A_51 = arith.cmpi ne, %rem3A, %ne3A_50 : i32
      %and3A = arith.andi %ne3A, %ne3A_51 : i1
      %sub3A = arith.constant 1 : i32
      %sub3A_52 = arith.subi %div3A, %sub3A : i32
      %select_n3A = arith.select %and3A, %sub3A_52, %div3A : i32
      %mul3A_53 = arith.constant 8 : i32
      %mul3A_54 = arith.muli %select_n3A, %mul3A_53 : i32
      %sub3A_55 = arith.subi %squeeze3A, %mul3A_54 : i32
      %sub3A_56 = vector.broadcast %mul3A_54 : i32 to vector<1280x1xi32>
      %sub3A_57 = arith.subi %get3A_31, %sub3A_56 : vector<1280x1xi32>
      %eq3A_58 = vector.broadcast %sub3A_57 : vector<1280x1xi32> to vector<1280x128xi32>
      %eq3A_59 = arith.cmpi eq, %eq3A_58, %iota3A : vector<1280x128xi32>
      %ge3A = vector.broadcast %sub3A_55 : i32 to vector<1280x128xi32>
      %ge3A_60 = arith.cmpi sge, %iota3A, %ge3A : vector<1280x128xi32>
      %and3A_61 = arith.andi %eq3A_59, %ge3A_60 : vector<1280x128xi1>
      %convert_element_type3A_62 = arith.extui %and3A_61 : vector<1280x128xi1> to vector<1280x128xi32>
      %convert_element_type3A_63 = arith.sitofp %convert_element_type3A_62 : vector<1280x128xi32> to vector<1280x128xf32>
      %convert_element_type3A_64 = arith.truncf %convert_element_type3A_63 : vector<1280x128xf32> to vector<1280x128xbf16>
      %convert_element_type3A_65 = arith.truncf %mul3A_28 : vector<1280x576xf32> to vector<1280x576xbf16>
      %dot_general3A_66 = arith.constant dense<0.000000e+00> : vector<128x576xf32>
      %dot_general3A_67 = tpu.matmul %convert_element_type3A_64, %convert_element_type3A_65, %dot_general3A_66 {dimension_numbers = #tpu.dot_dimension_numbers<[0], [0], [1], [1], [0, 1, 1, 1], [], []>, transpose_lhs_hint = false} : vector<1280x128xbf16>, vector<1280x576xbf16>, vector<128x576xf32> -> vector<128x576xf32>
      %get3A_68 = arith.index_cast %mul3A_54 : i32 to index
      %get3A_69 = arith.constant 0 : index
      %get3A_70 = vector.load %arg7[%get3A_68, %get3A_69] : memref<10128x576xf32, #tpu.memory_space<vmem>>, vector<128x576xf32>
      %add3A = arith.addf %get3A_70, %dot_general3A_67 : vector<128x576xf32>
      %swap3A = arith.index_cast %mul3A_54 : i32 to index
      %swap3A_71 = arith.constant 0 : index
      %swap3A_72 = vector.load %arg7[%swap3A, %swap3A_71] : memref<10128x576xf32, #tpu.memory_space<vmem>>, vector<128x576xf32>
      tpu.vector_store %arg7[%swap3A, %swap3A_71], %add3A {strides = array<i32>} : memref<10128x576xf32, #tpu.memory_space<vmem>>, vector<128x576xf32>,
      %add3A_73 = arith.constant 128 : i32
      %add3A_74 = arith.addi %mul3A_54, %add3A_73 : i32
      %lt3A = vector.broadcast %add3A_74 : i32 to vector<1280x1xi32>
      %lt3A_75 = arith.cmpi slt, %get3A_31, %lt3A : vector<1280x1xi32>
      %convert_element_type3A_76 = arith.extui %lt3A_75 : vector<1280x1xi1> to vector<1280x1xi32>
      %reduce_sum3A = vector.shape_cast %convert_element_type3A_76 : vector<1280x1xi32> to vector<1x1280x1xi32>
      %reduce_sum3A_77 = arith.constant dense<0> : vector<1xi32>
      %reduce_sum3A_78 = vector.multi_reduction <add>, %reduce_sum3A, %reduce_sum3A_77 [1, 2] : vector<1x1280x1xi32> to vector<1xi32>
      %reduce_sum3A_79 = vector.shape_cast %reduce_sum3A_78 : vector<1xi32> to vector<1x1x1xi32>
      %reduce_sum3A_80 = vector.extract %reduce_sum3A_79[0, 0, 0] : i32 from vector<1x1x1xi32>
      scf.yield %reduce_sum3A_80 : i32
    }
    return
  }
  func.func @transform_0(%arg0: i32) -> (i32, i32) {
    %c0_i32 = arith.constant 0 : i32
    %c0_i32_0 = arith.constant 0 : i32
    return %arg0, %c0_i32 : i32, i32
  }
  func.func @transform_1(%arg0: i32) -> (i32, i32) {
    %c0_i32 = arith.constant 0 : i32
    %c0_i32_0 = arith.constant 0 : i32
    return %arg0, %c0_i32 : i32, i32
  }
  func.func @transform_2(%arg0: i32) -> (i32, i32) {
    %c0_i32 = arith.constant 0 : i32
    %c0_i32_0 = arith.constant 0 : i32
    return %arg0, %c0_i32 : i32, i32
  }
  func.func @transform_3(%arg0: i32) -> (i32, i32) {
    %c0_i32 = arith.constant 0 : i32
    %c0_i32_0 = arith.constant 0 : i32
    %c0_i32_1 = arith.constant 0 : i32
    return %c0_i32, %c0_i32_0 : i32, i32
  }
  func.func @transform_4(%arg0: i32) -> (i32, i32) {
    %c0_i32 = arith.constant 0 : i32
    %c0_i32_0 = arith.constant 0 : i32
    %c0_i32_1 = arith.constant 0 : i32
    return %c0_i32, %c0_i32_0 : i32, i32
  }
  func.func @transform_5(%arg0: i32) -> (i32, i32) {
    %c0_i32 = arith.constant 0 : i32
    %c0_i32_0 = arith.constant 0 : i32
    %c0_i32_1 = arith.constant 0 : i32
    return %c0_i32, %c0_i32_0 : i32, i32
  }
  func.func @transform_6(%arg0: i32) -> (i32, i32) {
    %c0_i32 = arith.constant 0 : i32
    %c0_i32_0 = arith.constant 0 : i32
    %c0_i32_1 = arith.constant 0 : i32
    return %c0_i32, %c0_i32_0 : i32, i32
  }
}

module attributes {stable_mosaic.version = 14 : i64} {
  func.func @_node_fin_kernel(%arg0: i32, %arg1: memref<1000x576xf32, #tpu.memory_space<vmem>>, %arg2: memref<1000x576xf32, #tpu.memory_space<vmem>>, %arg3: memref<1000x128xf32, #tpu.memory_space<vmem>>, %arg4: memref<1000x144xf32, #tpu.memory_space<vmem>>, %arg5: memref<576x144xf32, #tpu.memory_space<vmem>>, %arg6: memref<576x144xf32, #tpu.memory_space<vmem>>, %arg7: memref<144x1296xf32, #tpu.memory_space<vmem>>, %arg8: memref<144x1296xf32, #tpu.memory_space<vmem>>, %arg9: memref<1296x144xf32, #tpu.memory_space<vmem>>, %arg10: memref<1296x144xf32, #tpu.memory_space<vmem>>, %arg11: memref<224x128xf32, #tpu.memory_space<vmem>>, %arg12: memref<1x128xf32, #tpu.memory_space<vmem>>, %arg13: memref<128x128xf32, #tpu.memory_space<vmem>>, %arg14: memref<1x128xf32, #tpu.memory_space<vmem>>, %arg15: memref<1000x128xf32, #tpu.memory_space<vmem>>, %arg16: memref<1000x144xf32, #tpu.memory_space<vmem>>) attributes {dimension_semantics = [#tpu.dimension_semantics<parallel>], iteration_bounds = array<i64: 10>, scalar_prefetch = 0 : i64, scratch_operands = 0 : i64, tpu.core_type = #tpu.core_type<tc>, window_params = [{transform_indices = @transform_0, window_bounds = array<i64: 1000, 576>}, {transform_indices = @transform_1, window_bounds = array<i64: 1000, 576>}, {transform_indices = @transform_2, window_bounds = array<i64: 1000, 128>}, {transform_indices = @transform_3, window_bounds = array<i64: 1000, 144>}, {pipeline_mode = #tpu.pipeline_mode<synchronous>, transform_indices = @transform_4, window_bounds = array<i64: 576, 144>}, {pipeline_mode = #tpu.pipeline_mode<synchronous>, transform_indices = @transform_5, window_bounds = array<i64: 576, 144>}, {pipeline_mode = #tpu.pipeline_mode<synchronous>, transform_indices = @transform_6, window_bounds = array<i64: 144, 1296>}, {pipeline_mode = #tpu.pipeline_mode<synchronous>, transform_indices = @transform_7, window_bounds = array<i64: 144, 1296>}, {pipeline_mode = #tpu.pipeline_mode<synchronous>, transform_indices = @transform_8, window_bounds = array<i64: 1296, 144>}, {pipeline_mode = #tpu.pipeline_mode<synchronous>, transform_indices = @transform_9, window_bounds = array<i64: 1296, 144>}, {pipeline_mode = #tpu.pipeline_mode<synchronous>, transform_indices = @transform_10, window_bounds = array<i64: 224, 128>}, {pipeline_mode = #tpu.pipeline_mode<synchronous>, transform_indices = @transform_11, window_bounds = array<i64: 1, 128>}, {pipeline_mode = #tpu.pipeline_mode<synchronous>, transform_indices = @transform_12, window_bounds = array<i64: 128, 128>}, {pipeline_mode = #tpu.pipeline_mode<synchronous>, transform_indices = @transform_13, window_bounds = array<i64: 1, 128>}, {transform_indices = @transform_14, window_bounds = array<i64: 1000, 128>}, {transform_indices = @transform_15, window_bounds = array<i64: 1000, 144>}]} {
    %get3A = arith.constant 0 : index
    %get3A_0 = arith.constant 0 : index
    %get3A_1 = vector.load %arg1[%get3A, %get3A_0] : memref<1000x576xf32, #tpu.memory_space<vmem>>, vector<1000x576xf32>
    %get3A_2 = arith.constant 0 : index
    %get3A_3 = arith.constant 0 : index
    %get3A_4 = vector.load %arg2[%get3A_2, %get3A_3] : memref<1000x576xf32, #tpu.memory_space<vmem>>, vector<1000x576xf32>
    %add3A = arith.addf %get3A_1, %get3A_4 : vector<1000x576xf32>
    %get3A_5 = arith.constant 0 : index
    %get3A_6 = arith.constant 0 : index
    %get3A_7 = vector.load %arg3[%get3A_5, %get3A_6] : memref<1000x128xf32, #tpu.memory_space<vmem>>, vector<1000x128xf32>
    %get3A_8 = arith.constant 0 : index
    %get3A_9 = arith.constant 0 : index
    %get3A_10 = vector.load %arg4[%get3A_8, %get3A_9] : memref<1000x144xf32, #tpu.memory_space<vmem>>, vector<1000x144xf32>
    %get3A_11 = arith.constant 0 : index
    %get3A_12 = arith.constant 0 : index
    %get3A_13 = vector.load %arg5[%get3A_11, %get3A_12] : memref<576x144xf32, #tpu.memory_space<vmem>>, vector<576x144xf32>
    %get3A_14 = arith.constant 0 : index
    %get3A_15 = arith.constant 0 : index
    %get3A_16 = vector.load %arg6[%get3A_14, %get3A_15] : memref<576x144xf32, #tpu.memory_space<vmem>>, vector<576x144xf32>
    %get3A_17 = arith.constant 0 : index
    %get3A_18 = arith.constant 0 : index
    %get3A_19 = vector.load %arg7[%get3A_17, %get3A_18] : memref<144x1296xf32, #tpu.memory_space<vmem>>, vector<144x1296xf32>
    %get3A_20 = arith.constant 0 : index
    %get3A_21 = arith.constant 0 : index
    %get3A_22 = vector.load %arg8[%get3A_20, %get3A_21] : memref<144x1296xf32, #tpu.memory_space<vmem>>, vector<144x1296xf32>
    %get3A_23 = arith.constant 0 : index
    %get3A_24 = arith.constant 0 : index
    %get3A_25 = vector.load %arg9[%get3A_23, %get3A_24] : memref<1296x144xf32, #tpu.memory_space<vmem>>, vector<1296x144xf32>
    %get3A_26 = arith.constant 0 : index
    %get3A_27 = arith.constant 0 : index
    %get3A_28 = vector.load %arg10[%get3A_26, %get3A_27] : memref<1296x144xf32, #tpu.memory_space<vmem>>, vector<1296x144xf32>
    %get3A_29 = arith.constant 0 : index
    %get3A_30 = arith.constant 0 : index
    %get3A_31 = vector.load %arg11[%get3A_29, %get3A_30] : memref<224x128xf32, #tpu.memory_space<vmem>>, vector<224x128xf32>
    %get3A_32 = arith.constant 0 : index
    %get3A_33 = arith.constant 0 : index
    %get3A_34 = vector.load %arg12[%get3A_32, %get3A_33] : memref<1x128xf32, #tpu.memory_space<vmem>>, vector<1x128xf32>
    %get3A_35 = arith.constant 0 : index
    %get3A_36 = arith.constant 0 : index
    %get3A_37 = vector.load %arg13[%get3A_35, %get3A_36] : memref<128x128xf32, #tpu.memory_space<vmem>>, vector<128x128xf32>
    %get3A_38 = arith.constant 0 : index
    %get3A_39 = arith.constant 0 : index
    %get3A_40 = vector.load %arg14[%get3A_38, %get3A_39] : memref<1x128xf32, #tpu.memory_space<vmem>>, vector<1x128xf32>
    %convert_element_type3A = arith.truncf %add3A : vector<1000x576xf32> to vector<1000x576xbf16>
    %convert_element_type3A_41 = arith.truncf %get3A_13 : vector<576x144xf32> to vector<576x144xbf16>
    %dot_general3A = arith.constant dense<0.000000e+00> : vector<1000x144xf32>
    %dot_general3A_42 = tpu.matmul %convert_element_type3A, %convert_element_type3A_41, %dot_general3A {dimension_numbers = #tpu.dot_dimension_numbers<[1], [0], [0], [1], [0, 0, 1, 1], [], []>, transpose_lhs_hint = false} : vector<1000x576xbf16>, vector<576x144xbf16>, vector<1000x144xf32> -> vector<1000x144xf32>
    %convert_element_type3A_43 = arith.truncf %get3A_10 : vector<1000x144xf32> to vector<1000x144xbf16>
    %convert_element_type3A_44 = arith.truncf %get3A_19 : vector<144x1296xf32> to vector<144x1296xbf16>
    %dot_general3A_45 = arith.constant dense<0.000000e+00> : vector<1000x1296xf32>
    %dot_general3A_46 = tpu.matmul %convert_element_type3A_43, %convert_element_type3A_44, %dot_general3A_45 {dimension_numbers = #tpu.dot_dimension_numbers<[1], [0], [0], [1], [0, 0, 1, 1], [], []>, transpose_lhs_hint = false} : vector<1000x144xbf16>, vector<144x1296xbf16>, vector<1000x1296xf32> -> vector<1000x1296xf32>
    %convert_element_type3A_47 = arith.truncf %dot_general3A_42 : vector<1000x144xf32> to vector<1000x144xbf16>
    %convert_element_type3A_48 = arith.truncf %get3A_22 : vector<144x1296xf32> to vector<144x1296xbf16>
    %dot_general3A_49 = arith.constant dense<0.000000e+00> : vector<1000x1296xf32>
    %dot_general3A_50 = tpu.matmul %convert_element_type3A_47, %convert_element_type3A_48, %dot_general3A_49 {dimension_numbers = #tpu.dot_dimension_numbers<[1], [0], [0], [1], [0, 0, 1, 1], [], []>, transpose_lhs_hint = false} : vector<1000x144xbf16>, vector<144x1296xbf16>, vector<1000x1296xf32> -> vector<1000x1296xf32>
    %mul3A = arith.mulf %dot_general3A_46, %dot_general3A_50 : vector<1000x1296xf32>
    %convert_element_type3A_51 = arith.truncf %mul3A : vector<1000x1296xf32> to vector<1000x1296xbf16>
    %convert_element_type3A_52 = arith.truncf %get3A_25 : vector<1296x144xf32> to vector<1296x144xbf16>
    %dot_general3A_53 = arith.constant dense<0.000000e+00> : vector<1000x144xf32>
    %dot_general3A_54 = tpu.matmul %convert_element_type3A_51, %convert_element_type3A_52, %dot_general3A_53 {dimension_numbers = #tpu.dot_dimension_numbers<[1], [0], [0], [1], [0, 0, 1, 1], [], []>, transpose_lhs_hint = false} : vector<1000x1296xbf16>, vector<1296x144xbf16>, vector<1000x144xf32> -> vector<1000x144xf32>
    %add3A_55 = arith.addf %get3A_10, %dot_general3A_54 : vector<1000x144xf32>
    %convert_element_type3A_56 = arith.truncf %add3A : vector<1000x576xf32> to vector<1000x576xbf16>
    %convert_element_type3A_57 = arith.truncf %get3A_16 : vector<576x144xf32> to vector<576x144xbf16>
    %dot_general3A_58 = arith.constant dense<0.000000e+00> : vector<1000x144xf32>
    %dot_general3A_59 = tpu.matmul %convert_element_type3A_56, %convert_element_type3A_57, %dot_general3A_58 {dimension_numbers = #tpu.dot_dimension_numbers<[1], [0], [0], [1], [0, 0, 1, 1], [], []>, transpose_lhs_hint = false} : vector<1000x576xbf16>, vector<576x144xbf16>, vector<1000x144xf32> -> vector<1000x144xf32>
    %convert_element_type3A_60 = arith.truncf %add3A_55 : vector<1000x144xf32> to vector<1000x144xbf16>
    %convert_element_type3A_61 = arith.truncf %get3A_19 : vector<144x1296xf32> to vector<144x1296xbf16>
    %dot_general3A_62 = arith.constant dense<0.000000e+00> : vector<1000x1296xf32>
    %dot_general3A_63 = tpu.matmul %convert_element_type3A_60, %convert_element_type3A_61, %dot_general3A_62 {dimension_numbers = #tpu.dot_dimension_numbers<[1], [0], [0], [1], [0, 0, 1, 1], [], []>, transpose_lhs_hint = false} : vector<1000x144xbf16>, vector<144x1296xbf16>, vector<1000x1296xf32> -> vector<1000x1296xf32>
    %convert_element_type3A_64 = arith.truncf %dot_general3A_59 : vector<1000x144xf32> to vector<1000x144xbf16>
    %convert_element_type3A_65 = arith.truncf %get3A_22 : vector<144x1296xf32> to vector<144x1296xbf16>
    %dot_general3A_66 = arith.constant dense<0.000000e+00> : vector<1000x1296xf32>
    %dot_general3A_67 = tpu.matmul %convert_element_type3A_64, %convert_element_type3A_65, %dot_general3A_66 {dimension_numbers = #tpu.dot_dimension_numbers<[1], [0], [0], [1], [0, 0, 1, 1], [], []>, transpose_lhs_hint = false} : vector<1000x144xbf16>, vector<144x1296xbf16>, vector<1000x1296xf32> -> vector<1000x1296xf32>
    %mul3A_68 = arith.mulf %dot_general3A_63, %dot_general3A_67 : vector<1000x1296xf32>
    %convert_element_type3A_69 = arith.truncf %mul3A_68 : vector<1000x1296xf32> to vector<1000x1296xbf16>
    %convert_element_type3A_70 = arith.truncf %get3A_28 : vector<1296x144xf32> to vector<1296x144xbf16>
    %dot_general3A_71 = arith.constant dense<0.000000e+00> : vector<1000x144xf32>
    %dot_general3A_72 = tpu.matmul %convert_element_type3A_69, %convert_element_type3A_70, %dot_general3A_71 {dimension_numbers = #tpu.dot_dimension_numbers<[1], [0], [0], [1], [0, 0, 1, 1], [], []>, transpose_lhs_hint = false} : vector<1000x1296xbf16>, vector<1296x144xbf16>, vector<1000x144xf32> -> vector<1000x144xf32>
    %add3A_73 = arith.addf %add3A_55, %dot_general3A_72 : vector<1000x144xf32>
    %slice3A = vector.extract_strided_slice %add3A {offsets = [0, 0], sizes = [1000, 64], strides = [1, 1]} : vector<1000x576xf32> to vector<1000x64xf32>
    %slice3A_74 = vector.extract_strided_slice %dot_general3A_54 {offsets = [0, 0], sizes = [1000, 16], strides = [1, 1]} : vector<1000x144xf32> to vector<1000x16xf32>
    %slice3A_75 = vector.extract_strided_slice %dot_general3A_72 {offsets = [0, 0], sizes = [1000, 16], strides = [1, 1]} : vector<1000x144xf32> to vector<1000x16xf32>
    %concatenate3A = tpu.concatenate %get3A_7, %slice3A, %slice3A_74, %slice3A_75 in 1 : vector<1000x128xf32>, vector<1000x64xf32>, vector<1000x16xf32>, vector<1000x16xf32> -> vector<1000x224xf32>
    %dot_general3A_76 = arith.constant dense<0.000000e+00> : vector<1000x128xf32>
    %dot_general3A_77 = tpu.matmul %concatenate3A, %get3A_31, %dot_general3A_76 {dimension_numbers = #tpu.dot_dimension_numbers<[1], [0], [0], [1], [0, 0, 1, 1], [], []>, transpose_lhs_hint = false} : vector<1000x224xf32>, vector<224x128xf32>, vector<1000x128xf32> -> vector<1000x128xf32>
    %add3A_78 = vector.broadcast %get3A_34 : vector<1x128xf32> to vector<1000x128xf32>
    %add3A_79 = arith.addf %dot_general3A_77, %add3A_78 : vector<1000x128xf32>
    %logistic3A = arith.negf %add3A_79 : vector<1000x128xf32>
    %logistic3A_80 = math.exp %logistic3A : vector<1000x128xf32>
    %logistic3A_81 = arith.constant 1.000000e+00 : f32
    %logistic3A_82 = vector.broadcast %logistic3A_81 : f32 to vector<1000x128xf32>
    %logistic3A_83 = arith.addf %logistic3A_82, %logistic3A_80 : vector<1000x128xf32>
    %logistic3A_84 = arith.divf %logistic3A_82, %logistic3A_83 : vector<1000x128xf32>
    %mul3A_85 = arith.mulf %add3A_79, %logistic3A_84 : vector<1000x128xf32>
    %dot_general3A_86 = arith.constant dense<0.000000e+00> : vector<1000x128xf32>
    %dot_general3A_87 = tpu.matmul %mul3A_85, %get3A_37, %dot_general3A_86 {dimension_numbers = #tpu.dot_dimension_numbers<[1], [0], [0], [1], [0, 0, 1, 1], [], []>, transpose_lhs_hint = false} : vector<1000x128xf32>, vector<128x128xf32>, vector<1000x128xf32> -> vector<1000x128xf32>
    %add3A_88 = arith.addf %get3A_7, %dot_general3A_87 : vector<1000x128xf32>
    %add3A_89 = vector.broadcast %get3A_40 : vector<1x128xf32> to vector<1000x128xf32>
    %add3A_90 = arith.addf %add3A_88, %add3A_89 : vector<1000x128xf32>
    %swap3A = arith.constant 0 : index
    %swap3A_91 = arith.constant 0 : index
    %swap3A_92 = vector.load %arg15[%swap3A, %swap3A_91] : memref<1000x128xf32, #tpu.memory_space<vmem>>, vector<1000x128xf32>
    tpu.vector_store %arg15[%swap3A, %swap3A_91], %add3A_90 {strides = array<i32>} : memref<1000x128xf32, #tpu.memory_space<vmem>>, vector<1000x128xf32>,
    %swap3A_93 = arith.constant 0 : index
    %swap3A_94 = arith.constant 0 : index
    %swap3A_95 = vector.load %arg16[%swap3A_93, %swap3A_94] : memref<1000x144xf32, #tpu.memory_space<vmem>>, vector<1000x144xf32>
    tpu.vector_store %arg16[%swap3A_93, %swap3A_94], %add3A_73 {strides = array<i32>} : memref<1000x144xf32, #tpu.memory_space<vmem>>, vector<1000x144xf32>,
    return
  }
  func.func @transform_0(%arg0: i32) -> (i32, i32) {
    %c0_i32 = arith.constant 0 : i32
    %c0_i32_0 = arith.constant 0 : i32
    return %arg0, %c0_i32 : i32, i32
  }
  func.func @transform_1(%arg0: i32) -> (i32, i32) {
    %c0_i32 = arith.constant 0 : i32
    %c0_i32_0 = arith.constant 0 : i32
    return %arg0, %c0_i32 : i32, i32
  }
  func.func @transform_2(%arg0: i32) -> (i32, i32) {
    %c0_i32 = arith.constant 0 : i32
    %c0_i32_0 = arith.constant 0 : i32
    return %arg0, %c0_i32 : i32, i32
  }
  func.func @transform_3(%arg0: i32) -> (i32, i32) {
    %c0_i32 = arith.constant 0 : i32
    %c0_i32_0 = arith.constant 0 : i32
    return %arg0, %c0_i32 : i32, i32
  }
  func.func @transform_4(%arg0: i32) -> (i32, i32) {
    %c0_i32 = arith.constant 0 : i32
    %c0_i32_0 = arith.constant 0 : i32
    %c0_i32_1 = arith.constant 0 : i32
    return %c0_i32, %c0_i32_0 : i32, i32
  }
  func.func @transform_5(%arg0: i32) -> (i32, i32) {
    %c0_i32 = arith.constant 0 : i32
    %c0_i32_0 = arith.constant 0 : i32
    %c0_i32_1 = arith.constant 0 : i32
    return %c0_i32, %c0_i32_0 : i32, i32
  }
  func.func @transform_6(%arg0: i32) -> (i32, i32) {
    %c0_i32 = arith.constant 0 : i32
    %c0_i32_0 = arith.constant 0 : i32
    %c0_i32_1 = arith.constant 0 : i32
    return %c0_i32, %c0_i32_0 : i32, i32
  }
  func.func @transform_7(%arg0: i32) -> (i32, i32) {
    %c0_i32 = arith.constant 0 : i32
    %c0_i32_0 = arith.constant 0 : i32
    %c0_i32_1 = arith.constant 0 : i32
    return %c0_i32, %c0_i32_0 : i32, i32
  }
  func.func @transform_8(%arg0: i32) -> (i32, i32) {
    %c0_i32 = arith.constant 0 : i32
    %c0_i32_0 = arith.constant 0 : i32
    %c0_i32_1 = arith.constant 0 : i32
    return %c0_i32, %c0_i32_0 : i32, i32
  }
  func.func @transform_9(%arg0: i32) -> (i32, i32) {
    %c0_i32 = arith.constant 0 : i32
    %c0_i32_0 = arith.constant 0 : i32
    %c0_i32_1 = arith.constant 0 : i32
    return %c0_i32, %c0_i32_0 : i32, i32
  }
  func.func @transform_10(%arg0: i32) -> (i32, i32) {
    %c0_i32 = arith.constant 0 : i32
    %c0_i32_0 = arith.constant 0 : i32
    %c0_i32_1 = arith.constant 0 : i32
    return %c0_i32, %c0_i32_0 : i32, i32
  }
  func.func @transform_11(%arg0: i32) -> (i32, i32) {
    %c0_i32 = arith.constant 0 : i32
    %c0_i32_0 = arith.constant 0 : i32
    %c0_i32_1 = arith.constant 0 : i32
    return %c0_i32, %c0_i32_0 : i32, i32
  }
  func.func @transform_12(%arg0: i32) -> (i32, i32) {
    %c0_i32 = arith.constant 0 : i32
    %c0_i32_0 = arith.constant 0 : i32
    %c0_i32_1 = arith.constant 0 : i32
    return %c0_i32, %c0_i32_0 : i32, i32
  }
  func.func @transform_13(%arg0: i32) -> (i32, i32) {
    %c0_i32 = arith.constant 0 : i32
    %c0_i32_0 = arith.constant 0 : i32
    %c0_i32_1 = arith.constant 0 : i32
    return %c0_i32, %c0_i32_0 : i32, i32
  }
  func.func @transform_14(%arg0: i32) -> (i32, i32) {
    %c0_i32 = arith.constant 0 : i32
    %c0_i32_0 = arith.constant 0 : i32
    return %arg0, %c0_i32 : i32, i32
  }
  func.func @transform_15(%arg0: i32) -> (i32, i32) {
    %c0_i32 = arith.constant 0 : i32
    %c0_i32_0 = arith.constant 0 : i32
    return %arg0, %c0_i32 : i32, i32
  }
}

</mosaic_0001>

<sc_bundles>
// kernel: kernel.10.cloned.1.call-start
scs
__scs_entry_jumppad:
0x0: {  	(pc) =	sbr.rel $0x88, $3  }
0x1: {  	(tag) =	ssettag $0x0;
	lr =	simm.s32 $0x1  }
0x2: {  	[smem:$0x3F85] =	sst lr;
	_ =	strace $0xD0000000  }
0x3: {  	_ = 	snop  }
0x4: {  	_ = 	snop  }
0x5: {  	_ = 	snop  }
0x6: {  	_ = 	snop  }
0x7: {  	_ = 	snop  }
__scs_overlays_trampoline_lowered:
0x8: {  	[smem:$0x3F94] =	sst s0  }
0x9: {  	[smem:$0x3F95] =	sst s1  }
0xa: {  	[smem:$0x3F96] =	sst s2  }
0xb: {  	[smem:$0x3F97] =	sst s3  }
0xc: {  	[smem:$0x3F98] =	sst s4  }
0xd: {  	[smem:$0x3F99] =	sst s5  }
0xe: {  	[smem:$0x3F9A] =	sst s6  }
0xf: {  	[smem:$0x3F9B] =	sst s7  }
0x10: {  	[smem:$0x3F9C] =	sst s8  }
0x11: {  	[smem:$0x3F9D] =	sst s9;
	s0 =	simm.s32 @!p0 $0x0  }
0x12: {  	s1 =	sld [smem:$0x3F83];
	s0 =	simm.s32 @p0 $0x1  }
0x13: {  	[smem:$0x3F9E] =	sst s0;
	s0 =	simm.s32 @!p1 $0x0  }
0x14: {  	s2 =	sld [smem:$0x3F82];
	s0 =	simm.s32 @p1 $0x1  }
0x15: {  	[smem:$0x3F9F] =	sst s0;
	s0 =	simm.s32 @!p2 $0x0  }
0x16: {  	s3 =	sld [smem:$0x3FDB];
	s0 =	simm.s32 @p2 $0x1  }
0x17: {  	s4 =	simm.s32 $0x1BF5;
	[smem:$0x3FA1] =	sst s0  }
0x18: {  	s0 =	sld [smem:$0x3F84];
	_ =	swait.ge [sflag:s4], $0x0  }
0x19: {  	s7 =	sld [smem:$0x3F85]  }
0x1a: {  	s8 =	sadd.s32 $0xFFFFE003, lr  }
0x1b: {  	s9 =	sadd.s32 $0xFFFFFEF7, lr;
	s5 =	simm.s32 $0xFFFFFFFF;
	p2 =	slt.u32 s8, $0xFFFFF086  }
0x1c: {  	p1 =	slt.u32 s9, $0xF7A;
	s5 =	simm.s32 @!p2 $0x0  }
0x1d: {  	s5 =	simm.s32 @p1 $0x1;
	p0 =	seq.s32 s7, s2  }
0x1e: {  	s7 =	smul.u32 @!p0 $0xF7A, s2;
	p2 =	seq.s32 @!p0 s5, $0x0  }
0x1f: {  	s9 =	smul.u32 $0xF7A, s1;
	s8 =	simm.s32 @!p0 $0x1BF5;
	p2 =	por !p2, p0  }
0x20: {  	[sflag:s8] =	ssyncset.s32 @!p0 $0xFFFFF086;
	s6 =	sadd.s32 @!p0 s3, s7;
	s7 =	simm.s32 @!p0 $0x108  }
0x21: {  	s3 =	sadd.s32 s3, s9;
	s6 =	sadd.s32 @!p0 $0x88, s6;
	s7 =	simm.s32 @p2 $0x1082  }
0x22: {  	[simem:s7], [sflag:s8] =	dma.local @!p0 [hbm:s6], $0xF7A  }
0x23: {  	s9 =	sor.u32 $0xD0000000, s2;
	s6 =	simm.s32 $0x108;
	_ =	swait.ge @!p0 [sflag:s8], $0x0  }
0x24: {  	s3 =	sadd.s32 $0x88, s3;
	s6 =	simm.s32 @!p1 $0x1082;
	[sflag:s4] =	ssyncset.s32 $0xFFFFF086  }
0x25: {  	[simem:s6], [sflag:s4] =	dma.local [hbm:s3], $0xF7A  }
0x26: {  	[smem:$0x3F85] =	sst s1;
	(tag) =	ssettag s2;
	_ =	strace s9  }
0x27: {  	s1 =	sld [smem:$0x3F95]  }
0x28: {  	s2 =	sld [smem:$0x3F96]  }
0x29: {  	s4 =	sld [smem:$0x3F98]  }
0x2a: {  	p0 =	seq.s32 s5, $0x0;
	s5 =	sld [smem:$0x3F99]  }
0x2b: {  	s6 =	sld [smem:$0x3F9A]  }
0x2c: {  	s7 =	sld [smem:$0x3F9B]  }
0x2d: {  	s3 =	simm.s32 $0x108;
	s8 =	sld [smem:$0x3F9C]  }
0x2e: {  	s3 =	simm.s32 @!p0 $0x1082;
	s9 =	sld [smem:$0x3F9D]  }
0x2f: {  	lr =	sadd.s32 s0, s3;
	s0 =	sld [smem:$0x3F94]  }
0x30: {  	s3 =	sld [smem:$0x3F97]  }
0x31: {  	[smem:$0x3FA0] =	sst s10  }
0x32: {  	s10 =	sld [smem:$0x3F9E];
	_ =	sdelay $0x3  }
0x33: {  	p0 =	seq.s32 s10, $0x1;
	s10 =	sld [smem:$0x3FA0];
	_ =	sdelay $0x3  }
0x34: {  	[smem:$0x3FA0] =	sst s10  }
0x35: {  	s10 =	sld [smem:$0x3F9F];
	_ =	sdelay $0x3  }
0x36: {  	p1 =	seq.s32 s10, $0x1;
	s10 =	sld [smem:$0x3FA0];
	_ =	sdelay $0x3  }
0x37: {  	[smem:$0x3FA0] =	sst s10  }
0x38: {  	s10 =	sld [smem:$0x3FA1]  }
0x39: {  	_ = 	snop;
	(pc) =	sbr.ind lr, $3  }
0x3a: {  	_ = 	snop  }
0x3b: {  	_ = 	snop  }
0x3c: {  	p2 =	seq.s32 s10, $0x1;
	s10 =	sld [smem:$0x3FA0]  }
0x3d: {  	_ =	shalt  }
0x3e: {  	_ =	shalt  }
0x3f: {  	_ =	shalt  }
0x40: {  	_ =	shalt  }
0x41: {  	_ =	shalt  }
0x42: {  	_ =	shalt  }
0x43: {  	_ =	shalt  }
0x44: {  	_ =	shalt  }
0x45: {  	_ =	shalt  }
0x46: {  	_ =	shalt  }
0x47: {  	_ =	shalt  }
0x48: {  	_ =	shalt  }
0x49: {  	_ =	shalt  }
0x4a: {  	_ =	shalt  }
0x4b: {  	_ =	shalt  }
0x4c: {  	_ =	shalt  }
0x4d: {  	_ =	shalt  }
0x4e: {  	_ =	shalt  }
0x4f: {  	_ =	shalt  }
0x50: {  	_ =	shalt  }
0x51: {  	_ =	shalt  }
0x52: {  	_ =	shalt  }
0x53: {  	_ =	shalt  }
0x54: {  	_ =	shalt  }
0x55: {  	_ =	shalt  }
0x56: {  	_ =	shalt  }
0x57: {  	_ =	shalt  }
0x58: {  	_ =	shalt  }
0x59: {  	_ =	shalt  }
0x5a: {  	_ =	shalt  }
0x5b: {  	_ =	shalt  }
0x5c: {  	_ =	shalt  }
0x5d: {  	_ =	shalt  }
0x5e: {  	_ =	shalt  }
0x5f: {  	_ =	shalt  }
0x60: {  	_ =	shalt  }
0x61: {  	_ =	shalt  }
0x62: {  	_ =	shalt  }
0x63: {  	_ =	shalt  }
0x64: {  	_ =	shalt  }
0x65: {  	_ =	shalt  }
0x66: {  	_ =	shalt  }
0x67: {  	_ =	shalt  }
0x68: {  	_ =	shalt  }
0x69: {  	_ =	shalt  }
0x6a: {  	_ =	shalt  }
0x6b: {  	_ =	shalt  }
0x6c: {  	_ =	shalt  }
0x6d: {  	_ =	shalt  }
0x6e: {  	_ =	shalt  }
0x6f: {  	_ =	shalt  }
0x70: {  	_ =	shalt  }
0x71: {  	_ =	shalt  }
0x72: {  	_ =	shalt  }
0x73: {  	_ =	shalt  }
0x74: {  	_ =	shalt  }
0x75: {  	_ =	shalt  }
0x76: {  	_ =	shalt  }
0x77: {  	_ =	shalt  }
0x78: {  	_ =	shalt  }
0x79: {  	_ =	shalt  }
0x7a: {  	_ =	shalt  }
0x7b: {  	_ =	shalt  }
0x7c: {  	_ =	shalt  }
0x7d: {  	_ =	shalt  }
0x7e: {  	_ =	shalt  }
0x7f: {  	_ =	shalt  }
0x80: {  	_ =	shalt  }
0x81: {  	_ =	shalt  }
0x82: {  	_ =	shalt  }
0x83: {  	_ =	shalt  }
0x84: {  	_ =	shalt  }
0x85: {  	_ =	shalt  }
0x86: {  	_ =	shalt  }
0x87: {  	_ =	shalt  }
.Lfunc_end0:
.L_simem_size_0:
called_computation_lowered:
.L_overlay_start_0:
0x88: {  	s2 =	sld [smem:$0x3FD9]  }
0x89: {  	s3 =	sld [smem:$0x3FFE];
	_ =	sdelay $0x1  }
0x8a: {  	s1 =	srdreg.scid  }
0x8b: {  	s0 =	sand.u32 $0x1, s1  }
0x8c: {  	s16 =	sshll.u32 s0, $0xA;
	s2 =	sadd.s32 s3, s2  }
0x8d: {  	s2 =	sadd.s32 s2, s16  }
0x8e: {  	[smem:$0x3FAC] =	sst s2  }
0x8f: {  	_ = 	snop  }
0x90: {  	(tm) =	ssettm $0x1  }
0x91: {  	s17 =	sld [smem:$0x3FFB];
	_ =	sdelay $0x3  }
0x92: {  	_ =	strace s17  }
0x93: {  	s2 =	sld [smem:$0x3FFC];
	_ =	sdelay $0x3  }
0x94: {  	_ =	strace s2  }
0x95: {  	s2 =	sld [smem:$0x3FFD];
	_ =	sdelay $0x3  }
0x96: {  	_ =	strace s2  }
0x97: {  	_ =	strace $0x8FFFFFFF  }
0x98: {  	s18 =	sld [smem:$0x3FDB];
	_ =	sdelay $0x1  }
0x99: {  	s19 =	simm.s32 $_scs_section_size  }
0x9a: {  	s4 =	simm.s32 $_size__tile_overlayer_lowered;
	s5 =	simm.s32 $_tile_overlayer_lowered  }
0x9b: {  	s22 =	simm.s32 $0x1BFF;
	s21 =	sshll.u32 s5, $0x1;
	s2 =	sadd.s32 s19, s18  }
0x9c: {  	s6 =	simm.s32 $0x0;
	s20 =	sshll.u32 s4, $0x1;
	s4 =	sadd.s32 s21, s2  }
0x9d: {  	[timem:s6], [sflag:s22] =	dma.local [hbm:s4], s20  }
0x9e: {  	_ =	swait.ge [sflag:s22], s20  }
0x9f: {  	s3 =	ssub.s32 $0x0, s20;
	[sflag:s22] =	ssyncset.done $0x0  }
0xa0: {  	[sflag:s22] =	ssyncadd.s32 s3;
	_ =	sdelay $0x1  }
0xa1: {  	s23 =	simm.s32 $0x1B8B  }
0xa2: {  	_ =	swait.ge [sflag:s23], $0x1  }
0xa3: {  	[sflag:s23] =	ssyncset.done $0x0  }
0xa4: {  	s25 =	simm.s32 $0x1B8E;
	s24 =	sld [smem:$0x3FFE];
	[sflag:s23] =	ssyncadd.s32 $0xFFFFFFFF  }
0xa5: {  	s26 =	simm.s32 $execute0_lowered;
	[smem:$0x3FD2] =	sst s25  }
0xa6: {  	s4 =	sshll.u32 s26, $0x1;
	_ =	strace $0x80000046;
	[dreg:$0x1] =	wrdreg $0xFFFFFFFF  }
0xa7: {  	s28 =	simm.s32 $_size_execute0_lowered;
	s2 =	sadd.s32 s2, s4;
	[dreg:$0x0] =	wrdreg $0x0  }
0xa8: {  	s4 =	sshll.u32 s28, $0x1;
	[dreg:$0x2] =	wrdreg s2  }
0xa9: {  	[dreg:$0x3] =	wrdreg s4  }
0xaa: {  	[dreg:$0x4] =	wrdreg $0xC0  }
0xab: {  	_ =	task [dreg:s6], $0x5FFFF  }
0xac: {  	[dreg:$0x1] =	wrdreg $0xFFFFFFFF  }
0xad: {  	[dreg:$0x0] =	wrdreg $0x60  }
0xae: {  	[dreg:$0x2] =	wrdreg s24  }
0xaf: {  	[dreg:$0x3] =	wrdreg $0x9  }
0xb0: {  	_ =	task.clear_ibuf [dreg:s6], $0x4FFFF;
	_ =	strace $0x90000046  }
0xb1: {  	s29 =	simm.s32 $0x9;
	_ =	strace $0x8000004F  }
0xb2: {  	_ =	swait.ge [sflag:s29], $0x1  }
0xb3: {  	[sflag:s29] =	ssyncadd.s32 $0xFFFFFFFF  }
0xb4: {  	_ =	strace $0x9000004F  }
0xb5: {  	_ =	sfence  }
0xb6: {  	s30 =	sld [smem:$0x0];
	_ =	sdelay $0x2  }
0xb7: {  	s31 =	sshll.u32 s1, $0xD;
	s1 =	sshrl.u32 s1, $0x2  }
0xb8: {  	s3 =	sand.u32 $0x4000, s31;
	s1 =	sadd.s32 s1, s30  }
0xb9: {  	s0 =	sor.u32 s3, s0;
	s1 =	sshll.u32 s1, $0x11  }
0xba: {  	s0 =	sor.u32 s1, s0  }
0xbb: {  	s0 =	sadd.s32 $0x8F2B, s0  }
0xbc: {  	[sflag:s0] =	ssyncadd.remote.s32 $0x1  }
0xbd: {  	_ =	sfence.sel $0xFFFF  }
0xbe: {  	[dreg:$0x0] =	wrdreg $0xFFFFFFFF;
	(pc) =	sbr.abs _section_cstart, $3  }
0xbf: {  	[dreg:$0x1] =	wrdreg $0xFFFFFFFF  }
0xc0: {  	_ =	task.clear_ibuf [dreg:s6], $0x2FFFF;
	_ =	strace $0x9FFFFFFF  }
0xc1: {  	(tm) =	ssettm $0x7FFFFFFF  }
tec
execute0_lowered:
.L_overlay_start_1:
0x0: {  	(tag) =	ssettag $0x1  }
0x1: {  	s4 =	rddreg [dreg:$0x0];
	s1 =	srdreg.scid  }
0x2: {  	s0 =	rddreg [dreg:$0x1];
	s2 =	simm.s32 $0x0;
	s9 =	simm.s32 $0x1  }
0x3: {  	s10 =	simm.s32 $0x80;
	s11 =	simm.s32 $0x0;
	s5 =	sand.u32 $0x1, s1  }
0x4: {  	s1 =	stileid.u32;
	[smem:$0x7FF] =	sst s2;
	s3 =	sshll.u32 s5, $0x4  }
0x5: {  	s6 =	sadd.s32 $0x9800, s4;
	s8 =	sadd.s32 $0x30A00, s4;
	s3 =	sor.u32 s1, s3  }
0x6: {  	_ =	strace $0x80000047;
	[dreg:$0x2] =	wrdreg s6;
	s7 =	smul.u32 $0x27, s3  }
0x7: {  	s4 =	sadd.s32 $0x4400, s4;
	[dreg:$0x4] =	wrdreg s8;
	s6 =	smul.u32 $0x28, s3  }
0x8: {  	s29 =	ssub.s32 $0x2, s5;
	p0 =	slt.u32 s3, $0x2;
	s3 =	sadd.s32 $0x2, s7  }
0x9: {  	s5 =	simm.s32 $0x28;
	[dreg:$0x3] =	wrdreg s10;
	s3 =	smov.u32 @p0 s6  }
0xa: {  	s10 =	simm.s32 $0x5;
	s31 =	sshrl.u32 s29, $0x1;
	s30 =	sshll.u32 s3, $0x4  }
0xb: {  	s8 =	ssub.s32 s29, s31;
	s5 =	simm.s32 @!p0 $0x27;
	s7 =	sand.u32 $0x1FFFFFF0, s30  }
0xc: {  	s8 =	smax.u32 s8, $0x1;
	s6 =	sadd.s32 s4, s7;
	s7 =	sadd.s32 $0xFFFFFFFF, s5  }
.LBB2_1:
0xd: {  	_ =	strace $0x80000048;
	p2 =	sne.s32 s5, $0x1  }
.Ltmp0:
0xe: {  	p0 =	seq.s32 s5, $0x1;
	s13 =	simm.s32 $0x1;
	(pc) =	sbr.rel @!p2 .LBB2_2-.Ltmp0, $4  }
0xf: {  	[tilespmem:s2], [sflag:$0x1] =	stream.linear.gather [hbm4b:s6+s2], $0x80, $0x200038;
	[tilespmem:$0x8100] =	vst v63  }
0x10: {  	s12 =	simm.s32 $0x1;
	p1 =	por $0x1, $0x1;
	s13 =	simm.s32 @p0 $0x0  }
0x11: {  	p6 =	sgt.u32 s7, $0x0;
	p4 =	por p1, p1;
	p3 =	sne.s32 s13, $0x0  }
0x12: {  	_ =	strace $0x90000048;
	p5 =	por !p6, !p3;
	p6 =	por $0x0, $0x0  }
0x13: {  	p2 =	por !p5, !p5  }
0x14: {  	s21 =	sand.u32 $0x1, s2;
	s19 =	simm.s32 $0x2;
	s14 =	sadd.s32 @p2 s3, s13  }
0x15: {  	p1 =	por p3, p3;
	s15 =	sand.u32 @p2 $0x1, s9;
	s14 =	sshll.u32 @p2 s14, $0x4  }
0x16: {  	_ =	strace @p2 $0x80000049;
	s17 =	simm.s32 @p2 $0x0;
	s14 =	sand.u32 @p2 $0x1FFFFFF0, s14  }
0x17: {  	s16 =	sshll.u32 @p2 s15, $0x7;
	s15 =	sadd.s32 @p2 $0x1, s15;
	s14 =	sadd.s32 @p2 s4, s14  }
0x18: {  	[tilespmem:s16], [sflag:s15] =	stream.linear.gather @p2 [hbm4b:s14+s17], $0x80, $0x200038;
	[tilespmem:$0x8100] =	vst v63  }
0x19: {  	s30 =	simm.s32 $0x0;
	p6 =	por $0x0, $0x0;
	_ =	strace @p2 $0x90000049  }
0x1a: {  	p0 =	sne.s32 s5, $0x2;
	s29 =	sadd.s32 $0x1, s21;
	_ =	strace $0x8000004A  }
0x1b: {  	s24 =	sadd.s32 $0x0, s3;
	p5 =	sgt.u32 s7, $0x1;
	_ =	swait.ge [sflag:s29], $0x80  }
0x1c: {  	s23 =	simm.s32 $0x1;
	s22 =	sshll.u32 s21, $0xE;
	[sflag:s29] =	ssyncset.done $0x0  }
0x1d: {  	s22 =	sor.u32 $0x100, s22;
	s16 =	sand.u32 @!p4 $0x1, s2;
	[sflag:s29] =	ssyncadd.s32 $0xFFFFFF80  }
0x1e: {  	s15 =	simm.s32 $0x1;
	s17 =	sadd.s32 $0x1, s13;
	_ =	strace $0x9000004A  }
0x1f: {  	s14 =	sand.u32 $0x80, s30;
	s15 =	simm.s32 @!p2 $0x0;
	_ =	strace $0x8000004B  }
0x20: {  	p2 =	por p4, p4;
	p4 =	por p6, p6;
	s20 =	rddreg [dreg:$0x3]  }
0x21: {  	p3 =	seq.s32 s17, s5;
	p6 =	seq.s32 s7, $0x0;
	s31 =	rddreg [dreg:$0x2]  }
0x22: {  	[tilespmem:s22], [sflag:$0x5] =	stream.indirect.gather [hbm4b:s31+s20], $0x80, s14, s20, $0x2000b8;
	[tilespmem:$0x8100] =	vst v63  }
.Ltmp1:
0x23: {  	s18 =	sadd.s32 $0x1, s15;
	s17 =	simm.s32 @p3 $0x0;
	(pc) =	sbr.rel @!p0 .LBB2_4-.Ltmp1, $4  }
0x24: {  	p1 =	por p6, p1;
	p6 =	por $0x0, $0x0;
	_ =	swait.ge [sflag:s10], $0x4000  }
0x25: {  	s15 =	simm.s32 $0x0;
	p3 =	sne.s32 s13, s17;
	[sflag:s10] =	ssyncset.done $0x0  }
0x26: {  	s23 =	simm.s32 @!p6 $0x0;
	p5 =	por !p5, !p3;
	[sflag:s10] =	ssyncadd.s32 $0xFFFFC000  }
0x27: {  	s14 =	simm.s32 $0x0;
	s20 =	simm.s32 $0x0;
	_ =	strace $0x9000004B  }
.LBB2_5:
0x28: {  	_ =	strace @p1 $0x8000004C;
	s14 =	sadd.s32 s23, s14;
	s23 =	smov.u32 s12  }
0x29: {  	s12 =	smov.u32 s19;
	s19 =	sadd.s32 $0x1, s19;
	p0 =	por p3, p3  }
0x2a: {  	s29 =	sshll.u32 @p1 s24, $0xB;
	s21 =	sadd.s32 @p1 $0x3, s21;
	s25 =	simm.s32 @!p0 $0x0  }
0x2b: {  	s26 =	rddreg [dreg:$0x4];
	s29 =	sand.u32 @p1 $0x1FFFF800, s29;
	s25 =	simm.s32 @p0 $0x1  }
0x2c: {  	s26 =	sadd.s32 @p1 s26, s29;
	s29 =	simm.s32 @p1 $0x0;
	p0 =	sne.s32 s5, s19  }
0x2d: {  	[hbm4b:s26+s29] =	stream.linear.scatter @p1 [tilespmem:s22], [sflag:s21], $0x4000, $0x200038;
	[tilespmem:$0x8100] =	vst v63  }
0x2e: {  	s21 =	sadd.s32 @!p2 $0x3, s16;
	s16 =	simm.s32 @!p0 $0x0  }
0x2f: {  	s28 =	simm.s32 $0x1;
	[smem:$0x7FC] =	sst s25;
	s16 =	simm.s32 @p0 $0x1  }
0x30: {  	s28 =	simm.s32 @!p1 $0x0;
	_ =	strace @p1 $0x9000004C;
	[smem:$0x7FD] =	sst s16  }
0x31: {  	s20 =	sadd.s32 s28, s20;
	s25 =	sand.u32 @!p4 $0x1, s14;
	_ =	strace @!p2 $0x8000004D  }
0x32: {  	p1 =	por !p5, !p5;
	s16 =	smov.u32 s25;
	_ =	swait.ge @!p2 [sflag:s21], $0x4000  }
0x33: {  	s22 =	sand.u32 @p1 $0x1, s18;
	s25 =	sadd.s32 @p1 s3, s17;
	[sflag:s21] =	ssyncset.done @!p2 $0x0  }
0x34: {  	s26 =	sshll.u32 @p1 s22, $0x7;
	s25 =	sshll.u32 @p1 s25, $0x4;
	[sflag:s21] =	ssyncadd.s32 @!p2 $0xFFFFC000  }
0x35: {  	s21 =	sadd.s32 @p1 $0x1, s22;
	s22 =	sand.u32 @p1 $0x1FFFFFF0, s25;
	_ =	strace @!p2 $0x9000004D  }
0x36: {  	s25 =	simm.s32 @p1 $0x0;
	s22 =	sadd.s32 @p1 s4, s22;
	_ =	strace @p1 $0x80000049  }
0x37: {  	[tilespmem:s26], [sflag:s21] =	stream.linear.gather @p1 [hbm4b:s22+s25], $0x80, $0x200038;
	[tilespmem:$0x8100] =	vst v63  }
0x38: {  	s15 =	sadd.s32 s28, s15;
	s28 =	sand.u32 $0x1, s20;
	_ =	strace @p1 $0x90000049  }
0x39: {  	s28 =	sadd.s32 $0x1, s28;
	_ =	strace $0x8000004A  }
0x3a: {  	_ =	swait.ge [sflag:s28], $0x80  }
0x3b: {  	[sflag:s28] =	ssyncset.done $0x0  }
0x3c: {  	s21 =	simm.s32 $0x1;
	[sflag:s28] =	ssyncadd.s32 $0xFFFFFF80  }
0x3d: {  	s21 =	simm.s32 @!p1 $0x0;
	_ =	strace $0x9000004A  }
0x3e: {  	s18 =	sadd.s32 s21, s18;
	s21 =	sand.u32 $0x1, s15;
	_ =	strace $0x8000004B  }
0x3f: {  	s31 =	sshll.u32 s20, $0x7;
	s29 =	sshll.u32 s21, $0xE;
	s25 =	rddreg [dreg:$0x3]  }
0x40: {  	s31 =	sand.u32 $0x80, s31;
	s22 =	sor.u32 $0x100, s29;
	s26 =	rddreg [dreg:$0x2]  }
0x41: {  	[tilespmem:s22], [sflag:$0x5] =	stream.indirect.gather [hbm4b:s26+s25], $0x80, s31, s25, $0x2000b8;
	[tilespmem:$0x8100] =	vst v63  }
0x42: {  	_ =	swait.ge [sflag:s10], $0x4000  }
0x43: {  	[sflag:s10] =	ssyncset.done $0x0  }
0x44: {  	[sflag:s10] =	ssyncadd.s32 $0xFFFFC000  }
0x45: {  	s30 =	sadd.s32 $0x1, s17;
	_ =	strace $0x9000004B  }
0x46: {  	s24 =	sadd.s32 s3, s13;
	s13 =	smov.u32 s17;
	s31 =	sld [smem:$0x7FD]  }
0x47: {  	p0 =	sne.s32 s23, $0x0;
	s17 =	smov.u32 s30;
	p1 =	seq.s32 s30, s5  }
0x48: {  	s17 =	simm.s32 @p1 $0x0;
	p1 =	seq.s32 s7, s23;
	s23 =	simm.s32 $0x1  }
0x49: {  	s23 =	simm.s32 @!p0 $0x0;
	p0 =	seq.s32 s31, $0x1  }
.Ltmp2:
0x4a: {  	s30 =	sld [smem:$0x7FC];
	(pc) =	sbr.rel @p0 .LBB2_5-.Ltmp2, $4  }
0x4b: {  	p3 =	seq.s32 s12, $0x0  }
0x4c: {  	p6 =	por p3, p3;
	p5 =	slt.u32 s12, s7  }
0x4d: {  	p2 =	por p4, p4;
	p3 =	sne.s32 s13, s17;
	p4 =	seq.s32 s30, $0x1  }
0x4e: {  	p5 =	por !p5, !p3;
	p1 =	por p1, p4;
	p4 =	por p6, p6  }
0x4f: {  	p6 =	por $0x1, $0x1  }
.LBB2_7:
0x50: {  	p0 =	por !p1, !p6  }
0x51: {  	s25 =	simm.s32 $0x1;
	_ =	strace @!p0 $0x8000004C;
	s24 =	sshll.u32 @!p0 s24, $0xB  }
0x52: {  	p2 =	por p2, !p6;
	s19 =	rddreg [dreg:$0x4];
	s24 =	sand.u32 @!p0 $0x1FFFF800, s24  }
0x53: {  	s21 =	sadd.s32 @!p0 $0x3, s21;
	s19 =	sadd.s32 @!p0 s19, s24;
	s24 =	simm.s32 @!p0 $0x0  }
0x54: {  	[hbm4b:s19+s24] =	stream.linear.scatter @!p0 [tilespmem:s22], [sflag:s21], $0x4000, $0x200038;
	[tilespmem:$0x8100] =	vst v63  }
0x55: {  	p1 =	por !p5, !p5;
	s25 =	simm.s32 @p0 $0x0;
	_ =	strace @!p0 $0x9000004C  }
0x56: {  	s16 =	sadd.s32 @!p2 $0x3, s16;
	s17 =	sadd.s32 @p1 s3, s17;
	_ =	strace @!p2 $0x8000004D  }
0x57: {  	s18 =	sand.u32 @p1 $0x1, s18;
	s17 =	sshll.u32 @p1 s17, $0x4;
	_ =	swait.ge @!p2 [sflag:s16], $0x4000  }
0x58: {  	s17 =	sand.u32 @p1 $0x1FFFFFF0, s17;
	s19 =	sadd.s32 @p6 s25, s20;
	[sflag:s16] =	ssyncset.done @!p2 $0x0  }
0x59: {  	s20 =	simm.s32 $0x0;
	s17 =	sadd.s32 @p1 s4, s17;
	[sflag:s16] =	ssyncadd.s32 @!p2 $0xFFFFC000  }
0x5a: {  	s20 =	smov.u32 @p6 s19;
	s19 =	sshll.u32 @p1 s18, $0x7;
	_ =	strace @!p2 $0x9000004D  }
0x5b: {  	s16 =	sadd.s32 @p1 $0x1, s18;
	s18 =	simm.s32 @p1 $0x0;
	_ =	strace @p1 $0x80000049  }
0x5c: {  	[tilespmem:s19], [sflag:s16] =	stream.linear.gather @p1 [hbm4b:s17+s18], $0x80, $0x200038;
	[tilespmem:$0x8100] =	vst v63  }
0x5d: {  	s26 =	sand.u32 $0x1, s20;
	_ =	strace @p1 $0x90000049  }
0x5e: {  	s16 =	sadd.s32 $0x1, s26;
	_ =	strace $0x8000004A  }
0x5f: {  	_ =	swait.ge [sflag:s16], $0x80  }
0x60: {  	[sflag:s16] =	ssyncset.done $0x0  }
0x61: {  	s15 =	sadd.s32 @p6 s25, s15;
	[sflag:s16] =	ssyncadd.s32 $0xFFFFFF80;
	s16 =	simm.s32 $0x0  }
0x62: {  	_ =	strace $0x9000004A;
	s16 =	smov.u32 @p6 s15  }
0x63: {  	_ =	strace $0x8000004B;
	s16 =	sand.u32 $0x1, s16  }
0x64: {  	s30 =	sshll.u32 s20, $0x7;
	s28 =	rddreg [dreg:$0x3];
	s31 =	sshll.u32 s16, $0xE  }
0x65: {  	s18 =	sand.u32 $0x80, s30;
	s29 =	rddreg [dreg:$0x2];
	s19 =	sor.u32 $0x100, s31  }
0x66: {  	[tilespmem:s19], [sflag:$0x5] =	stream.indirect.gather [hbm4b:s29+s28], $0x80, s18, s28, $0x2000b8;
	[tilespmem:$0x8100] =	vst v63  }
0x67: {  	_ =	swait.ge [sflag:s10], $0x4000  }
0x68: {  	p3 =	por p3, p3;
	[sflag:s10] =	ssyncset.done $0x0  }
0x69: {  	p5 =	seq.s32 s7, s12;
	s13 =	sadd.s32 s3, s13;
	[sflag:s10] =	ssyncadd.s32 $0xFFFFC000  }
0x6a: {  	s14 =	sadd.s32 @p6 s23, s14;
	p1 =	por p5, p3;
	_ =	strace $0x9000004B  }
0x6b: {  	s17 =	simm.s32 $0x0;
	s13 =	sshll.u32 @p1 s13, $0xB;
	_ =	strace @p1 $0x8000004C  }
0x6c: {  	s17 =	smov.u32 @p6 s14;
	s13 =	sand.u32 @p1 $0x1FFFF800, s13;
	s15 =	rddreg [dreg:$0x4]  }
0x6d: {  	s14 =	sadd.s32 @p1 $0x3, s16;
	s13 =	sadd.s32 @p1 s15, s13;
	s15 =	simm.s32 @p1 $0x0  }
0x6e: {  	[hbm4b:s13+s15] =	stream.linear.scatter @p1 [tilespmem:s19], [sflag:s14], $0x4000, $0x200038;
	[tilespmem:$0x8100] =	vst v63  }
0x6f: {  	p0 =	por p4, p4;
	s13 =	sand.u32 @!p4 $0x1, s17;
	_ =	strace @p1 $0x9000004C  }
0x70: {  	s13 =	sadd.s32 @!p0 $0x3, s13;
	_ =	strace @!p0 $0x8000004D  }
0x71: {  	p1 =	sne.s32 s12, $0x0;
	s12 =	simm.s32 $0x1;
	_ =	swait.ge @!p0 [sflag:s13], $0x4000  }
0x72: {  	s12 =	simm.s32 @!p1 $0x0;
	[sflag:s13] =	ssyncset.done @!p0 $0x0  }
0x73: {  	s11 =	sadd.s32 $0x1, s11;
	s12 =	sadd.s32 s12, s17;
	[sflag:s13] =	ssyncadd.s32 @!p0 $0xFFFFC000  }
0x74: {  	s12 =	sand.u32 $0x1, s12;
	_ =	strace @!p0 $0x9000004D;
	p0 =	sne.s32 s11, s8  }
.Ltmp3:
0x75: {  	s12 =	sadd.s32 $0x3, s12;
	_ =	strace $0x8000004E;
	(pc) =	sbr.rel @p0 .LBB2_1-.Ltmp3, $4  }
.Ltmp4:
0x76: {  	_ =	swait.ge [sflag:s12], $0x4000;
	(pc) =	sbr.rel @!p0 .LBB2_8-.Ltmp4, $4  }
0x77: {  	[sflag:s12] =	ssyncset.done $0x0  }
0x78: {  	[sflag:s12] =	ssyncadd.s32 $0xFFFFC000  }
0x79: {  	_ =	strace $0x9000004E  }
0x7a: {  	_ = 	snop  }
.LBB2_2:
.Ltmp5:
0x7b: {  	(pc) =	sbr.rel .LBB2_7-.Ltmp5, $4  }
0x7c: {  	_ = 	snop  }
0x7d: {  	s14 =	simm.s32 $0x0  }
0x7e: {  	s12 =	simm.s32 $0x0;
	s15 =	simm.s32 $0x0;
	s17 =	smov.u32 s13  }
0x7f: {  	s20 =	simm.s32 $0x0;
	s18 =	simm.s32 $0x1;
	s13 =	simm.s32 $0x0  }
.LBB2_4:
.Ltmp6:
0x80: {  	(pc) =	sbr.rel .LBB2_7-.Ltmp6, $3  }
0x81: {  	_ =	sdelay $0x1  }
0x82: {  	s14 =	simm.s32 $0x0  }
0x83: {  	s15 =	simm.s32 $0x0;
	s20 =	simm.s32 $0x0;
	p6 =	por $0x1, $0x1  }
.LBB2_8:
0x84: {  	_ =	sfence.sel $0x180000  }
0x85: {  	[bflag:$0x0] =	sbarrier.arrive $0xFFFF  }
0x86: {  	p0 =	sne.s32 s1, $0x0;
	_ =	strace $0x90000047  }
0x87: {  	s0 =	sadd.s32 @!p0 $0x100000, s0;
	[bflag:$0x2] =	sbarrier.arrive $0xFFFF  }
0x88: {  	[sflag:s0] =	ssyncadd.tile.s32 @!p0 $0x1;
	_ =	shalt  }
.Lfunc_end2:
_tile_overlayer_lowered:
.L_overlay_start_2:
0x89: {  	(tag) =	ssettag $0x2  }
0x8a: {  	s0 =	rddreg [dreg:$0x0];
	s2 =	stileid.u32  }
0x8b: {  	s1 =	rddreg [dreg:$0x1];
	p0 =	sne.s32 s2, $0x0  }
0x8c: {  	s3 =	rddreg [dreg:$0x2];
	[bflag:$0x3] =	sbarrier.arrive $0xFFFF;
	s2 =	simm.s32 @!p0 $0x1C01  }
0x8d: {  	[timem:s3], [sflag:s2] =	dma.local @!p0 [hbm:s0], s1  }
0x8e: {  	s0 =	simm.s32 @!p0 $0x1  }
0x8f: {  	_ =	swait.ge @!p0 [sflag:s0], s1  }
0x90: {  	s1 =	ssub.s32 @!p0 $0x0, s1;
	[sflag:s0] =	ssyncset.done @!p0 $0x0  }
0x91: {  	[sflag:s0] =	ssyncadd.s32 @!p0 s1  }
0x92: {  	[bflag:$0x3] =	sbarrier.arrive $0xFFFF  }
0x93: {  	_ =	shalt  }

// kernel: kernel.13.cloned.1.call-start
scs
__scs_entry_jumppad:
0x0: {  	(pc) =	sbr.rel $0x88, $3  }
0x1: {  	(tag) =	ssettag $0x0;
	lr =	simm.s32 $0x1  }
0x2: {  	[smem:$0x3F85] =	sst lr;
	_ =	strace $0xD0000000  }
0x3: {  	_ = 	snop  }
0x4: {  	_ = 	snop  }
0x5: {  	_ = 	snop  }
0x6: {  	_ = 	snop  }
0x7: {  	_ = 	snop  }
__scs_overlays_trampoline_lowered:
0x8: {  	[smem:$0x3F94] =	sst s0  }
0x9: {  	[smem:$0x3F95] =	sst s1  }
0xa: {  	[smem:$0x3F96] =	sst s2  }
0xb: {  	[smem:$0x3F97] =	sst s3  }
0xc: {  	[smem:$0x3F98] =	sst s4  }
0xd: {  	[smem:$0x3F99] =	sst s5  }
0xe: {  	[smem:$0x3F9A] =	sst s6  }
0xf: {  	[smem:$0x3F9B] =	sst s7  }
0x10: {  	[smem:$0x3F9C] =	sst s8  }
0x11: {  	[smem:$0x3F9D] =	sst s9;
	s0 =	simm.s32 @!p0 $0x0  }
0x12: {  	s1 =	sld [smem:$0x3F83];
	s0 =	simm.s32 @p0 $0x1  }
0x13: {  	[smem:$0x3F9E] =	sst s0;
	s0 =	simm.s32 @!p1 $0x0  }
0x14: {  	s2 =	sld [smem:$0x3F82];
	s0 =	simm.s32 @p1 $0x1  }
0x15: {  	[smem:$0x3F9F] =	sst s0;
	s0 =	simm.s32 @!p2 $0x0  }
0x16: {  	s3 =	sld [smem:$0x3FDB];
	s0 =	simm.s32 @p2 $0x1  }
0x17: {  	s4 =	simm.s32 $0x1BF5;
	[smem:$0x3FA1] =	sst s0  }
0x18: {  	s0 =	sld [smem:$0x3F84];
	_ =	swait.ge [sflag:s4], $0x0  }
0x19: {  	s7 =	sld [smem:$0x3F85]  }
0x1a: {  	s8 =	sadd.s32 $0xFFFFE003, lr  }
0x1b: {  	s9 =	sadd.s32 $0xFFFFFEF7, lr;
	s5 =	simm.s32 $0xFFFFFFFF;
	p2 =	slt.u32 s8, $0xFFFFF086  }
0x1c: {  	p1 =	slt.u32 s9, $0xF7A;
	s5 =	simm.s32 @!p2 $0x0  }
0x1d: {  	s5 =	simm.s32 @p1 $0x1;
	p0 =	seq.s32 s7, s2  }
0x1e: {  	s7 =	smul.u32 @!p0 $0xF7A, s2;
	p2 =	seq.s32 @!p0 s5, $0x0  }
0x1f: {  	s9 =	smul.u32 $0xF7A, s1;
	s8 =	simm.s32 @!p0 $0x1BF5;
	p2 =	por !p2, p0  }
0x20: {  	[sflag:s8] =	ssyncset.s32 @!p0 $0xFFFFF086;
	s6 =	sadd.s32 @!p0 s3, s7;
	s7 =	simm.s32 @!p0 $0x108  }
0x21: {  	s3 =	sadd.s32 s3, s9;
	s6 =	sadd.s32 @!p0 $0x88, s6;
	s7 =	simm.s32 @p2 $0x1082  }
0x22: {  	[simem:s7], [sflag:s8] =	dma.local @!p0 [hbm:s6], $0xF7A  }
0x23: {  	s9 =	sor.u32 $0xD0000000, s2;
	s6 =	simm.s32 $0x108;
	_ =	swait.ge @!p0 [sflag:s8], $0x0  }
0x24: {  	s3 =	sadd.s32 $0x88, s3;
	s6 =	simm.s32 @!p1 $0x1082;
	[sflag:s4] =	ssyncset.s32 $0xFFFFF086  }
0x25: {  	[simem:s6], [sflag:s4] =	dma.local [hbm:s3], $0xF7A  }
0x26: {  	[smem:$0x3F85] =	sst s1;
	(tag) =	ssettag s2;
	_ =	strace s9  }
0x27: {  	s1 =	sld [smem:$0x3F95]  }
0x28: {  	s2 =	sld [smem:$0x3F96]  }
0x29: {  	s4 =	sld [smem:$0x3F98]  }
0x2a: {  	p0 =	seq.s32 s5, $0x0;
	s5 =	sld [smem:$0x3F99]  }
0x2b: {  	s6 =	sld [smem:$0x3F9A]  }
0x2c: {  	s7 =	sld [smem:$0x3F9B]  }
0x2d: {  	s3 =	simm.s32 $0x108;
	s8 =	sld [smem:$0x3F9C]  }
0x2e: {  	s3 =	simm.s32 @!p0 $0x1082;
	s9 =	sld [smem:$0x3F9D]  }
0x2f: {  	lr =	sadd.s32 s0, s3;
	s0 =	sld [smem:$0x3F94]  }
0x30: {  	s3 =	sld [smem:$0x3F97]  }
0x31: {  	[smem:$0x3FA0] =	sst s10  }
0x32: {  	s10 =	sld [smem:$0x3F9E];
	_ =	sdelay $0x3  }
0x33: {  	p0 =	seq.s32 s10, $0x1;
	s10 =	sld [smem:$0x3FA0];
	_ =	sdelay $0x3  }
0x34: {  	[smem:$0x3FA0] =	sst s10  }
0x35: {  	s10 =	sld [smem:$0x3F9F];
	_ =	sdelay $0x3  }
0x36: {  	p1 =	seq.s32 s10, $0x1;
	s10 =	sld [smem:$0x3FA0];
	_ =	sdelay $0x3  }
0x37: {  	[smem:$0x3FA0] =	sst s10  }
0x38: {  	s10 =	sld [smem:$0x3FA1]  }
0x39: {  	_ = 	snop;
	(pc) =	sbr.ind lr, $3  }
0x3a: {  	_ = 	snop  }
0x3b: {  	_ = 	snop  }
0x3c: {  	p2 =	seq.s32 s10, $0x1;
	s10 =	sld [smem:$0x3FA0]  }
0x3d: {  	_ =	shalt  }
0x3e: {  	_ =	shalt  }
0x3f: {  	_ =	shalt  }
0x40: {  	_ =	shalt  }
0x41: {  	_ =	shalt  }
0x42: {  	_ =	shalt  }
0x43: {  	_ =	shalt  }
0x44: {  	_ =	shalt  }
0x45: {  	_ =	shalt  }
0x46: {  	_ =	shalt  }
0x47: {  	_ =	shalt  }
0x48: {  	_ =	shalt  }
0x49: {  	_ =	shalt  }
0x4a: {  	_ =	shalt  }
0x4b: {  	_ =	shalt  }
0x4c: {  	_ =	shalt  }
0x4d: {  	_ =	shalt  }
0x4e: {  	_ =	shalt  }
0x4f: {  	_ =	shalt  }
0x50: {  	_ =	shalt  }
0x51: {  	_ =	shalt  }
0x52: {  	_ =	shalt  }
0x53: {  	_ =	shalt  }
0x54: {  	_ =	shalt  }
0x55: {  	_ =	shalt  }
0x56: {  	_ =	shalt  }
0x57: {  	_ =	shalt  }
0x58: {  	_ =	shalt  }
0x59: {  	_ =	shalt  }
0x5a: {  	_ =	shalt  }
0x5b: {  	_ =	shalt  }
0x5c: {  	_ =	shalt  }
0x5d: {  	_ =	shalt  }
0x5e: {  	_ =	shalt  }
0x5f: {  	_ =	shalt  }
0x60: {  	_ =	shalt  }
0x61: {  	_ =	shalt  }
0x62: {  	_ =	shalt  }
0x63: {  	_ =	shalt  }
0x64: {  	_ =	shalt  }
0x65: {  	_ =	shalt  }
0x66: {  	_ =	shalt  }
0x67: {  	_ =	shalt  }
0x68: {  	_ =	shalt  }
0x69: {  	_ =	shalt  }
0x6a: {  	_ =	shalt  }
0x6b: {  	_ =	shalt  }
0x6c: {  	_ =	shalt  }
0x6d: {  	_ =	shalt  }
0x6e: {  	_ =	shalt  }
0x6f: {  	_ =	shalt  }
0x70: {  	_ =	shalt  }
0x71: {  	_ =	shalt  }
0x72: {  	_ =	shalt  }
0x73: {  	_ =	shalt  }
0x74: {  	_ =	shalt  }
0x75: {  	_ =	shalt  }
0x76: {  	_ =	shalt  }
0x77: {  	_ =	shalt  }
0x78: {  	_ =	shalt  }
0x79: {  	_ =	shalt  }
0x7a: {  	_ =	shalt  }
0x7b: {  	_ =	shalt  }
0x7c: {  	_ =	shalt  }
0x7d: {  	_ =	shalt  }
0x7e: {  	_ =	shalt  }
0x7f: {  	_ =	shalt  }
0x80: {  	_ =	shalt  }
0x81: {  	_ =	shalt  }
0x82: {  	_ =	shalt  }
0x83: {  	_ =	shalt  }
0x84: {  	_ =	shalt  }
0x85: {  	_ =	shalt  }
0x86: {  	_ =	shalt  }
0x87: {  	_ =	shalt  }
.Lfunc_end0:
.L_simem_size_0:
called_computation.1_lowered:
.L_overlay_start_0:
0x88: {  	s2 =	sld [smem:$0x3FD9]  }
0x89: {  	s3 =	sld [smem:$0x3FFE];
	_ =	sdelay $0x1  }
0x8a: {  	s1 =	srdreg.scid  }
0x8b: {  	s0 =	sand.u32 $0x1, s1  }
0x8c: {  	s16 =	sshll.u32 s0, $0xA;
	s2 =	sadd.s32 s3, s2  }
0x8d: {  	s2 =	sadd.s32 s2, s16  }
0x8e: {  	[smem:$0x3FAC] =	sst s2  }
0x8f: {  	_ = 	snop  }
0x90: {  	(tm) =	ssettm $0x1  }
0x91: {  	s17 =	sld [smem:$0x3FFB];
	_ =	sdelay $0x3  }
0x92: {  	_ =	strace s17  }
0x93: {  	s2 =	sld [smem:$0x3FFC];
	_ =	sdelay $0x3  }
0x94: {  	_ =	strace s2  }
0x95: {  	s2 =	sld [smem:$0x3FFD];
	_ =	sdelay $0x3  }
0x96: {  	_ =	strace s2  }
0x97: {  	_ =	strace $0x8FFFFFFF  }
0x98: {  	s18 =	sld [smem:$0x3FDB];
	_ =	sdelay $0x1  }
0x99: {  	s19 =	simm.s32 $_scs_section_size  }
0x9a: {  	s4 =	simm.s32 $_size__tile_overlayer_lowered;
	s5 =	simm.s32 $_tile_overlayer_lowered  }
0x9b: {  	s22 =	simm.s32 $0x1BFF;
	s21 =	sshll.u32 s5, $0x1;
	s2 =	sadd.s32 s19, s18  }
0x9c: {  	s6 =	simm.s32 $0x0;
	s20 =	sshll.u32 s4, $0x1;
	s4 =	sadd.s32 s21, s2  }
0x9d: {  	[timem:s6], [sflag:s22] =	dma.local [hbm:s4], s20  }
0x9e: {  	_ =	swait.ge [sflag:s22], s20  }
0x9f: {  	s3 =	ssub.s32 $0x0, s20;
	[sflag:s22] =	ssyncset.done $0x0  }
0xa0: {  	[sflag:s22] =	ssyncadd.s32 s3;
	_ =	sdelay $0x1  }
0xa1: {  	s23 =	simm.s32 $0x1B8B  }
0xa2: {  	_ =	swait.ge [sflag:s23], $0x1  }
0xa3: {  	[sflag:s23] =	ssyncset.done $0x0  }
0xa4: {  	s25 =	simm.s32 $0x1B8E;
	s24 =	sld [smem:$0x3FFE];
	[sflag:s23] =	ssyncadd.s32 $0xFFFFFFFF  }
0xa5: {  	s26 =	simm.s32 $execute0_lowered;
	[smem:$0x3FD2] =	sst s25  }
0xa6: {  	s4 =	sshll.u32 s26, $0x1;
	_ =	strace $0x80000050;
	[dreg:$0x1] =	wrdreg $0xFFFFFFFF  }
0xa7: {  	s28 =	simm.s32 $_size_execute0_lowered;
	s2 =	sadd.s32 s2, s4;
	[dreg:$0x0] =	wrdreg $0x0  }
0xa8: {  	s4 =	sshll.u32 s28, $0x1;
	[dreg:$0x2] =	wrdreg s2  }
0xa9: {  	[dreg:$0x3] =	wrdreg s4  }
0xaa: {  	[dreg:$0x4] =	wrdreg $0xC0  }
0xab: {  	_ =	task [dreg:s6], $0x5FFFF  }
0xac: {  	[dreg:$0x1] =	wrdreg $0xFFFFFFFF  }
0xad: {  	[dreg:$0x0] =	wrdreg $0x60  }
0xae: {  	[dreg:$0x2] =	wrdreg s24  }
0xaf: {  	[dreg:$0x3] =	wrdreg $0x9  }
0xb0: {  	_ =	task.clear_ibuf [dreg:s6], $0x4FFFF;
	_ =	strace $0x90000050  }
0xb1: {  	s29 =	simm.s32 $0x9;
	_ =	strace $0x80000059  }
0xb2: {  	_ =	swait.ge [sflag:s29], $0x1  }
0xb3: {  	[sflag:s29] =	ssyncadd.s32 $0xFFFFFFFF  }
0xb4: {  	_ =	strace $0x90000059  }
0xb5: {  	_ =	sfence  }
0xb6: {  	s30 =	sld [smem:$0x0];
	_ =	sdelay $0x2  }
0xb7: {  	s31 =	sshll.u32 s1, $0xD;
	s1 =	sshrl.u32 s1, $0x2  }
0xb8: {  	s3 =	sand.u32 $0x4000, s31;
	s1 =	sadd.s32 s1, s30  }
0xb9: {  	s0 =	sor.u32 s3, s0;
	s1 =	sshll.u32 s1, $0x11  }
0xba: {  	s0 =	sor.u32 s1, s0  }
0xbb: {  	s0 =	sadd.s32 $0x8F2B, s0  }
0xbc: {  	[sflag:s0] =	ssyncadd.remote.s32 $0x1  }
0xbd: {  	_ =	sfence.sel $0xFFFF  }
0xbe: {  	[dreg:$0x0] =	wrdreg $0xFFFFFFFF;
	(pc) =	sbr.abs _section_cstart, $3  }
0xbf: {  	[dreg:$0x1] =	wrdreg $0xFFFFFFFF  }
0xc0: {  	_ =	task.clear_ibuf [dreg:s6], $0x2FFFF;
	_ =	strace $0x9FFFFFFF  }
0xc1: {  	(tm) =	ssettm $0x7FFFFFFF  }
tec
execute0_lowered:
.L_overlay_start_1:
0x0: {  	(tag) =	ssettag $0x1  }
0x1: {  	s5 =	rddreg [dreg:$0x0];
	s1 =	srdreg.scid  }
0x2: {  	s0 =	rddreg [dreg:$0x1];
	s6 =	sand.u32 $0x1, s1  }
0x3: {  	s2 =	simm.s32 $0x0;
	s1 =	stileid.u32;
	s3 =	sshll.u32 s6, $0x4  }
0x4: {  	s10 =	simm.s32 $0x5;
	s11 =	simm.s32 $0x0;
	s4 =	sor.u32 s1, s3  }
0x5: {  	[smem:$0x7FF] =	sst s2;
	s9 =	sadd.s32 $0xB00A00, s5;
	s7 =	smul.u32 $0x27, s4  }
0x6: {  	_ =	strace $0x80000051;
	[dreg:$0x2] =	wrdreg s9;
	s8 =	smul.u32 $0x28, s4  }
0x7: {  	s30 =	ssub.s32 $0x2, s6;
	p0 =	slt.u32 s4, $0x2;
	s4 =	sadd.s32 $0x2, s7  }
0x8: {  	s6 =	simm.s32 $0x28;
	s3 =	sadd.s32 $0x2DA400, s5;
	s4 =	smov.u32 @p0 s8  }
0x9: {  	v2 =	vlaneseq.u32;
	s5 =	sadd.s32 $0x4400, s5;
	s31 =	sshrl.u32 s30, $0x1;
	s8 =	sshll.u32 s4, $0x4  }
0xa: {  	vm0 =	vmmov $0xffff;
	v1 =	vshrl.u32 v2, $0x3;
	s9 =	ssub.s32 s30, s31;
	s6 =	simm.s32 @!p0 $0x27;
	s8 =	sand.u32 $0x1FFFFFF0, s8  }
0xb: {  	v0 =	vand.u32 $0x7, v2;
	v2 =	vor.u32 $0x8, v2;
	v1 =	vmul.u32 $0x8, v1;
	s9 =	smax.u32 s9, $0x1;
	s7 =	sadd.s32 s5, s8;
	s8 =	sadd.s32 $0xFFFFFFFF, s6  }
.LBB2_1:
0xc: {  	_ =	strace $0x80000052;
	s13 =	simm.s32 $0x0  }
0xd: {  	s12 =	simm.s32 $0x0;
	s14 =	simm.s32 $0x0;
	s15 =	simm.s32 $0x0  }
0xe: {  	[tilespmem:s2], [sflag:$0x1] =	stream.linear.gather [hbm4b:s7+s2], $0x80, $0x200038;
	[tilespmem:$0x10100] =	vst v63  }
0xf: {  	s16 =	simm.s32 $0x1;
	s17 =	simm.s32 $0x0;
	_ =	strace $0x90000052  }
.LBB2_2:
0x10: {  	s18 =	smov.u32 s13;
	s13 =	sadd.s32 $0x1, s13  }
0x11: {  	p0 =	seq.s32 s13, s6  }
0x12: {  	s13 =	simm.s32 @p0 $0x0  }
0x13: {  	p6 =	slt.u32 s17, s8;
	p1 =	sne.s32 s18, s13  }
0x14: {  	p0 =	por !p6, !p1  }
0x15: {  	p0 =	por !p0, !p0  }
0x16: {  	s19 =	sadd.s32 @p0 s4, s13  }
0x17: {  	s20 =	sand.u32 @p0 $0x1, s16;
	s19 =	sshll.u32 @p0 s19, $0x4  }
0x18: {  	_ =	strace @p0 $0x80000053;
	s22 =	simm.s32 @p0 $0x0;
	s19 =	sand.u32 @p0 $0x1FFFFFF0, s19  }
0x19: {  	s21 =	sshll.u32 @p0 s20, $0x7;
	s20 =	sadd.s32 @p0 $0x1, s20;
	s19 =	sadd.s32 @p0 s5, s19  }
0x1a: {  	[tilespmem:s21], [sflag:s20] =	stream.linear.gather @p0 [hbm4b:s19+s22], $0x80, $0x200038;
	[tilespmem:$0x10100] =	vst v63  }
0x1b: {  	s23 =	sand.u32 $0x1, s15;
	_ =	strace @p0 $0x90000053  }
0x1c: {  	s19 =	sadd.s32 $0x1, s23;
	_ =	strace $0x80000054  }
0x1d: {  	_ =	swait.ge [sflag:s19], $0x80  }
0x1e: {  	[sflag:s19] =	ssyncset.done $0x0  }
0x1f: {  	[sflag:s19] =	ssyncadd.s32 $0xFFFFFF80  }
0x20: {  	s24 =	sshll.u32 s15, $0x7;
	_ =	strace $0x90000054  }
0x21: {  	s22 =	sand.u32 $0x80, s24;
	_ =	strace $0x80000055  }
0x22: {  	v3 =	vld [tilespmem:s22+$0x0];
	_ =	sdelay $0x4  }
0x23: {  	v4 =	vshll.u32 v3, $0x1  }
0x24: {  	v3 =	vand.u32 $0x7, v3;
	v4 =	vand.u32 $0xFFFFFFF0, v4  }
0x25: {  	v3 =	vor.u32 v3, v4  }
0x26: {  	v4 =	vperm.xlane v3, v0;
	_ =	sdelay $0x1  }
0x27: {  	v3 =	vperm.xlane v3, v2;
	v4 =	vadd.s32 v1, v4;
	_ =	sdelay $0x1  }
0x28: {  	s19 =	sand.u32 $0x1, s14;
	v3 =	vadd.s32 v1, v3  }
0x29: {  	s21 =	sshll.u32 s19, $0xF  }
0x2a: {  	s20 =	sor.u32 $0x100, s21  }
0x2b: {  	[tilespmem:s20], [sflag:$0x5] =	stream.indirect_vreg.gather [hbm4b:s3+s2], $0x80, v4, vm0, $0x2000b8;
	[tilespmem:$0x10100] =	vst v63  }
0x2c: {  	s23 =	sor.u32 $0x900, s21  }
0x2d: {  	[tilespmem:s23], [sflag:$0x5] =	stream.indirect_vreg.gather [hbm4b:s3+s2], $0x80, v3, vm0, $0x2000b8;
	[tilespmem:$0x10100] =	vst v63  }
0x2e: {  	v3 =	vld [tilespmem:s22+$0x10];
	_ =	sdelay $0x4  }
0x2f: {  	v57 =	vshll.u32 v3, $0x1  }
0x30: {  	v3 =	vand.u32 $0x7, v3;
	v4 =	vand.u32 $0xFFFFFFF0, v57  }
0x31: {  	v3 =	vor.u32 v3, v4  }
0x32: {  	v4 =	vperm.xlane v3, v0;
	_ =	sdelay $0x1  }
0x33: {  	v3 =	vperm.xlane v3, v2;
	v4 =	vadd.s32 v1, v4;
	_ =	sdelay $0x1  }
0x34: {  	v3 =	vadd.s32 v1, v3;
	_ =	sdelay $0x1  }
0x35: {  	s25 =	sor.u32 $0x1100, s21  }
0x36: {  	[tilespmem:s25], [sflag:$0x5] =	stream.indirect_vreg.gather [hbm4b:s3+s2], $0x80, v4, vm0, $0x2000b8;
	[tilespmem:$0x10100] =	vst v63  }
0x37: {  	s26 =	sor.u32 $0x1900, s21  }
0x38: {  	[tilespmem:s26], [sflag:$0x5] =	stream.indirect_vreg.gather [hbm4b:s3+s2], $0x80, v3, vm0, $0x2000b8;
	[tilespmem:$0x10100] =	vst v63  }
0x39: {  	v3 =	vld [tilespmem:s22+$0x20];
	_ =	sdelay $0x4  }
0x3a: {  	v58 =	vshll.u32 v3, $0x1  }
0x3b: {  	v3 =	vand.u32 $0x7, v3;
	v4 =	vand.u32 $0xFFFFFFF0, v58  }
0x3c: {  	v3 =	vor.u32 v3, v4  }
0x3d: {  	v4 =	vperm.xlane v3, v0;
	_ =	sdelay $0x1  }
0x3e: {  	v3 =	vperm.xlane v3, v2;
	v4 =	vadd.s32 v1, v4;
	_ =	sdelay $0x1  }
0x3f: {  	v3 =	vadd.s32 v1, v3;
	_ =	sdelay $0x1  }
0x40: {  	s28 =	sor.u32 $0x2100, s21  }
0x41: {  	[tilespmem:s28], [sflag:$0x5] =	stream.indirect_vreg.gather [hbm4b:s3+s2], $0x80, v4, vm0, $0x2000b8;
	[tilespmem:$0x10100] =	vst v63  }
0x42: {  	s29 =	sor.u32 $0x2900, s21  }
0x43: {  	[tilespmem:s29], [sflag:$0x5] =	stream.indirect_vreg.gather [hbm4b:s3+s2], $0x80, v3, vm0, $0x2000b8;
	[tilespmem:$0x10100] =	vst v63  }
0x44: {  	v3 =	vld [tilespmem:s22+$0x30];
	_ =	sdelay $0x4  }
0x45: {  	v59 =	vshll.u32 v3, $0x1  }
0x46: {  	v3 =	vand.u32 $0x7, v3;
	v4 =	vand.u32 $0xFFFFFFF0, v59  }
0x47: {  	v3 =	vor.u32 v3, v4  }
0x48: {  	v4 =	vperm.xlane v3, v0;
	_ =	sdelay $0x1  }
0x49: {  	v3 =	vperm.xlane v3, v2;
	v4 =	vadd.s32 v1, v4;
	_ =	sdelay $0x1  }
0x4a: {  	v3 =	vadd.s32 v1, v3;
	_ =	sdelay $0x1  }
0x4b: {  	s30 =	sor.u32 $0x3100, s21  }
0x4c: {  	[tilespmem:s30], [sflag:$0x5] =	stream.indirect_vreg.gather [hbm4b:s3+s2], $0x80, v4, vm0, $0x2000b8;
	[tilespmem:$0x10100] =	vst v63  }
0x4d: {  	s31 =	sor.u32 $0x3900, s21  }
0x4e: {  	[tilespmem:s31], [sflag:$0x5] =	stream.indirect_vreg.gather [hbm4b:s3+s2], $0x80, v3, vm0, $0x2000b8;
	[tilespmem:$0x10100] =	vst v63  }
0x4f: {  	v3 =	vld [tilespmem:s22+$0x40];
	_ =	sdelay $0x4  }
0x50: {  	v60 =	vshll.u32 v3, $0x1  }
0x51: {  	v3 =	vand.u32 $0x7, v3;
	v4 =	vand.u32 $0xFFFFFFF0, v60  }
0x52: {  	v3 =	vor.u32 v3, v4  }
0x53: {  	v4 =	vperm.xlane v3, v0;
	_ =	sdelay $0x1  }
0x54: {  	v3 =	vperm.xlane v3, v2;
	v4 =	vadd.s32 v1, v4;
	_ =	sdelay $0x1  }
0x55: {  	v3 =	vadd.s32 v1, v3;
	_ =	sdelay $0x1  }
0x56: {  	s24 =	sor.u32 $0x4100, s21  }
0x57: {  	[tilespmem:s24], [sflag:$0x5] =	stream.indirect_vreg.gather [hbm4b:s3+s2], $0x80, v4, vm0, $0x2000b8;
	[tilespmem:$0x10100] =	vst v63  }
0x58: {  	s25 =	sor.u32 $0x4900, s21  }
0x59: {  	[tilespmem:s25], [sflag:$0x5] =	stream.indirect_vreg.gather [hbm4b:s3+s2], $0x80, v3, vm0, $0x2000b8;
	[tilespmem:$0x10100] =	vst v63  }
0x5a: {  	v3 =	vld [tilespmem:s22+$0x50];
	_ =	sdelay $0x4  }
0x5b: {  	v61 =	vshll.u32 v3, $0x1  }
0x5c: {  	v3 =	vand.u32 $0x7, v3;
	v4 =	vand.u32 $0xFFFFFFF0, v61  }
0x5d: {  	v3 =	vor.u32 v3, v4  }
0x5e: {  	v4 =	vperm.xlane v3, v0;
	_ =	sdelay $0x1  }
0x5f: {  	v3 =	vperm.xlane v3, v2;
	v4 =	vadd.s32 v1, v4;
	_ =	sdelay $0x1  }
0x60: {  	v3 =	vadd.s32 v1, v3;
	_ =	sdelay $0x1  }
0x61: {  	s26 =	sor.u32 $0x5100, s21  }
0x62: {  	[tilespmem:s26], [sflag:$0x5] =	stream.indirect_vreg.gather [hbm4b:s3+s2], $0x80, v4, vm0, $0x2000b8;
	[tilespmem:$0x10100] =	vst v63  }
0x63: {  	s28 =	sor.u32 $0x5900, s21  }
0x64: {  	[tilespmem:s28], [sflag:$0x5] =	stream.indirect_vreg.gather [hbm4b:s3+s2], $0x80, v3, vm0, $0x2000b8;
	[tilespmem:$0x10100] =	vst v63  }
0x65: {  	v3 =	vld [tilespmem:s22+$0x60];
	_ =	sdelay $0x4  }
0x66: {  	v62 =	vshll.u32 v3, $0x1  }
0x67: {  	v3 =	vand.u32 $0x7, v3;
	v4 =	vand.u32 $0xFFFFFFF0, v62  }
0x68: {  	v3 =	vor.u32 v3, v4  }
0x69: {  	v4 =	vperm.xlane v3, v0;
	_ =	sdelay $0x1  }
0x6a: {  	v3 =	vperm.xlane v3, v2;
	v4 =	vadd.s32 v1, v4;
	_ =	sdelay $0x1  }
0x6b: {  	v3 =	vadd.s32 v1, v3;
	_ =	sdelay $0x1  }
0x6c: {  	s29 =	sor.u32 $0x6100, s21  }
0x6d: {  	[tilespmem:s29], [sflag:$0x5] =	stream.indirect_vreg.gather [hbm4b:s3+s2], $0x80, v4, vm0, $0x2000b8;
	[tilespmem:$0x10100] =	vst v63  }
0x6e: {  	s30 =	sor.u32 $0x6900, s21  }
0x6f: {  	[tilespmem:s30], [sflag:$0x5] =	stream.indirect_vreg.gather [hbm4b:s3+s2], $0x80, v3, vm0, $0x2000b8;
	[tilespmem:$0x10100] =	vst v63  }
0x70: {  	v3 =	vld [tilespmem:s22+$0x70];
	_ =	sdelay $0x4  }
0x71: {  	v63 =	vshll.u32 v3, $0x1  }
0x72: {  	v3 =	vand.u32 $0x7, v3;
	v4 =	vand.u32 $0xFFFFFFF0, v63  }
0x73: {  	v3 =	vor.u32 v3, v4  }
0x74: {  	v4 =	vperm.xlane v3, v0;
	_ =	sdelay $0x1  }
0x75: {  	v3 =	vperm.xlane v3, v2;
	v4 =	vadd.s32 v1, v4;
	_ =	sdelay $0x1  }
0x76: {  	v3 =	vadd.s32 v1, v3;
	_ =	sdelay $0x1  }
0x77: {  	s31 =	sor.u32 $0x7100, s21  }
0x78: {  	[tilespmem:s31], [sflag:$0x5] =	stream.indirect_vreg.gather [hbm4b:s3+s2], $0x80, v4, vm0, $0x2000b8;
	[tilespmem:$0x10100] =	vst v63  }
0x79: {  	s21 =	sor.u32 $0x7900, s21  }
0x7a: {  	[tilespmem:s21], [sflag:$0x5] =	stream.indirect_vreg.gather [hbm4b:s3+s2], $0x80, v3, vm0, $0x2000b8;
	[tilespmem:$0x10100] =	vst v63  }
0x7b: {  	_ =	swait.ge [sflag:s10], $0x8000  }
0x7c: {  	p2 =	seq.s32 s8, s17;
	[sflag:s10] =	ssyncset.done $0x0  }
0x7d: {  	s18 =	sadd.s32 s4, s18;
	p1 =	por p2, p1;
	[sflag:s10] =	ssyncadd.s32 $0xFFFF8000  }
0x7e: {  	s18 =	sshll.u32 @p1 s18, $0xC;
	_ =	strace $0x90000055  }
0x7f: {  	s18 =	sand.u32 @p1 $0x1FFFF000, s18;
	s22 =	simm.s32 $0x1;
	_ =	strace @p1 $0x80000056  }
0x80: {  	s19 =	sadd.s32 @p1 $0x3, s19;
	s22 =	simm.s32 @!p0 $0x0;
	s21 =	rddreg [dreg:$0x2]  }
0x81: {  	p0 =	seq.s32 s17, $0x0;
	s18 =	sadd.s32 @p1 s21, s18;
	s21 =	simm.s32 @p1 $0x0  }
0x82: {  	[hbm4b:s18+s21] =	stream.linear.scatter @p1 [tilespmem:s20], [sflag:s19], $0x8000, $0x200038;
	[tilespmem:$0x10100] =	vst v63  }
0x83: {  	s18 =	simm.s32 $0x1;
	s20 =	simm.s32 $0x1;
	_ =	strace @p1 $0x90000056  }
0x84: {  	s18 =	simm.s32 @!p1 $0x0;
	p1 =	sne.s32 s17, $0x0;
	s17 =	sadd.s32 $0x1, s17  }
0x85: {  	s19 =	sand.u32 @!p0 $0x1, s12;
	s20 =	simm.s32 @!p1 $0x0;
	p1 =	sne.s32 s6, s17  }
.Ltmp0:
0x86: {  	s19 =	sadd.s32 @!p0 $0x3, s19;
	_ =	strace @!p0 $0x80000057;
	(pc) =	sbr.rel @p1 .LBB2_2-.Ltmp0, $4  }
0x87: {  	_ =	swait.ge @!p0 [sflag:s19], $0x8000  }
0x88: {  	[sflag:s19] =	ssyncset.done @!p0 $0x0  }
0x89: {  	s16 =	sadd.s32 s22, s16;
	s14 =	sadd.s32 s18, s14;
	[sflag:s19] =	ssyncadd.s32 @!p0 $0xFFFF8000  }
0x8a: {  	s15 =	sadd.s32 s18, s15;
	s12 =	sadd.s32 s20, s12;
	_ =	strace @!p0 $0x90000057  }
0x8b: {  	s11 =	sadd.s32 $0x1, s11  }
0x8c: {  	s12 =	sand.u32 $0x1, s12;
	p0 =	sne.s32 s11, s9  }
.Ltmp1:
0x8d: {  	_ =	strace $0x80000058;
	s12 =	sadd.s32 $0x3, s12;
	(pc) =	sbr.rel @p0 .LBB2_1-.Ltmp1, $4  }
0x8e: {  	_ =	swait.ge [sflag:s12], $0x8000  }
0x8f: {  	[sflag:s12] =	ssyncset.done $0x0  }
0x90: {  	[sflag:s12] =	ssyncadd.s32 $0xFFFF8000  }
0x91: {  	_ =	strace $0x90000058  }
0x92: {  	_ =	sfence.sel $0x180000  }
0x93: {  	[bflag:$0x0] =	sbarrier.arrive $0xFFFF  }
0x94: {  	p0 =	sne.s32 s1, $0x0;
	_ =	strace $0x90000051  }
0x95: {  	s0 =	sadd.s32 @!p0 $0x100000, s0;
	[bflag:$0x2] =	sbarrier.arrive $0xFFFF  }
0x96: {  	[sflag:s0] =	ssyncadd.tile.s32 @!p0 $0x1;
	_ =	shalt  }
.Lfunc_end2:
_tile_overlayer_lowered:
.L_overlay_start_2:
0x97: {  	(tag) =	ssettag $0x2  }
0x98: {  	s0 =	rddreg [dreg:$0x0];
	s2 =	stileid.u32  }
0x99: {  	s1 =	rddreg [dreg:$0x1];
	p0 =	sne.s32 s2, $0x0  }
0x9a: {  	s3 =	rddreg [dreg:$0x2];
	[bflag:$0x3] =	sbarrier.arrive $0xFFFF;
	s2 =	simm.s32 @!p0 $0x1C01  }
0x9b: {  	[timem:s3], [sflag:s2] =	dma.local @!p0 [hbm:s0], s1  }
0x9c: {  	s0 =	simm.s32 @!p0 $0x1  }
0x9d: {  	_ =	swait.ge @!p0 [sflag:s0], s1  }
0x9e: {  	s1 =	ssub.s32 @!p0 $0x0, s1;
	[sflag:s0] =	ssyncset.done @!p0 $0x0  }
0x9f: {  	[sflag:s0] =	ssyncadd.s32 @!p0 s1  }
0xa0: {  	[bflag:$0x3] =	sbarrier.arrive $0xFFFF  }
0xa1: {  	_ =	shalt  }

</sc_bundles>
